<compile_context>
chip_gen: v7x
topology: tpu7x:2x2x1
jax: 0.10.2.dev20260603
libtpu: 0.0.44.dev20260713+nightly
codegen_flags: <defaults>
</compile_context>

<pallas_src>
import functools

import jax
import jax.numpy as jnp
from jax import lax
from jax.experimental import pallas as pl
from jax.experimental.pallas import tpu as pltpu
from jax.experimental.pallas import tpu_sc as plsc

B = 64
A = 8732
C = 81
R = 8
SCALE_XY = 10.0
SCALE_WH = 5.0
ALPHA = 0.25
_SHIFT = 12
_TBITS_HI = 0x7F800000 >> _SHIFT
_SEARCH_ITERS = 19

_LANES = 16
_FULL_GROUPS = A // _LANES
_TAIL_OFF = A - _LANES
_TAIL_SKIP = _FULL_GROUPS * _LANES - _TAIL_OFF
_LN2 = 0.6931471805599453


def _tc_body(plabel_ref, glabel_ref, out_ref, lp_ref):
    g = glabel_ref[...]
    mask = g > 0

    cls = jax.lax.broadcasted_iota(jnp.int32, (C, A), 0)
    ones_c = jnp.ones((1, C), jnp.float32)

    def csum(v):
        return jax.lax.dot_general(
            ones_c, v, (((1,), (0,)), ((), ())),
            preferred_element_type=jnp.float32)

    for r in range(R):
        x = plabel_ref[r]
        se = csum(jnp.exp(x))
        logit = csum(jnp.where(cls == g[r : r + 1, :], x, 0.0))
        lp_ref[r : r + 1, :] = logit - jnp.log(se)
    lp = lp_ref[...]

    pt = jnp.exp(lp)
    om = 1.0 - pt
    con = (-ALPHA) * om * om * lp

    pos_num = jnp.sum(mask.astype(jnp.int32), axis=1, keepdims=True)
    sum_pos = jnp.sum(jnp.where(mask, con, 0.0), axis=1, keepdims=True)
    con_neg = jnp.where(mask, 0.0, con)

    k = jnp.minimum(3 * pos_num, A)
    bits = jax.lax.bitcast_convert_type(con_neg, jnp.int32)
    tb = jax.lax.shift_right_logical(bits, _SHIFT)

    def bs(_, carry):
        lo, hi = carry
        mid = lo + (hi - lo) // 2
        cnt = jnp.sum((tb >= mid).astype(jnp.int32), axis=1, keepdims=True)
        ok = cnt >= k
        return (jnp.where(ok, mid, lo), jnp.where(ok, hi, mid))

    lo0 = jnp.zeros((R, 1), jnp.int32)
    hi0 = jnp.full((R, 1), _TBITS_HI, jnp.int32)
    lo, _ = jax.lax.fori_loop(0, _SEARCH_ITERS, bs, (lo0, hi0))
    gt = tb > lo
    eq = tb == lo
    cnt_gt = jnp.sum(gt.astype(jnp.int32), axis=1, keepdims=True)
    sum_gt = jnp.sum(jnp.where(gt, con_neg, 0.0), axis=1, keepdims=True)
    cnt_eq = jnp.sum(eq.astype(jnp.int32), axis=1, keepdims=True)
    sum_eq = jnp.sum(jnp.where(eq, con_neg, 0.0), axis=1, keepdims=True)
    need = (k - cnt_gt).astype(jnp.float32)
    bmean = sum_eq / jnp.maximum(cnt_eq.astype(jnp.float32), 1.0)
    topk = jnp.where(k > 0, sum_gt + need * bmean, 0.0)

    closs = sum_pos + topk
    pos_f = pos_num.astype(jnp.float32)

    lane = jax.lax.broadcasted_iota(jnp.int32, (R, 128), 1)
    out_ref[...] = jnp.where(lane < 1, closs, pos_f)


def _tc_call():
    return pl.pallas_call(
        _tc_body,
        grid=(B // R,),
        in_specs=[
            pl.BlockSpec((R, C, A), lambda i: (i, 0, 0)),
            pl.BlockSpec((R, A), lambda i: (i, 0)),
        ],
        out_specs=pl.BlockSpec((R, 128), lambda i: (i, 0)),
        out_shape=jax.ShapeDtypeStruct((B, 128), jnp.float32),
        scratch_shapes=[pltpu.VMEM((R, A), jnp.float32)],
        compiler_params=pltpu.CompilerParams(
            dimension_semantics=("arbitrary",),
            vmem_limit_bytes=100 * 1024 * 1024,
        ),
    )


def _ln16(v):
    b = jax.lax.bitcast_convert_type(v, jnp.int32)
    e = ((b >> 23) & 0xFF) - 127
    m = jax.lax.bitcast_convert_type(
        (b & 0x7FFFFF) | 0x3F800000, jnp.float32)
    s = (m - 1.0) / (m + 1.0)
    s2 = s * s
    at = s * (1.0 + s2 * (1.0 / 3.0 + s2 * (1.0 / 5.0 + s2 * (1.0 / 7.0))))
    return e.astype(jnp.float32) * _LN2 + 2.0 * at


def _sc_bbox_kernel():
    mesh = plsc.VectorSubcoreMesh(core_axis_name="c", subcore_axis_name="s")
    info = plsc.get_sparse_core_info()
    nc, ns = info.num_cores, info.num_subcores
    rows_per = B // (nc * ns)

    @functools.partial(
        pl.kernel, mesh=mesh,
        out_type=jax.ShapeDtypeStruct((B, _LANES), jnp.float32),
        scratch_types=[
            pltpu.VMEM((4, A), jnp.float32),
            pltpu.VMEM((4, A), jnp.float32),
            pltpu.VMEM((4, A), jnp.float32),
            pltpu.VMEM((A,), jnp.int32),
            pltpu.VMEM((_LANES,), jnp.float32),
        ],
    )
    def k(ploc_hbm, gloc_hbm, dbox_hbm, glab_hbm, out_hbm,
          p_v, g_v, d_v, lab_v, out_v):
        wid = lax.axis_index("s") * nc + lax.axis_index("c")
        base = wid * rows_per
        pltpu.sync_copy(dbox_hbm.at[0], d_v)
        for j in range(rows_per):
            row = base + j
            pltpu.sync_copy(ploc_hbm.at[row], p_v)
            pltpu.sync_copy(gloc_hbm.at[row], g_v)
            pltpu.sync_copy(glab_hbm.at[row], lab_v)

            def group(off, skip):
                sl = pl.ds(off, _LANES)
                p0 = p_v[0, sl]
                p1 = p_v[1, sl]
                p2 = p_v[2, sl]
                p3 = p_v[3, sl]
                q0 = g_v[0, sl]
                q1 = g_v[1, sl]
                q2 = g_v[2, sl]
                q3 = g_v[3, sl]
                d0 = d_v[0, sl]
                d1 = d_v[1, sl]
                d2 = d_v[2, sl]
                d3 = d_v[3, sl]
                lab = lab_v[sl]
                e0 = p0 - SCALE_XY * (q0 - d0) / d2
                e1 = p1 - SCALE_XY * (q1 - d1) / d3
                e2 = p2 - SCALE_WH * (_ln16(q2 + 1e-6) - _ln16(d2))
                e3 = p3 - SCALE_WH * (_ln16(q3 + 1e-6) - _ln16(d3))
                dd = e0 * e0 + e1 * e1 + e2 * e2 + e3 * e3
                valid = (lab > 0) & (lax.iota(jnp.int32, _LANES) >= skip)
                return jnp.where(valid, dd, 0.0)

            acc = lax.fori_loop(
                0, _FULL_GROUPS,
                lambda gi, a: a + group(gi * _LANES, 0),
                jnp.zeros((_LANES,), jnp.float32))
            out_v[...] = acc + group(_TAIL_OFF, _TAIL_SKIP)
            pltpu.sync_copy(out_v, out_hbm.at[row])

    return k


def kernel(ploc, plabel, gloc, glabel, dboxes):
    glab2 = glabel.astype(jnp.int32).reshape(B, A)
    tc = _tc_call()(plabel, glab2)
    b_loss16 = _sc_bbox_kernel()(ploc, gloc, dboxes, glab2)
    b_loss = b_loss16.sum(axis=1)
    closs = tc[:, 0]
    pos_f = tc[:, 1]
    pos_clip = jnp.maximum(pos_f, 1e-6)
    num_mask = (pos_f > 0).astype(jnp.float32)
    ret = jnp.mean((b_loss + closs) * num_mask / pos_clip)
    out_bbox = jnp.mean(b_loss / (pos_f + 1e-6))
    out_class = jnp.mean(closs / pos_clip)
    return (ret, out_bbox, out_class)

# --- scband reference (transcript-rebuilt; emitter-appended) ---
"""Pipeline reference for scband-loss-56822417326420 (READ-ONLY COPY).

The authoritative reference and input builder live on the scoring server;
editing this copy changes nothing except your own understanding.
"""

import jax, jax.numpy as jnp
import numpy as np

B = 64
A = 8732
C = 81
SCALE_XY = 10.0  # 1/0.1
SCALE_WH = 5.0   # 1/0.2


def setup_inputs(seed: int = 0) -> dict:
    key = jax.random.key(seed)
    k1, k2, k3, k4, k5 = jax.random.split(key, 5)
    ploc = jax.random.normal(k1, (B, 4, A), dtype=jnp.float32)
    plabel = jax.random.normal(k2, (B, C, A), dtype=jnp.float32)
    gloc = jax.random.uniform(k3, (B, 4, A), dtype=jnp.float32)
    glabel = jax.random.randint(k4, (B, A), 0, C).astype(jnp.int64)
    # default boxes parameter [1, 4, A], strictly positive wh
    dboxes = jax.random.uniform(k5, (1, 4, A), dtype=jnp.float32, minval=0.05, maxval=1.0)
    return {"ploc": ploc, "plabel": plabel, "gloc": gloc, "glabel": glabel, "dboxes": dboxes}


def _focal_loss(logits, targets, gamma=2.0, alpha=0.25):
    # logits: [B, C, A], targets: int [B, A] -> per-anchor loss [B, A]
    logp = jax.nn.log_softmax(logits, axis=1)
    logpt = jnp.take_along_axis(logp, targets[:, None, :], axis=1)[:, 0, :]
    pt = jnp.exp(logpt)
    return -alpha * (1.0 - pt) ** gamma * logpt


def reference(ploc, plabel, gloc, glabel, dboxes):
    mask = glabel > 0
    pos_num = mask.sum(axis=1)
    # _loc_vec
    gxy = SCALE_XY * (gloc[:, :2, :] - dboxes[:, :2, :]) / dboxes[:, 2:, :]
    gwh = SCALE_WH * jnp.log((gloc[:, 2:, :] + 1e-06) / dboxes[:, 2:, :])
    vec_gd = jnp.concatenate([gxy, gwh], axis=1)
    # L2 bbox loss, reduction='none', sum over coord dim
    b_loss = ((ploc - vec_gd) ** 2).sum(axis=1)
    b_loss = (mask.astype(jnp.float32) * b_loss).sum(axis=1)
    out_bbox_loss = (jax.lax.stop_gradient(b_loss) / (pos_num.astype(jnp.float32) + 1e-06)).mean()
    # confidence loss with hard negative mining
    con = _focal_loss(plabel, glabel)
    con_neg = jnp.where(mask, 0.0, con)
    con_idx = jnp.argsort(-con_neg, axis=1)   # descending sort indices
    con_rank = jnp.argsort(con_idx, axis=1)
    neg_num = jnp.minimum(3 * pos_num, A)[:, None]
    neg_mask = con_rank < neg_num
    closs = (con * (mask | neg_mask).astype(jnp.float32)).sum(axis=1)
    total_loss = b_loss + closs
    num_mask = (pos_num > 0).astype(jnp.float32)
    pos_f = jnp.clip(pos_num.astype(jnp.float32), 1e-06)
    ret = (total_loss * num_mask / pos_f).mean(axis=0)
    out_class_loss = (jax.lax.stop_gradient(closs) / pos_f).mean()
    return (ret, out_bbox_loss, out_class_loss)

if __name__ == "__main__":
    import jax
    _d = setup_inputs()
    print(jax.jit(kernel)(*tuple(_d.values())))

</pallas_src>

<mosaic_0001>
#map = affine_map<(d0, d1) -> (0, 0, 0)>
#map1 = affine_map<(d0, d1) -> (0, 0)>
module attributes {stable_mosaic.version = 14 : i64} {
  func.func @k(%arg0: i32, %arg1: i32, %arg2: memref<64x4x8732xf32, #tpu.memory_space<hbm>>, %arg3: memref<64x4x8732xf32, #tpu.memory_space<hbm>>, %arg4: memref<1x4x8732xf32, #tpu.memory_space<hbm>>, %arg5: memref<64x8732xi32, #tpu.memory_space<hbm>>, %arg6: memref<64x16xf32, #tpu.memory_space<hbm>>, %arg7: memref<4x8732xf32, #tpu.memory_space<vmem>>, %arg8: memref<4x8732xf32, #tpu.memory_space<vmem>>, %arg9: memref<4x8732xf32, #tpu.memory_space<vmem>>, %arg10: memref<8732xi32, #tpu.memory_space<vmem>>, %arg11: memref<16xf32, #tpu.memory_space<vmem>>) attributes {dimension_semantics = [#tpu.dimension_semantics<core_parallel>, #tpu.dimension_semantics<subcore_parallel>], iteration_bounds = array<i64: 2, 16>, scalar_prefetch = 0 : i64, scratch_operands = 5 : i64, tpu.core_type = #tpu.core_type<sc_vector_subcore>, window_params = [{transform_indices = #map}, {transform_indices = #map}, {transform_indices = #map}, {transform_indices = #map1}, {transform_indices = #map1}]} {
    %mul3A = arith.constant 2 : i32
    %mul3A_0 = arith.muli %arg1, %mul3A : i32
    %add3A = arith.addi %mul3A_0, %arg0 : i32
    %mul3A_1 = arith.constant 2 : i32
    %mul3A_2 = arith.muli %add3A, %mul3A_1 : i32
    %run_scoped3A = arith.constant 0 : i32
    "tpu.region"() ({
      %run_scoped3A_619 = tpu.sem_alloc : memref<!tpu.dma_semaphore, #tpu.memory_space<semaphore_mem>>
      %dma_start3A = arith.constant 0 : i32
      %dma_start3A_620 = arith.constant 0 : i32
      %dma_start3A_621 = tpu.memref_slice %arg4[%run_scoped3A, %dma_start3A, %dma_start3A_620] : memref<1x4x8732xf32, #tpu.memory_space<hbm>> -> memref<1x4x8732xf32, #tpu.memory_space<hbm>>
      %dma_start3A_622 = tpu.memref_squeeze %dma_start3A_621 : memref<1x4x8732xf32, #tpu.memory_space<hbm>> -> memref<4x8732xf32, #tpu.memory_space<hbm>>
      %dma_start3A_623 = arith.constant 0 : i32
      %dma_start3A_624 = arith.constant 0 : i32
      %dma_start3A_625 = tpu.memref_slice %arg4[%run_scoped3A, %dma_start3A_623, %dma_start3A_624] : memref<1x4x8732xf32, #tpu.memory_space<hbm>> -> memref<1x4x8732xf32, #tpu.memory_space<hbm>>
      %dma_start3A_626 = tpu.memref_squeeze %dma_start3A_625 : memref<1x4x8732xf32, #tpu.memory_space<hbm>> -> memref<4x8732xf32, #tpu.memory_space<hbm>>
      tpu.enqueue_dma source(%dma_start3A_626 : memref<4x8732xf32, #tpu.memory_space<hbm>>) target(%arg9 : memref<4x8732xf32, #tpu.memory_space<vmem>>) target_semaphore(%run_scoped3A_619 : memref<!tpu.dma_semaphore, #tpu.memory_space<semaphore_mem>>)
      %dma_wait3A = arith.constant 0 : i32
      %dma_wait3A_627 = arith.constant 0 : i32
      %dma_wait3A_628 = tpu.memref_slice %arg4[%run_scoped3A, %dma_wait3A, %dma_wait3A_627] : memref<1x4x8732xf32, #tpu.memory_space<hbm>> -> memref<1x4x8732xf32, #tpu.memory_space<hbm>>
      %dma_wait3A_629 = tpu.memref_squeeze %dma_wait3A_628 : memref<1x4x8732xf32, #tpu.memory_space<hbm>> -> memref<4x8732xf32, #tpu.memory_space<hbm>>
      %dma_wait3A_630 = arith.constant 0 : i32
      %dma_wait3A_631 = arith.constant 0 : i32
      %dma_wait3A_632 = tpu.memref_slice %arg4[%run_scoped3A, %dma_wait3A_630, %dma_wait3A_631] : memref<1x4x8732xf32, #tpu.memory_space<hbm>> -> memref<1x4x8732xf32, #tpu.memory_space<hbm>>
      %dma_wait3A_633 = tpu.memref_squeeze %dma_wait3A_632 : memref<1x4x8732xf32, #tpu.memory_space<hbm>> -> memref<4x8732xf32, #tpu.memory_space<hbm>>
      tpu.wait_dma2 semaphore(%run_scoped3A_619 : memref<!tpu.dma_semaphore, #tpu.memory_space<semaphore_mem>>) src(%dma_wait3A_633 : memref<4x8732xf32, #tpu.memory_space<hbm>>) dst(%arg9 : memref<4x8732xf32, #tpu.memory_space<vmem>>)
      tpu.yield
    }) : () -> ()
    %add3A_3 = arith.constant 0 : i32
    %add3A_4 = arith.addi %mul3A_2, %add3A_3 : i32
    "tpu.region"() ({
      %run_scoped3A_619 = tpu.sem_alloc : memref<!tpu.dma_semaphore, #tpu.memory_space<semaphore_mem>>
      %dma_start3A = arith.constant 0 : i32
      %dma_start3A_620 = arith.constant 0 : i32
      %dma_start3A_621 = tpu.memref_slice %arg2[%add3A_4, %dma_start3A, %dma_start3A_620] : memref<64x4x8732xf32, #tpu.memory_space<hbm>> -> memref<1x4x8732xf32, #tpu.memory_space<hbm>>
      %dma_start3A_622 = tpu.memref_squeeze %dma_start3A_621 : memref<1x4x8732xf32, #tpu.memory_space<hbm>> -> memref<4x8732xf32, #tpu.memory_space<hbm>>
      %dma_start3A_623 = arith.constant 0 : i32
      %dma_start3A_624 = arith.constant 0 : i32
      %dma_start3A_625 = tpu.memref_slice %arg2[%add3A_4, %dma_start3A_623, %dma_start3A_624] : memref<64x4x8732xf32, #tpu.memory_space<hbm>> -> memref<1x4x8732xf32, #tpu.memory_space<hbm>>
      %dma_start3A_626 = tpu.memref_squeeze %dma_start3A_625 : memref<1x4x8732xf32, #tpu.memory_space<hbm>> -> memref<4x8732xf32, #tpu.memory_space<hbm>>
      tpu.enqueue_dma source(%dma_start3A_626 : memref<4x8732xf32, #tpu.memory_space<hbm>>) target(%arg7 : memref<4x8732xf32, #tpu.memory_space<vmem>>) target_semaphore(%run_scoped3A_619 : memref<!tpu.dma_semaphore, #tpu.memory_space<semaphore_mem>>)
      %dma_wait3A = arith.constant 0 : i32
      %dma_wait3A_627 = arith.constant 0 : i32
      %dma_wait3A_628 = tpu.memref_slice %arg2[%add3A_4, %dma_wait3A, %dma_wait3A_627] : memref<64x4x8732xf32, #tpu.memory_space<hbm>> -> memref<1x4x8732xf32, #tpu.memory_space<hbm>>
      %dma_wait3A_629 = tpu.memref_squeeze %dma_wait3A_628 : memref<1x4x8732xf32, #tpu.memory_space<hbm>> -> memref<4x8732xf32, #tpu.memory_space<hbm>>
      %dma_wait3A_630 = arith.constant 0 : i32
      %dma_wait3A_631 = arith.constant 0 : i32
      %dma_wait3A_632 = tpu.memref_slice %arg2[%add3A_4, %dma_wait3A_630, %dma_wait3A_631] : memref<64x4x8732xf32, #tpu.memory_space<hbm>> -> memref<1x4x8732xf32, #tpu.memory_space<hbm>>
      %dma_wait3A_633 = tpu.memref_squeeze %dma_wait3A_632 : memref<1x4x8732xf32, #tpu.memory_space<hbm>> -> memref<4x8732xf32, #tpu.memory_space<hbm>>
      tpu.wait_dma2 semaphore(%run_scoped3A_619 : memref<!tpu.dma_semaphore, #tpu.memory_space<semaphore_mem>>) src(%dma_wait3A_633 : memref<4x8732xf32, #tpu.memory_space<hbm>>) dst(%arg7 : memref<4x8732xf32, #tpu.memory_space<vmem>>)
      tpu.yield
    }) : () -> ()
    "tpu.region"() ({
      %run_scoped3A_619 = tpu.sem_alloc : memref<!tpu.dma_semaphore, #tpu.memory_space<semaphore_mem>>
      %dma_start3A = arith.constant 0 : i32
      %dma_start3A_620 = arith.constant 0 : i32
      %dma_start3A_621 = tpu.memref_slice %arg3[%add3A_4, %dma_start3A, %dma_start3A_620] : memref<64x4x8732xf32, #tpu.memory_space<hbm>> -> memref<1x4x8732xf32, #tpu.memory_space<hbm>>
      %dma_start3A_622 = tpu.memref_squeeze %dma_start3A_621 : memref<1x4x8732xf32, #tpu.memory_space<hbm>> -> memref<4x8732xf32, #tpu.memory_space<hbm>>
      %dma_start3A_623 = arith.constant 0 : i32
      %dma_start3A_624 = arith.constant 0 : i32
      %dma_start3A_625 = tpu.memref_slice %arg3[%add3A_4, %dma_start3A_623, %dma_start3A_624] : memref<64x4x8732xf32, #tpu.memory_space<hbm>> -> memref<1x4x8732xf32, #tpu.memory_space<hbm>>
      %dma_start3A_626 = tpu.memref_squeeze %dma_start3A_625 : memref<1x4x8732xf32, #tpu.memory_space<hbm>> -> memref<4x8732xf32, #tpu.memory_space<hbm>>
      tpu.enqueue_dma source(%dma_start3A_626 : memref<4x8732xf32, #tpu.memory_space<hbm>>) target(%arg8 : memref<4x8732xf32, #tpu.memory_space<vmem>>) target_semaphore(%run_scoped3A_619 : memref<!tpu.dma_semaphore, #tpu.memory_space<semaphore_mem>>)
      %dma_wait3A = arith.constant 0 : i32
      %dma_wait3A_627 = arith.constant 0 : i32
      %dma_wait3A_628 = tpu.memref_slice %arg3[%add3A_4, %dma_wait3A, %dma_wait3A_627] : memref<64x4x8732xf32, #tpu.memory_space<hbm>> -> memref<1x4x8732xf32, #tpu.memory_space<hbm>>
      %dma_wait3A_629 = tpu.memref_squeeze %dma_wait3A_628 : memref<1x4x8732xf32, #tpu.memory_space<hbm>> -> memref<4x8732xf32, #tpu.memory_space<hbm>>
      %dma_wait3A_630 = arith.constant 0 : i32
      %dma_wait3A_631 = arith.constant 0 : i32
      %dma_wait3A_632 = tpu.memref_slice %arg3[%add3A_4, %dma_wait3A_630, %dma_wait3A_631] : memref<64x4x8732xf32, #tpu.memory_space<hbm>> -> memref<1x4x8732xf32, #tpu.memory_space<hbm>>
      %dma_wait3A_633 = tpu.memref_squeeze %dma_wait3A_632 : memref<1x4x8732xf32, #tpu.memory_space<hbm>> -> memref<4x8732xf32, #tpu.memory_space<hbm>>
      tpu.wait_dma2 semaphore(%run_scoped3A_619 : memref<!tpu.dma_semaphore, #tpu.memory_space<semaphore_mem>>) src(%dma_wait3A_633 : memref<4x8732xf32, #tpu.memory_space<hbm>>) dst(%arg8 : memref<4x8732xf32, #tpu.memory_space<vmem>>)
      tpu.yield
    }) : () -> ()
    "tpu.region"() ({
      %run_scoped3A_619 = tpu.sem_alloc : memref<!tpu.dma_semaphore, #tpu.memory_space<semaphore_mem>>
      %dma_start3A = arith.constant 0 : i32
      %dma_start3A_620 = tpu.memref_slice %arg5[%add3A_4, %dma_start3A] : memref<64x8732xi32, #tpu.memory_space<hbm>> -> memref<1x8732xi32, #tpu.memory_space<hbm>>
      %dma_start3A_621 = tpu.memref_squeeze %dma_start3A_620 : memref<1x8732xi32, #tpu.memory_space<hbm>> -> memref<8732xi32, #tpu.memory_space<hbm>>
      %dma_start3A_622 = arith.constant 0 : i32
      %dma_start3A_623 = tpu.memref_slice %arg5[%add3A_4, %dma_start3A_622] : memref<64x8732xi32, #tpu.memory_space<hbm>> -> memref<1x8732xi32, #tpu.memory_space<hbm>>
      %dma_start3A_624 = tpu.memref_squeeze %dma_start3A_623 : memref<1x8732xi32, #tpu.memory_space<hbm>> -> memref<8732xi32, #tpu.memory_space<hbm>>
      tpu.enqueue_dma source(%dma_start3A_624 : memref<8732xi32, #tpu.memory_space<hbm>>) target(%arg10 : memref<8732xi32, #tpu.memory_space<vmem>>) target_semaphore(%run_scoped3A_619 : memref<!tpu.dma_semaphore, #tpu.memory_space<semaphore_mem>>)
      %dma_wait3A = arith.constant 0 : i32
      %dma_wait3A_625 = tpu.memref_slice %arg5[%add3A_4, %dma_wait3A] : memref<64x8732xi32, #tpu.memory_space<hbm>> -> memref<1x8732xi32, #tpu.memory_space<hbm>>
      %dma_wait3A_626 = tpu.memref_squeeze %dma_wait3A_625 : memref<1x8732xi32, #tpu.memory_space<hbm>> -> memref<8732xi32, #tpu.memory_space<hbm>>
      %dma_wait3A_627 = arith.constant 0 : i32
      %dma_wait3A_628 = tpu.memref_slice %arg5[%add3A_4, %dma_wait3A_627] : memref<64x8732xi32, #tpu.memory_space<hbm>> -> memref<1x8732xi32, #tpu.memory_space<hbm>>
      %dma_wait3A_629 = tpu.memref_squeeze %dma_wait3A_628 : memref<1x8732xi32, #tpu.memory_space<hbm>> -> memref<8732xi32, #tpu.memory_space<hbm>>
      tpu.wait_dma2 semaphore(%run_scoped3A_619 : memref<!tpu.dma_semaphore, #tpu.memory_space<semaphore_mem>>) src(%dma_wait3A_629 : memref<8732xi32, #tpu.memory_space<hbm>>) dst(%arg10 : memref<8732xi32, #tpu.memory_space<vmem>>)
      tpu.yield
    }) : () -> ()
    %broadcast_in_dim3A = arith.constant 0.000000e+00 : f32
    %broadcast_in_dim3A_5 = vector.broadcast %broadcast_in_dim3A : f32 to vector<16xf32>
    %scan3A = arith.constant 0 : i32
    %scan3A_6 = arith.constant 545 : i32
    %scan3A_7 = arith.addi %scan3A, %scan3A_6 : i32
    %scan3A_8 = arith.constant 1 : i32
    %scan3A_9 = scf.for %scan3A_619 = %scan3A to %scan3A_7 step %scan3A_8 iter_args(%scan3A_620 = %broadcast_in_dim3A_5) -> (vector<16xf32>)  : i32 {
      %mul3A_621 = arith.constant 16 : i32
      %mul3A_622 = arith.muli %scan3A_619, %mul3A_621 : i32
      %get3A_623 = arith.constant 0 : i32
      %get3A_624 = arith.index_cast %get3A_623 : i32 to index
      %get3A_625 = arith.index_cast %mul3A_622 : i32 to index
      %get3A_626 = tpu.vector_load %arg7[%get3A_624, %get3A_625] {strides = array<i32>} : memref<4x8732xf32, #tpu.memory_space<vmem>>, vector<1x16xf32>,
      %get3A_627 = vector.shape_cast %get3A_626 : vector<1x16xf32> to vector<16xf32>
      %get3A_628 = arith.constant 1 : i32
      %get3A_629 = arith.index_cast %get3A_628 : i32 to index
      %get3A_630 = arith.index_cast %mul3A_622 : i32 to index
      %get3A_631 = tpu.vector_load %arg7[%get3A_629, %get3A_630] {strides = array<i32>} : memref<4x8732xf32, #tpu.memory_space<vmem>>, vector<1x16xf32>,
      %get3A_632 = vector.shape_cast %get3A_631 : vector<1x16xf32> to vector<16xf32>
      %get3A_633 = arith.constant 2 : i32
      %get3A_634 = arith.index_cast %get3A_633 : i32 to index
      %get3A_635 = arith.index_cast %mul3A_622 : i32 to index
      %get3A_636 = tpu.vector_load %arg7[%get3A_634, %get3A_635] {strides = array<i32>} : memref<4x8732xf32, #tpu.memory_space<vmem>>, vector<1x16xf32>,
      %get3A_637 = vector.shape_cast %get3A_636 : vector<1x16xf32> to vector<16xf32>
      %get3A_638 = arith.constant 3 : i32
      %get3A_639 = arith.index_cast %get3A_638 : i32 to index
      %get3A_640 = arith.index_cast %mul3A_622 : i32 to index
      %get3A_641 = tpu.vector_load %arg7[%get3A_639, %get3A_640] {strides = array<i32>} : memref<4x8732xf32, #tpu.memory_space<vmem>>, vector<1x16xf32>,
      %get3A_642 = vector.shape_cast %get3A_641 : vector<1x16xf32> to vector<16xf32>
      %get3A_643 = arith.constant 0 : i32
      %get3A_644 = arith.index_cast %get3A_643 : i32 to index
      %get3A_645 = arith.index_cast %mul3A_622 : i32 to index
      %get3A_646 = tpu.vector_load %arg8[%get3A_644, %get3A_645] {strides = array<i32>} : memref<4x8732xf32, #tpu.memory_space<vmem>>, vector<1x16xf32>,
      %get3A_647 = vector.shape_cast %get3A_646 : vector<1x16xf32> to vector<16xf32>
      %get3A_648 = arith.constant 1 : i32
      %get3A_649 = arith.index_cast %get3A_648 : i32 to index
      %get3A_650 = arith.index_cast %mul3A_622 : i32 to index
      %get3A_651 = tpu.vector_load %arg8[%get3A_649, %get3A_650] {strides = array<i32>} : memref<4x8732xf32, #tpu.memory_space<vmem>>, vector<1x16xf32>,
      %get3A_652 = vector.shape_cast %get3A_651 : vector<1x16xf32> to vector<16xf32>
      %get3A_653 = arith.constant 2 : i32
      %get3A_654 = arith.index_cast %get3A_653 : i32 to index
      %get3A_655 = arith.index_cast %mul3A_622 : i32 to index
      %get3A_656 = tpu.vector_load %arg8[%get3A_654, %get3A_655] {strides = array<i32>} : memref<4x8732xf32, #tpu.memory_space<vmem>>, vector<1x16xf32>,
      %get3A_657 = vector.shape_cast %get3A_656 : vector<1x16xf32> to vector<16xf32>
      %get3A_658 = arith.constant 3 : i32
      %get3A_659 = arith.index_cast %get3A_658 : i32 to index
      %get3A_660 = arith.index_cast %mul3A_622 : i32 to index
      %get3A_661 = tpu.vector_load %arg8[%get3A_659, %get3A_660] {strides = array<i32>} : memref<4x8732xf32, #tpu.memory_space<vmem>>, vector<1x16xf32>,
      %get3A_662 = vector.shape_cast %get3A_661 : vector<1x16xf32> to vector<16xf32>
      %get3A_663 = arith.constant 0 : i32
      %get3A_664 = arith.index_cast %get3A_663 : i32 to index
      %get3A_665 = arith.index_cast %mul3A_622 : i32 to index
      %get3A_666 = tpu.vector_load %arg9[%get3A_664, %get3A_665] {strides = array<i32>} : memref<4x8732xf32, #tpu.memory_space<vmem>>, vector<1x16xf32>,
      %get3A_667 = vector.shape_cast %get3A_666 : vector<1x16xf32> to vector<16xf32>
      %get3A_668 = arith.constant 1 : i32
      %get3A_669 = arith.index_cast %get3A_668 : i32 to index
      %get3A_670 = arith.index_cast %mul3A_622 : i32 to index
      %get3A_671 = tpu.vector_load %arg9[%get3A_669, %get3A_670] {strides = array<i32>} : memref<4x8732xf32, #tpu.memory_space<vmem>>, vector<1x16xf32>,
      %get3A_672 = vector.shape_cast %get3A_671 : vector<1x16xf32> to vector<16xf32>
      %get3A_673 = arith.constant 2 : i32
      %get3A_674 = arith.index_cast %get3A_673 : i32 to index
      %get3A_675 = arith.index_cast %mul3A_622 : i32 to index
      %get3A_676 = tpu.vector_load %arg9[%get3A_674, %get3A_675] {strides = array<i32>} : memref<4x8732xf32, #tpu.memory_space<vmem>>, vector<1x16xf32>,
      %get3A_677 = vector.shape_cast %get3A_676 : vector<1x16xf32> to vector<16xf32>
      %get3A_678 = arith.constant 3 : i32
      %get3A_679 = arith.index_cast %get3A_678 : i32 to index
      %get3A_680 = arith.index_cast %mul3A_622 : i32 to index
      %get3A_681 = tpu.vector_load %arg9[%get3A_679, %get3A_680] {strides = array<i32>} : memref<4x8732xf32, #tpu.memory_space<vmem>>, vector<1x16xf32>,
      %get3A_682 = vector.shape_cast %get3A_681 : vector<1x16xf32> to vector<16xf32>
      %get3A_683 = arith.index_cast %mul3A_622 : i32 to index
      %get3A_684 = tpu.vector_load %arg10[%get3A_683] {strides = array<i32>} : memref<8732xi32, #tpu.memory_space<vmem>>, vector<16xi32>,
      %get3A_685 = vector.shape_cast %get3A_684 : vector<16xi32> to vector<16xi32>
      %sub3A_686 = arith.subf %get3A_647, %get3A_667 : vector<16xf32>
      %mul3A_687 = arith.constant 1.000000e+01 : f32
      %mul3A_688 = vector.broadcast %mul3A_687 : f32 to vector<16xf32>
      %mul3A_689 = arith.mulf %mul3A_688, %sub3A_686 : vector<16xf32>
      %div3A_690 = arith.divf %mul3A_689, %get3A_677 : vector<16xf32>
      %sub3A_691 = arith.subf %get3A_627, %div3A_690 : vector<16xf32>
      %sub3A_692 = arith.subf %get3A_652, %get3A_672 : vector<16xf32>
      %mul3A_693 = arith.constant 1.000000e+01 : f32
      %mul3A_694 = vector.broadcast %mul3A_693 : f32 to vector<16xf32>
      %mul3A_695 = arith.mulf %mul3A_694, %sub3A_692 : vector<16xf32>
      %div3A_696 = arith.divf %mul3A_695, %get3A_682 : vector<16xf32>
      %sub3A_697 = arith.subf %get3A_632, %div3A_696 : vector<16xf32>
      %add3A_698 = arith.constant 9.99999997E-7 : f32
      %add3A_699 = vector.broadcast %add3A_698 : f32 to vector<16xf32>
      %add3A_700 = arith.addf %get3A_657, %add3A_699 : vector<16xf32>
      %bitcast_convert_type3A_701 = tpu.bitcast %add3A_700 : vector<16xf32> -> vector<16xi32>
      %shift_right_arithmetic3A_702 = arith.constant 23 : i32
      %shift_right_arithmetic3A_703 = vector.broadcast %shift_right_arithmetic3A_702 : i32 to vector<16xi32>
      %shift_right_arithmetic3A_704 = arith.shrsi %bitcast_convert_type3A_701, %shift_right_arithmetic3A_703 : vector<16xi32>
      %and3A_705 = arith.constant 255 : i32
      %and3A_706 = vector.broadcast %and3A_705 : i32 to vector<16xi32>
      %and3A_707 = arith.andi %shift_right_arithmetic3A_704, %and3A_706 : vector<16xi32>
      %sub3A_708 = arith.constant 127 : i32
      %sub3A_709 = vector.broadcast %sub3A_708 : i32 to vector<16xi32>
      %sub3A_710 = arith.subi %and3A_707, %sub3A_709 : vector<16xi32>
      %and3A_711 = arith.constant 8388607 : i32
      %and3A_712 = vector.broadcast %and3A_711 : i32 to vector<16xi32>
      %and3A_713 = arith.andi %bitcast_convert_type3A_701, %and3A_712 : vector<16xi32>
      %or3A_714 = arith.constant 1065353216 : i32
      %or3A_715 = vector.broadcast %or3A_714 : i32 to vector<16xi32>
      %or3A_716 = arith.ori %and3A_713, %or3A_715 : vector<16xi32>
      %bitcast_convert_type3A_717 = tpu.bitcast %or3A_716 : vector<16xi32> -> vector<16xf32>
      %sub3A_718 = arith.constant 1.000000e+00 : f32
      %sub3A_719 = vector.broadcast %sub3A_718 : f32 to vector<16xf32>
      %sub3A_720 = arith.subf %bitcast_convert_type3A_717, %sub3A_719 : vector<16xf32>
      %add3A_721 = arith.constant 1.000000e+00 : f32
      %add3A_722 = vector.broadcast %add3A_721 : f32 to vector<16xf32>
      %add3A_723 = arith.addf %bitcast_convert_type3A_717, %add3A_722 : vector<16xf32>
      %div3A_724 = arith.divf %sub3A_720, %add3A_723 : vector<16xf32>
      %mul3A_725 = arith.mulf %div3A_724, %div3A_724 : vector<16xf32>
      %mul3A_726 = arith.constant 0.142857149 : f32
      %mul3A_727 = vector.broadcast %mul3A_726 : f32 to vector<16xf32>
      %mul3A_728 = arith.mulf %mul3A_725, %mul3A_727 : vector<16xf32>
      %add3A_729 = arith.constant 2.000000e-01 : f32
      %add3A_730 = vector.broadcast %add3A_729 : f32 to vector<16xf32>
      %add3A_731 = arith.addf %add3A_730, %mul3A_728 : vector<16xf32>
      %mul3A_732 = arith.mulf %mul3A_725, %add3A_731 : vector<16xf32>
      %add3A_733 = arith.constant 0.333333343 : f32
      %add3A_734 = vector.broadcast %add3A_733 : f32 to vector<16xf32>
      %add3A_735 = arith.addf %add3A_734, %mul3A_732 : vector<16xf32>
      %mul3A_736 = arith.mulf %mul3A_725, %add3A_735 : vector<16xf32>
      %add3A_737 = arith.constant 1.000000e+00 : f32
      %add3A_738 = vector.broadcast %add3A_737 : f32 to vector<16xf32>
      %add3A_739 = arith.addf %add3A_738, %mul3A_736 : vector<16xf32>
      %mul3A_740 = arith.mulf %div3A_724, %add3A_739 : vector<16xf32>
      %convert_element_type3A_741 = arith.sitofp %sub3A_710 : vector<16xi32> to vector<16xf32>
      %mul3A_742 = arith.constant 0.693147182 : f32
      %mul3A_743 = vector.broadcast %mul3A_742 : f32 to vector<16xf32>
      %mul3A_744 = arith.mulf %convert_element_type3A_741, %mul3A_743 : vector<16xf32>
      %mul3A_745 = arith.constant 2.000000e+00 : f32
      %mul3A_746 = vector.broadcast %mul3A_745 : f32 to vector<16xf32>
      %mul3A_747 = arith.mulf %mul3A_746, %mul3A_740 : vector<16xf32>
      %add3A_748 = arith.addf %mul3A_744, %mul3A_747 : vector<16xf32>
      %bitcast_convert_type3A_749 = tpu.bitcast %get3A_677 : vector<16xf32> -> vector<16xi32>
      %shift_right_arithmetic3A_750 = arith.constant 23 : i32
      %shift_right_arithmetic3A_751 = vector.broadcast %shift_right_arithmetic3A_750 : i32 to vector<16xi32>
      %shift_right_arithmetic3A_752 = arith.shrsi %bitcast_convert_type3A_749, %shift_right_arithmetic3A_751 : vector<16xi32>
      %and3A_753 = arith.constant 255 : i32
      %and3A_754 = vector.broadcast %and3A_753 : i32 to vector<16xi32>
      %and3A_755 = arith.andi %shift_right_arithmetic3A_752, %and3A_754 : vector<16xi32>
      %sub3A_756 = arith.constant 127 : i32
      %sub3A_757 = vector.broadcast %sub3A_756 : i32 to vector<16xi32>
      %sub3A_758 = arith.subi %and3A_755, %sub3A_757 : vector<16xi32>
      %and3A_759 = arith.constant 8388607 : i32
      %and3A_760 = vector.broadcast %and3A_759 : i32 to vector<16xi32>
      %and3A_761 = arith.andi %bitcast_convert_type3A_749, %and3A_760 : vector<16xi32>
      %or3A_762 = arith.constant 1065353216 : i32
      %or3A_763 = vector.broadcast %or3A_762 : i32 to vector<16xi32>
      %or3A_764 = arith.ori %and3A_761, %or3A_763 : vector<16xi32>
      %bitcast_convert_type3A_765 = tpu.bitcast %or3A_764 : vector<16xi32> -> vector<16xf32>
      %sub3A_766 = arith.constant 1.000000e+00 : f32
      %sub3A_767 = vector.broadcast %sub3A_766 : f32 to vector<16xf32>
      %sub3A_768 = arith.subf %bitcast_convert_type3A_765, %sub3A_767 : vector<16xf32>
      %add3A_769 = arith.constant 1.000000e+00 : f32
      %add3A_770 = vector.broadcast %add3A_769 : f32 to vector<16xf32>
      %add3A_771 = arith.addf %bitcast_convert_type3A_765, %add3A_770 : vector<16xf32>
      %div3A_772 = arith.divf %sub3A_768, %add3A_771 : vector<16xf32>
      %mul3A_773 = arith.mulf %div3A_772, %div3A_772 : vector<16xf32>
      %mul3A_774 = arith.constant 0.142857149 : f32
      %mul3A_775 = vector.broadcast %mul3A_774 : f32 to vector<16xf32>
      %mul3A_776 = arith.mulf %mul3A_773, %mul3A_775 : vector<16xf32>
      %add3A_777 = arith.constant 2.000000e-01 : f32
      %add3A_778 = vector.broadcast %add3A_777 : f32 to vector<16xf32>
      %add3A_779 = arith.addf %add3A_778, %mul3A_776 : vector<16xf32>
      %mul3A_780 = arith.mulf %mul3A_773, %add3A_779 : vector<16xf32>
      %add3A_781 = arith.constant 0.333333343 : f32
      %add3A_782 = vector.broadcast %add3A_781 : f32 to vector<16xf32>
      %add3A_783 = arith.addf %add3A_782, %mul3A_780 : vector<16xf32>
      %mul3A_784 = arith.mulf %mul3A_773, %add3A_783 : vector<16xf32>
      %add3A_785 = arith.constant 1.000000e+00 : f32
      %add3A_786 = vector.broadcast %add3A_785 : f32 to vector<16xf32>
      %add3A_787 = arith.addf %add3A_786, %mul3A_784 : vector<16xf32>
      %mul3A_788 = arith.mulf %div3A_772, %add3A_787 : vector<16xf32>
      %convert_element_type3A_789 = arith.sitofp %sub3A_758 : vector<16xi32> to vector<16xf32>
      %mul3A_790 = arith.constant 0.693147182 : f32
      %mul3A_791 = vector.broadcast %mul3A_790 : f32 to vector<16xf32>
      %mul3A_792 = arith.mulf %convert_element_type3A_789, %mul3A_791 : vector<16xf32>
      %mul3A_793 = arith.constant 2.000000e+00 : f32
      %mul3A_794 = vector.broadcast %mul3A_793 : f32 to vector<16xf32>
      %mul3A_795 = arith.mulf %mul3A_794, %mul3A_788 : vector<16xf32>
      %add3A_796 = arith.addf %mul3A_792, %mul3A_795 : vector<16xf32>
      %sub3A_797 = arith.subf %add3A_748, %add3A_796 : vector<16xf32>
      %mul3A_798 = arith.constant 5.000000e+00 : f32
      %mul3A_799 = vector.broadcast %mul3A_798 : f32 to vector<16xf32>
      %mul3A_800 = arith.mulf %mul3A_799, %sub3A_797 : vector<16xf32>
      %sub3A_801 = arith.subf %get3A_637, %mul3A_800 : vector<16xf32>
      %add3A_802 = arith.constant 9.99999997E-7 : f32
      %add3A_803 = vector.broadcast %add3A_802 : f32 to vector<16xf32>
      %add3A_804 = arith.addf %get3A_662, %add3A_803 : vector<16xf32>
      %bitcast_convert_type3A_805 = tpu.bitcast %add3A_804 : vector<16xf32> -> vector<16xi32>
      %shift_right_arithmetic3A_806 = arith.constant 23 : i32
      %shift_right_arithmetic3A_807 = vector.broadcast %shift_right_arithmetic3A_806 : i32 to vector<16xi32>
      %shift_right_arithmetic3A_808 = arith.shrsi %bitcast_convert_type3A_805, %shift_right_arithmetic3A_807 : vector<16xi32>
      %and3A_809 = arith.constant 255 : i32
      %and3A_810 = vector.broadcast %and3A_809 : i32 to vector<16xi32>
      %and3A_811 = arith.andi %shift_right_arithmetic3A_808, %and3A_810 : vector<16xi32>
      %sub3A_812 = arith.constant 127 : i32
      %sub3A_813 = vector.broadcast %sub3A_812 : i32 to vector<16xi32>
      %sub3A_814 = arith.subi %and3A_811, %sub3A_813 : vector<16xi32>
      %and3A_815 = arith.constant 8388607 : i32
      %and3A_816 = vector.broadcast %and3A_815 : i32 to vector<16xi32>
      %and3A_817 = arith.andi %bitcast_convert_type3A_805, %and3A_816 : vector<16xi32>
      %or3A_818 = arith.constant 1065353216 : i32
      %or3A_819 = vector.broadcast %or3A_818 : i32 to vector<16xi32>
      %or3A_820 = arith.ori %and3A_817, %or3A_819 : vector<16xi32>
      %bitcast_convert_type3A_821 = tpu.bitcast %or3A_820 : vector<16xi32> -> vector<16xf32>
      %sub3A_822 = arith.constant 1.000000e+00 : f32
      %sub3A_823 = vector.broadcast %sub3A_822 : f32 to vector<16xf32>
      %sub3A_824 = arith.subf %bitcast_convert_type3A_821, %sub3A_823 : vector<16xf32>
      %add3A_825 = arith.constant 1.000000e+00 : f32
      %add3A_826 = vector.broadcast %add3A_825 : f32 to vector<16xf32>
      %add3A_827 = arith.addf %bitcast_convert_type3A_821, %add3A_826 : vector<16xf32>
      %div3A_828 = arith.divf %sub3A_824, %add3A_827 : vector<16xf32>
      %mul3A_829 = arith.mulf %div3A_828, %div3A_828 : vector<16xf32>
      %mul3A_830 = arith.constant 0.142857149 : f32
      %mul3A_831 = vector.broadcast %mul3A_830 : f32 to vector<16xf32>
      %mul3A_832 = arith.mulf %mul3A_829, %mul3A_831 : vector<16xf32>
      %add3A_833 = arith.constant 2.000000e-01 : f32
      %add3A_834 = vector.broadcast %add3A_833 : f32 to vector<16xf32>
      %add3A_835 = arith.addf %add3A_834, %mul3A_832 : vector<16xf32>
      %mul3A_836 = arith.mulf %mul3A_829, %add3A_835 : vector<16xf32>
      %add3A_837 = arith.constant 0.333333343 : f32
      %add3A_838 = vector.broadcast %add3A_837 : f32 to vector<16xf32>
      %add3A_839 = arith.addf %add3A_838, %mul3A_836 : vector<16xf32>
      %mul3A_840 = arith.mulf %mul3A_829, %add3A_839 : vector<16xf32>
      %add3A_841 = arith.constant 1.000000e+00 : f32
      %add3A_842 = vector.broadcast %add3A_841 : f32 to vector<16xf32>
      %add3A_843 = arith.addf %add3A_842, %mul3A_840 : vector<16xf32>
      %mul3A_844 = arith.mulf %div3A_828, %add3A_843 : vector<16xf32>
      %convert_element_type3A_845 = arith.sitofp %sub3A_814 : vector<16xi32> to vector<16xf32>
      %mul3A_846 = arith.constant 0.693147182 : f32
      %mul3A_847 = vector.broadcast %mul3A_846 : f32 to vector<16xf32>
      %mul3A_848 = arith.mulf %convert_element_type3A_845, %mul3A_847 : vector<16xf32>
      %mul3A_849 = arith.constant 2.000000e+00 : f32
      %mul3A_850 = vector.broadcast %mul3A_849 : f32 to vector<16xf32>
      %mul3A_851 = arith.mulf %mul3A_850, %mul3A_844 : vector<16xf32>
      %add3A_852 = arith.addf %mul3A_848, %mul3A_851 : vector<16xf32>
      %bitcast_convert_type3A_853 = tpu.bitcast %get3A_682 : vector<16xf32> -> vector<16xi32>
      %shift_right_arithmetic3A_854 = arith.constant 23 : i32
      %shift_right_arithmetic3A_855 = vector.broadcast %shift_right_arithmetic3A_854 : i32 to vector<16xi32>
      %shift_right_arithmetic3A_856 = arith.shrsi %bitcast_convert_type3A_853, %shift_right_arithmetic3A_855 : vector<16xi32>
      %and3A_857 = arith.constant 255 : i32
      %and3A_858 = vector.broadcast %and3A_857 : i32 to vector<16xi32>
      %and3A_859 = arith.andi %shift_right_arithmetic3A_856, %and3A_858 : vector<16xi32>
      %sub3A_860 = arith.constant 127 : i32
      %sub3A_861 = vector.broadcast %sub3A_860 : i32 to vector<16xi32>
      %sub3A_862 = arith.subi %and3A_859, %sub3A_861 : vector<16xi32>
      %and3A_863 = arith.constant 8388607 : i32
      %and3A_864 = vector.broadcast %and3A_863 : i32 to vector<16xi32>
      %and3A_865 = arith.andi %bitcast_convert_type3A_853, %and3A_864 : vector<16xi32>
      %or3A_866 = arith.constant 1065353216 : i32
      %or3A_867 = vector.broadcast %or3A_866 : i32 to vector<16xi32>
      %or3A_868 = arith.ori %and3A_865, %or3A_867 : vector<16xi32>
      %bitcast_convert_type3A_869 = tpu.bitcast %or3A_868 : vector<16xi32> -> vector<16xf32>
      %sub3A_870 = arith.constant 1.000000e+00 : f32
      %sub3A_871 = vector.broadcast %sub3A_870 : f32 to vector<16xf32>
      %sub3A_872 = arith.subf %bitcast_convert_type3A_869, %sub3A_871 : vector<16xf32>
      %add3A_873 = arith.constant 1.000000e+00 : f32
      %add3A_874 = vector.broadcast %add3A_873 : f32 to vector<16xf32>
      %add3A_875 = arith.addf %bitcast_convert_type3A_869, %add3A_874 : vector<16xf32>
      %div3A_876 = arith.divf %sub3A_872, %add3A_875 : vector<16xf32>
      %mul3A_877 = arith.mulf %div3A_876, %div3A_876 : vector<16xf32>
      %mul3A_878 = arith.constant 0.142857149 : f32
      %mul3A_879 = vector.broadcast %mul3A_878 : f32 to vector<16xf32>
      %mul3A_880 = arith.mulf %mul3A_877, %mul3A_879 : vector<16xf32>
      %add3A_881 = arith.constant 2.000000e-01 : f32
      %add3A_882 = vector.broadcast %add3A_881 : f32 to vector<16xf32>
      %add3A_883 = arith.addf %add3A_882, %mul3A_880 : vector<16xf32>
      %mul3A_884 = arith.mulf %mul3A_877, %add3A_883 : vector<16xf32>
      %add3A_885 = arith.constant 0.333333343 : f32
      %add3A_886 = vector.broadcast %add3A_885 : f32 to vector<16xf32>
      %add3A_887 = arith.addf %add3A_886, %mul3A_884 : vector<16xf32>
      %mul3A_888 = arith.mulf %mul3A_877, %add3A_887 : vector<16xf32>
      %add3A_889 = arith.constant 1.000000e+00 : f32
      %add3A_890 = vector.broadcast %add3A_889 : f32 to vector<16xf32>
      %add3A_891 = arith.addf %add3A_890, %mul3A_888 : vector<16xf32>
      %mul3A_892 = arith.mulf %div3A_876, %add3A_891 : vector<16xf32>
      %convert_element_type3A_893 = arith.sitofp %sub3A_862 : vector<16xi32> to vector<16xf32>
      %mul3A_894 = arith.constant 0.693147182 : f32
      %mul3A_895 = vector.broadcast %mul3A_894 : f32 to vector<16xf32>
      %mul3A_896 = arith.mulf %convert_element_type3A_893, %mul3A_895 : vector<16xf32>
      %mul3A_897 = arith.constant 2.000000e+00 : f32
      %mul3A_898 = vector.broadcast %mul3A_897 : f32 to vector<16xf32>
      %mul3A_899 = arith.mulf %mul3A_898, %mul3A_892 : vector<16xf32>
      %add3A_900 = arith.addf %mul3A_896, %mul3A_899 : vector<16xf32>
      %sub3A_901 = arith.subf %add3A_852, %add3A_900 : vector<16xf32>
      %mul3A_902 = arith.constant 5.000000e+00 : f32
      %mul3A_903 = vector.broadcast %mul3A_902 : f32 to vector<16xf32>
      %mul3A_904 = arith.mulf %mul3A_903, %sub3A_901 : vector<16xf32>
      %sub3A_905 = arith.subf %get3A_642, %mul3A_904 : vector<16xf32>
      %mul3A_906 = arith.mulf %sub3A_691, %sub3A_691 : vector<16xf32>
      %mul3A_907 = arith.mulf %sub3A_697, %sub3A_697 : vector<16xf32>
      %add3A_908 = arith.addf %mul3A_906, %mul3A_907 : vector<16xf32>
      %mul3A_909 = arith.mulf %sub3A_801, %sub3A_801 : vector<16xf32>
      %add3A_910 = arith.addf %add3A_908, %mul3A_909 : vector<16xf32>
      %mul3A_911 = arith.mulf %sub3A_905, %sub3A_905 : vector<16xf32>
      %add3A_912 = arith.addf %add3A_910, %mul3A_911 : vector<16xf32>
      %gt3A_913 = arith.constant 0 : i32
      %gt3A_914 = vector.broadcast %gt3A_913 : i32 to vector<16xi32>
      %gt3A_915 = arith.cmpi sgt, %get3A_685, %gt3A_914 : vector<16xi32>
      %iota3A_916 = tpu.iota {dimensions = array<i32: 0>} : vector<16xi32>
      %ge3A_917 = arith.constant 0 : i32
      %ge3A_918 = vector.broadcast %ge3A_917 : i32 to vector<16xi32>
      %ge3A_919 = arith.cmpi sge, %iota3A_916, %ge3A_918 : vector<16xi32>
      %and3A_920 = arith.andi %gt3A_915, %ge3A_919 : vector<16xi1>
      %jit3A_921 = arith.constant 0.000000e+00 : f32
      %broadcast_in_dim3A_922 = vector.broadcast %jit3A_921 : f32 to vector<16xf32>
      %select_n3A_923 = arith.select %and3A_920, %add3A_912, %broadcast_in_dim3A_922 : vector<16xi1>, vector<16xf32>
      %add3A_924 = arith.addf %scan3A_620, %select_n3A_923 : vector<16xf32>
      scf.yield %add3A_924 : vector<16xf32>
    }
    %scan3A_10 = arith.constant 545 : i32
    %get3A = arith.constant 0 : i32
    %get3A_11 = arith.index_cast %get3A : i32 to index
    %get3A_12 = arith.constant 8716 : index
    %get3A_13 = tpu.vector_load %arg7[%get3A_11, %get3A_12] {strides = array<i32>} : memref<4x8732xf32, #tpu.memory_space<vmem>>, vector<1x16xf32>,
    %get3A_14 = vector.shape_cast %get3A_13 : vector<1x16xf32> to vector<16xf32>
    %get3A_15 = arith.constant 1 : i32
    %get3A_16 = arith.index_cast %get3A_15 : i32 to index
    %get3A_17 = arith.constant 8716 : index
    %get3A_18 = tpu.vector_load %arg7[%get3A_16, %get3A_17] {strides = array<i32>} : memref<4x8732xf32, #tpu.memory_space<vmem>>, vector<1x16xf32>,
    %get3A_19 = vector.shape_cast %get3A_18 : vector<1x16xf32> to vector<16xf32>
    %get3A_20 = arith.constant 2 : i32
    %get3A_21 = arith.index_cast %get3A_20 : i32 to index
    %get3A_22 = arith.constant 8716 : index
    %get3A_23 = tpu.vector_load %arg7[%get3A_21, %get3A_22] {strides = array<i32>} : memref<4x8732xf32, #tpu.memory_space<vmem>>, vector<1x16xf32>,
    %get3A_24 = vector.shape_cast %get3A_23 : vector<1x16xf32> to vector<16xf32>
    %get3A_25 = arith.constant 3 : i32
    %get3A_26 = arith.index_cast %get3A_25 : i32 to index
    %get3A_27 = arith.constant 8716 : index
    %get3A_28 = tpu.vector_load %arg7[%get3A_26, %get3A_27] {strides = array<i32>} : memref<4x8732xf32, #tpu.memory_space<vmem>>, vector<1x16xf32>,
    %get3A_29 = vector.shape_cast %get3A_28 : vector<1x16xf32> to vector<16xf32>
    %get3A_30 = arith.constant 0 : i32
    %get3A_31 = arith.index_cast %get3A_30 : i32 to index
    %get3A_32 = arith.constant 8716 : index
    %get3A_33 = tpu.vector_load %arg8[%get3A_31, %get3A_32] {strides = array<i32>} : memref<4x8732xf32, #tpu.memory_space<vmem>>, vector<1x16xf32>,
    %get3A_34 = vector.shape_cast %get3A_33 : vector<1x16xf32> to vector<16xf32>
    %get3A_35 = arith.constant 1 : i32
    %get3A_36 = arith.index_cast %get3A_35 : i32 to index
    %get3A_37 = arith.constant 8716 : index
    %get3A_38 = tpu.vector_load %arg8[%get3A_36, %get3A_37] {strides = array<i32>} : memref<4x8732xf32, #tpu.memory_space<vmem>>, vector<1x16xf32>,
    %get3A_39 = vector.shape_cast %get3A_38 : vector<1x16xf32> to vector<16xf32>
    %get3A_40 = arith.constant 2 : i32
    %get3A_41 = arith.index_cast %get3A_40 : i32 to index
    %get3A_42 = arith.constant 8716 : index
    %get3A_43 = tpu.vector_load %arg8[%get3A_41, %get3A_42] {strides = array<i32>} : memref<4x8732xf32, #tpu.memory_space<vmem>>, vector<1x16xf32>,
    %get3A_44 = vector.shape_cast %get3A_43 : vector<1x16xf32> to vector<16xf32>
    %get3A_45 = arith.constant 3 : i32
    %get3A_46 = arith.index_cast %get3A_45 : i32 to index
    %get3A_47 = arith.constant 8716 : index
    %get3A_48 = tpu.vector_load %arg8[%get3A_46, %get3A_47] {strides = array<i32>} : memref<4x8732xf32, #tpu.memory_space<vmem>>, vector<1x16xf32>,
    %get3A_49 = vector.shape_cast %get3A_48 : vector<1x16xf32> to vector<16xf32>
    %get3A_50 = arith.constant 0 : i32
    %get3A_51 = arith.index_cast %get3A_50 : i32 to index
    %get3A_52 = arith.constant 8716 : index
    %get3A_53 = tpu.vector_load %arg9[%get3A_51, %get3A_52] {strides = array<i32>} : memref<4x8732xf32, #tpu.memory_space<vmem>>, vector<1x16xf32>,
    %get3A_54 = vector.shape_cast %get3A_53 : vector<1x16xf32> to vector<16xf32>
    %get3A_55 = arith.constant 1 : i32
    %get3A_56 = arith.index_cast %get3A_55 : i32 to index
    %get3A_57 = arith.constant 8716 : index
    %get3A_58 = tpu.vector_load %arg9[%get3A_56, %get3A_57] {strides = array<i32>} : memref<4x8732xf32, #tpu.memory_space<vmem>>, vector<1x16xf32>,
    %get3A_59 = vector.shape_cast %get3A_58 : vector<1x16xf32> to vector<16xf32>
    %get3A_60 = arith.constant 2 : i32
    %get3A_61 = arith.index_cast %get3A_60 : i32 to index
    %get3A_62 = arith.constant 8716 : index
    %get3A_63 = tpu.vector_load %arg9[%get3A_61, %get3A_62] {strides = array<i32>} : memref<4x8732xf32, #tpu.memory_space<vmem>>, vector<1x16xf32>,
    %get3A_64 = vector.shape_cast %get3A_63 : vector<1x16xf32> to vector<16xf32>
    %get3A_65 = arith.constant 3 : i32
    %get3A_66 = arith.index_cast %get3A_65 : i32 to index
    %get3A_67 = arith.constant 8716 : index
    %get3A_68 = tpu.vector_load %arg9[%get3A_66, %get3A_67] {strides = array<i32>} : memref<4x8732xf32, #tpu.memory_space<vmem>>, vector<1x16xf32>,
    %get3A_69 = vector.shape_cast %get3A_68 : vector<1x16xf32> to vector<16xf32>
    %get3A_70 = arith.constant 8716 : index
    %get3A_71 = tpu.vector_load %arg10[%get3A_70] {strides = array<i32>} : memref<8732xi32, #tpu.memory_space<vmem>>, vector<16xi32>,
    %get3A_72 = vector.shape_cast %get3A_71 : vector<16xi32> to vector<16xi32>
    %sub3A = arith.subf %get3A_34, %get3A_54 : vector<16xf32>
    %mul3A_73 = arith.constant 1.000000e+01 : f32
    %mul3A_74 = vector.broadcast %mul3A_73 : f32 to vector<16xf32>
    %mul3A_75 = arith.mulf %mul3A_74, %sub3A : vector<16xf32>
    %div3A = arith.divf %mul3A_75, %get3A_64 : vector<16xf32>
    %sub3A_76 = arith.subf %get3A_14, %div3A : vector<16xf32>
    %sub3A_77 = arith.subf %get3A_39, %get3A_59 : vector<16xf32>
    %mul3A_78 = arith.constant 1.000000e+01 : f32
    %mul3A_79 = vector.broadcast %mul3A_78 : f32 to vector<16xf32>
    %mul3A_80 = arith.mulf %mul3A_79, %sub3A_77 : vector<16xf32>
    %div3A_81 = arith.divf %mul3A_80, %get3A_69 : vector<16xf32>
    %sub3A_82 = arith.subf %get3A_19, %div3A_81 : vector<16xf32>
    %add3A_83 = arith.constant 9.99999997E-7 : f32
    %add3A_84 = vector.broadcast %add3A_83 : f32 to vector<16xf32>
    %add3A_85 = arith.addf %get3A_44, %add3A_84 : vector<16xf32>
    %bitcast_convert_type3A = tpu.bitcast %add3A_85 : vector<16xf32> -> vector<16xi32>
    %shift_right_arithmetic3A = arith.constant 23 : i32
    %shift_right_arithmetic3A_86 = vector.broadcast %shift_right_arithmetic3A : i32 to vector<16xi32>
    %shift_right_arithmetic3A_87 = arith.shrsi %bitcast_convert_type3A, %shift_right_arithmetic3A_86 : vector<16xi32>
    %and3A = arith.constant 255 : i32
    %and3A_88 = vector.broadcast %and3A : i32 to vector<16xi32>
    %and3A_89 = arith.andi %shift_right_arithmetic3A_87, %and3A_88 : vector<16xi32>
    %sub3A_90 = arith.constant 127 : i32
    %sub3A_91 = vector.broadcast %sub3A_90 : i32 to vector<16xi32>
    %sub3A_92 = arith.subi %and3A_89, %sub3A_91 : vector<16xi32>
    %and3A_93 = arith.constant 8388607 : i32
    %and3A_94 = vector.broadcast %and3A_93 : i32 to vector<16xi32>
    %and3A_95 = arith.andi %bitcast_convert_type3A, %and3A_94 : vector<16xi32>
    %or3A = arith.constant 1065353216 : i32
    %or3A_96 = vector.broadcast %or3A : i32 to vector<16xi32>
    %or3A_97 = arith.ori %and3A_95, %or3A_96 : vector<16xi32>
    %bitcast_convert_type3A_98 = tpu.bitcast %or3A_97 : vector<16xi32> -> vector<16xf32>
    %sub3A_99 = arith.constant 1.000000e+00 : f32
    %sub3A_100 = vector.broadcast %sub3A_99 : f32 to vector<16xf32>
    %sub3A_101 = arith.subf %bitcast_convert_type3A_98, %sub3A_100 : vector<16xf32>
    %add3A_102 = arith.constant 1.000000e+00 : f32
    %add3A_103 = vector.broadcast %add3A_102 : f32 to vector<16xf32>
    %add3A_104 = arith.addf %bitcast_convert_type3A_98, %add3A_103 : vector<16xf32>
    %div3A_105 = arith.divf %sub3A_101, %add3A_104 : vector<16xf32>
    %mul3A_106 = arith.mulf %div3A_105, %div3A_105 : vector<16xf32>
    %mul3A_107 = arith.constant 0.142857149 : f32
    %mul3A_108 = vector.broadcast %mul3A_107 : f32 to vector<16xf32>
    %mul3A_109 = arith.mulf %mul3A_106, %mul3A_108 : vector<16xf32>
    %add3A_110 = arith.constant 2.000000e-01 : f32
    %add3A_111 = vector.broadcast %add3A_110 : f32 to vector<16xf32>
    %add3A_112 = arith.addf %add3A_111, %mul3A_109 : vector<16xf32>
    %mul3A_113 = arith.mulf %mul3A_106, %add3A_112 : vector<16xf32>
    %add3A_114 = arith.constant 0.333333343 : f32
    %add3A_115 = vector.broadcast %add3A_114 : f32 to vector<16xf32>
    %add3A_116 = arith.addf %add3A_115, %mul3A_113 : vector<16xf32>
    %mul3A_117 = arith.mulf %mul3A_106, %add3A_116 : vector<16xf32>
    %add3A_118 = arith.constant 1.000000e+00 : f32
    %add3A_119 = vector.broadcast %add3A_118 : f32 to vector<16xf32>
    %add3A_120 = arith.addf %add3A_119, %mul3A_117 : vector<16xf32>
    %mul3A_121 = arith.mulf %div3A_105, %add3A_120 : vector<16xf32>
    %convert_element_type3A = arith.sitofp %sub3A_92 : vector<16xi32> to vector<16xf32>
    %mul3A_122 = arith.constant 0.693147182 : f32
    %mul3A_123 = vector.broadcast %mul3A_122 : f32 to vector<16xf32>
    %mul3A_124 = arith.mulf %convert_element_type3A, %mul3A_123 : vector<16xf32>
    %mul3A_125 = arith.constant 2.000000e+00 : f32
    %mul3A_126 = vector.broadcast %mul3A_125 : f32 to vector<16xf32>
    %mul3A_127 = arith.mulf %mul3A_126, %mul3A_121 : vector<16xf32>
    %add3A_128 = arith.addf %mul3A_124, %mul3A_127 : vector<16xf32>
    %bitcast_convert_type3A_129 = tpu.bitcast %get3A_64 : vector<16xf32> -> vector<16xi32>
    %shift_right_arithmetic3A_130 = arith.constant 23 : i32
    %shift_right_arithmetic3A_131 = vector.broadcast %shift_right_arithmetic3A_130 : i32 to vector<16xi32>
    %shift_right_arithmetic3A_132 = arith.shrsi %bitcast_convert_type3A_129, %shift_right_arithmetic3A_131 : vector<16xi32>
    %and3A_133 = arith.constant 255 : i32
    %and3A_134 = vector.broadcast %and3A_133 : i32 to vector<16xi32>
    %and3A_135 = arith.andi %shift_right_arithmetic3A_132, %and3A_134 : vector<16xi32>
    %sub3A_136 = arith.constant 127 : i32
    %sub3A_137 = vector.broadcast %sub3A_136 : i32 to vector<16xi32>
    %sub3A_138 = arith.subi %and3A_135, %sub3A_137 : vector<16xi32>
    %and3A_139 = arith.constant 8388607 : i32
    %and3A_140 = vector.broadcast %and3A_139 : i32 to vector<16xi32>
    %and3A_141 = arith.andi %bitcast_convert_type3A_129, %and3A_140 : vector<16xi32>
    %or3A_142 = arith.constant 1065353216 : i32
    %or3A_143 = vector.broadcast %or3A_142 : i32 to vector<16xi32>
    %or3A_144 = arith.ori %and3A_141, %or3A_143 : vector<16xi32>
    %bitcast_convert_type3A_145 = tpu.bitcast %or3A_144 : vector<16xi32> -> vector<16xf32>
    %sub3A_146 = arith.constant 1.000000e+00 : f32
    %sub3A_147 = vector.broadcast %sub3A_146 : f32 to vector<16xf32>
    %sub3A_148 = arith.subf %bitcast_convert_type3A_145, %sub3A_147 : vector<16xf32>
    %add3A_149 = arith.constant 1.000000e+00 : f32
    %add3A_150 = vector.broadcast %add3A_149 : f32 to vector<16xf32>
    %add3A_151 = arith.addf %bitcast_convert_type3A_145, %add3A_150 : vector<16xf32>
    %div3A_152 = arith.divf %sub3A_148, %add3A_151 : vector<16xf32>
    %mul3A_153 = arith.mulf %div3A_152, %div3A_152 : vector<16xf32>
    %mul3A_154 = arith.constant 0.142857149 : f32
    %mul3A_155 = vector.broadcast %mul3A_154 : f32 to vector<16xf32>
    %mul3A_156 = arith.mulf %mul3A_153, %mul3A_155 : vector<16xf32>
    %add3A_157 = arith.constant 2.000000e-01 : f32
    %add3A_158 = vector.broadcast %add3A_157 : f32 to vector<16xf32>
    %add3A_159 = arith.addf %add3A_158, %mul3A_156 : vector<16xf32>
    %mul3A_160 = arith.mulf %mul3A_153, %add3A_159 : vector<16xf32>
    %add3A_161 = arith.constant 0.333333343 : f32
    %add3A_162 = vector.broadcast %add3A_161 : f32 to vector<16xf32>
    %add3A_163 = arith.addf %add3A_162, %mul3A_160 : vector<16xf32>
    %mul3A_164 = arith.mulf %mul3A_153, %add3A_163 : vector<16xf32>
    %add3A_165 = arith.constant 1.000000e+00 : f32
    %add3A_166 = vector.broadcast %add3A_165 : f32 to vector<16xf32>
    %add3A_167 = arith.addf %add3A_166, %mul3A_164 : vector<16xf32>
    %mul3A_168 = arith.mulf %div3A_152, %add3A_167 : vector<16xf32>
    %convert_element_type3A_169 = arith.sitofp %sub3A_138 : vector<16xi32> to vector<16xf32>
    %mul3A_170 = arith.constant 0.693147182 : f32
    %mul3A_171 = vector.broadcast %mul3A_170 : f32 to vector<16xf32>
    %mul3A_172 = arith.mulf %convert_element_type3A_169, %mul3A_171 : vector<16xf32>
    %mul3A_173 = arith.constant 2.000000e+00 : f32
    %mul3A_174 = vector.broadcast %mul3A_173 : f32 to vector<16xf32>
    %mul3A_175 = arith.mulf %mul3A_174, %mul3A_168 : vector<16xf32>
    %add3A_176 = arith.addf %mul3A_172, %mul3A_175 : vector<16xf32>
    %sub3A_177 = arith.subf %add3A_128, %add3A_176 : vector<16xf32>
    %mul3A_178 = arith.constant 5.000000e+00 : f32
    %mul3A_179 = vector.broadcast %mul3A_178 : f32 to vector<16xf32>
    %mul3A_180 = arith.mulf %mul3A_179, %sub3A_177 : vector<16xf32>
    %sub3A_181 = arith.subf %get3A_24, %mul3A_180 : vector<16xf32>
    %add3A_182 = arith.constant 9.99999997E-7 : f32
    %add3A_183 = vector.broadcast %add3A_182 : f32 to vector<16xf32>
    %add3A_184 = arith.addf %get3A_49, %add3A_183 : vector<16xf32>
    %bitcast_convert_type3A_185 = tpu.bitcast %add3A_184 : vector<16xf32> -> vector<16xi32>
    %shift_right_arithmetic3A_186 = arith.constant 23 : i32
    %shift_right_arithmetic3A_187 = vector.broadcast %shift_right_arithmetic3A_186 : i32 to vector<16xi32>
    %shift_right_arithmetic3A_188 = arith.shrsi %bitcast_convert_type3A_185, %shift_right_arithmetic3A_187 : vector<16xi32>
    %and3A_189 = arith.constant 255 : i32
    %and3A_190 = vector.broadcast %and3A_189 : i32 to vector<16xi32>
    %and3A_191 = arith.andi %shift_right_arithmetic3A_188, %and3A_190 : vector<16xi32>
    %sub3A_192 = arith.constant 127 : i32
    %sub3A_193 = vector.broadcast %sub3A_192 : i32 to vector<16xi32>
    %sub3A_194 = arith.subi %and3A_191, %sub3A_193 : vector<16xi32>
    %and3A_195 = arith.constant 8388607 : i32
    %and3A_196 = vector.broadcast %and3A_195 : i32 to vector<16xi32>
    %and3A_197 = arith.andi %bitcast_convert_type3A_185, %and3A_196 : vector<16xi32>
    %or3A_198 = arith.constant 1065353216 : i32
    %or3A_199 = vector.broadcast %or3A_198 : i32 to vector<16xi32>
    %or3A_200 = arith.ori %and3A_197, %or3A_199 : vector<16xi32>
    %bitcast_convert_type3A_201 = tpu.bitcast %or3A_200 : vector<16xi32> -> vector<16xf32>
    %sub3A_202 = arith.constant 1.000000e+00 : f32
    %sub3A_203 = vector.broadcast %sub3A_202 : f32 to vector<16xf32>
    %sub3A_204 = arith.subf %bitcast_convert_type3A_201, %sub3A_203 : vector<16xf32>
    %add3A_205 = arith.constant 1.000000e+00 : f32
    %add3A_206 = vector.broadcast %add3A_205 : f32 to vector<16xf32>
    %add3A_207 = arith.addf %bitcast_convert_type3A_201, %add3A_206 : vector<16xf32>
    %div3A_208 = arith.divf %sub3A_204, %add3A_207 : vector<16xf32>
    %mul3A_209 = arith.mulf %div3A_208, %div3A_208 : vector<16xf32>
    %mul3A_210 = arith.constant 0.142857149 : f32
    %mul3A_211 = vector.broadcast %mul3A_210 : f32 to vector<16xf32>
    %mul3A_212 = arith.mulf %mul3A_209, %mul3A_211 : vector<16xf32>
    %add3A_213 = arith.constant 2.000000e-01 : f32
    %add3A_214 = vector.broadcast %add3A_213 : f32 to vector<16xf32>
    %add3A_215 = arith.addf %add3A_214, %mul3A_212 : vector<16xf32>
    %mul3A_216 = arith.mulf %mul3A_209, %add3A_215 : vector<16xf32>
    %add3A_217 = arith.constant 0.333333343 : f32
    %add3A_218 = vector.broadcast %add3A_217 : f32 to vector<16xf32>
    %add3A_219 = arith.addf %add3A_218, %mul3A_216 : vector<16xf32>
    %mul3A_220 = arith.mulf %mul3A_209, %add3A_219 : vector<16xf32>
    %add3A_221 = arith.constant 1.000000e+00 : f32
    %add3A_222 = vector.broadcast %add3A_221 : f32 to vector<16xf32>
    %add3A_223 = arith.addf %add3A_222, %mul3A_220 : vector<16xf32>
    %mul3A_224 = arith.mulf %div3A_208, %add3A_223 : vector<16xf32>
    %convert_element_type3A_225 = arith.sitofp %sub3A_194 : vector<16xi32> to vector<16xf32>
    %mul3A_226 = arith.constant 0.693147182 : f32
    %mul3A_227 = vector.broadcast %mul3A_226 : f32 to vector<16xf32>
    %mul3A_228 = arith.mulf %convert_element_type3A_225, %mul3A_227 : vector<16xf32>
    %mul3A_229 = arith.constant 2.000000e+00 : f32
    %mul3A_230 = vector.broadcast %mul3A_229 : f32 to vector<16xf32>
    %mul3A_231 = arith.mulf %mul3A_230, %mul3A_224 : vector<16xf32>
    %add3A_232 = arith.addf %mul3A_228, %mul3A_231 : vector<16xf32>
    %bitcast_convert_type3A_233 = tpu.bitcast %get3A_69 : vector<16xf32> -> vector<16xi32>
    %shift_right_arithmetic3A_234 = arith.constant 23 : i32
    %shift_right_arithmetic3A_235 = vector.broadcast %shift_right_arithmetic3A_234 : i32 to vector<16xi32>
    %shift_right_arithmetic3A_236 = arith.shrsi %bitcast_convert_type3A_233, %shift_right_arithmetic3A_235 : vector<16xi32>
    %and3A_237 = arith.constant 255 : i32
    %and3A_238 = vector.broadcast %and3A_237 : i32 to vector<16xi32>
    %and3A_239 = arith.andi %shift_right_arithmetic3A_236, %and3A_238 : vector<16xi32>
    %sub3A_240 = arith.constant 127 : i32
    %sub3A_241 = vector.broadcast %sub3A_240 : i32 to vector<16xi32>
    %sub3A_242 = arith.subi %and3A_239, %sub3A_241 : vector<16xi32>
    %and3A_243 = arith.constant 8388607 : i32
    %and3A_244 = vector.broadcast %and3A_243 : i32 to vector<16xi32>
    %and3A_245 = arith.andi %bitcast_convert_type3A_233, %and3A_244 : vector<16xi32>
    %or3A_246 = arith.constant 1065353216 : i32
    %or3A_247 = vector.broadcast %or3A_246 : i32 to vector<16xi32>
    %or3A_248 = arith.ori %and3A_245, %or3A_247 : vector<16xi32>
    %bitcast_convert_type3A_249 = tpu.bitcast %or3A_248 : vector<16xi32> -> vector<16xf32>
    %sub3A_250 = arith.constant 1.000000e+00 : f32
    %sub3A_251 = vector.broadcast %sub3A_250 : f32 to vector<16xf32>
    %sub3A_252 = arith.subf %bitcast_convert_type3A_249, %sub3A_251 : vector<16xf32>
    %add3A_253 = arith.constant 1.000000e+00 : f32
    %add3A_254 = vector.broadcast %add3A_253 : f32 to vector<16xf32>
    %add3A_255 = arith.addf %bitcast_convert_type3A_249, %add3A_254 : vector<16xf32>
    %div3A_256 = arith.divf %sub3A_252, %add3A_255 : vector<16xf32>
    %mul3A_257 = arith.mulf %div3A_256, %div3A_256 : vector<16xf32>
    %mul3A_258 = arith.constant 0.142857149 : f32
    %mul3A_259 = vector.broadcast %mul3A_258 : f32 to vector<16xf32>
    %mul3A_260 = arith.mulf %mul3A_257, %mul3A_259 : vector<16xf32>
    %add3A_261 = arith.constant 2.000000e-01 : f32
    %add3A_262 = vector.broadcast %add3A_261 : f32 to vector<16xf32>
    %add3A_263 = arith.addf %add3A_262, %mul3A_260 : vector<16xf32>
    %mul3A_264 = arith.mulf %mul3A_257, %add3A_263 : vector<16xf32>
    %add3A_265 = arith.constant 0.333333343 : f32
    %add3A_266 = vector.broadcast %add3A_265 : f32 to vector<16xf32>
    %add3A_267 = arith.addf %add3A_266, %mul3A_264 : vector<16xf32>
    %mul3A_268 = arith.mulf %mul3A_257, %add3A_267 : vector<16xf32>
    %add3A_269 = arith.constant 1.000000e+00 : f32
    %add3A_270 = vector.broadcast %add3A_269 : f32 to vector<16xf32>
    %add3A_271 = arith.addf %add3A_270, %mul3A_268 : vector<16xf32>
    %mul3A_272 = arith.mulf %div3A_256, %add3A_271 : vector<16xf32>
    %convert_element_type3A_273 = arith.sitofp %sub3A_242 : vector<16xi32> to vector<16xf32>
    %mul3A_274 = arith.constant 0.693147182 : f32
    %mul3A_275 = vector.broadcast %mul3A_274 : f32 to vector<16xf32>
    %mul3A_276 = arith.mulf %convert_element_type3A_273, %mul3A_275 : vector<16xf32>
    %mul3A_277 = arith.constant 2.000000e+00 : f32
    %mul3A_278 = vector.broadcast %mul3A_277 : f32 to vector<16xf32>
    %mul3A_279 = arith.mulf %mul3A_278, %mul3A_272 : vector<16xf32>
    %add3A_280 = arith.addf %mul3A_276, %mul3A_279 : vector<16xf32>
    %sub3A_281 = arith.subf %add3A_232, %add3A_280 : vector<16xf32>
    %mul3A_282 = arith.constant 5.000000e+00 : f32
    %mul3A_283 = vector.broadcast %mul3A_282 : f32 to vector<16xf32>
    %mul3A_284 = arith.mulf %mul3A_283, %sub3A_281 : vector<16xf32>
    %sub3A_285 = arith.subf %get3A_29, %mul3A_284 : vector<16xf32>
    %mul3A_286 = arith.mulf %sub3A_76, %sub3A_76 : vector<16xf32>
    %mul3A_287 = arith.mulf %sub3A_82, %sub3A_82 : vector<16xf32>
    %add3A_288 = arith.addf %mul3A_286, %mul3A_287 : vector<16xf32>
    %mul3A_289 = arith.mulf %sub3A_181, %sub3A_181 : vector<16xf32>
    %add3A_290 = arith.addf %add3A_288, %mul3A_289 : vector<16xf32>
    %mul3A_291 = arith.mulf %sub3A_285, %sub3A_285 : vector<16xf32>
    %add3A_292 = arith.addf %add3A_290, %mul3A_291 : vector<16xf32>
    %gt3A = arith.constant 0 : i32
    %gt3A_293 = vector.broadcast %gt3A : i32 to vector<16xi32>
    %gt3A_294 = arith.cmpi sgt, %get3A_72, %gt3A_293 : vector<16xi32>
    %iota3A = tpu.iota {dimensions = array<i32: 0>} : vector<16xi32>
    %ge3A = arith.constant 4 : i32
    %ge3A_295 = vector.broadcast %ge3A : i32 to vector<16xi32>
    %ge3A_296 = arith.cmpi sge, %iota3A, %ge3A_295 : vector<16xi32>
    %and3A_297 = arith.andi %gt3A_294, %ge3A_296 : vector<16xi1>
    %jit3A = arith.constant 0.000000e+00 : f32
    %broadcast_in_dim3A_298 = vector.broadcast %jit3A : f32 to vector<16xf32>
    %select_n3A = arith.select %and3A_297, %add3A_292, %broadcast_in_dim3A_298 : vector<16xi1>, vector<16xf32>
    %add3A_299 = arith.addf %scan3A_9, %select_n3A : vector<16xf32>
    %swap3A = arith.constant 0 : index
    %swap3A_300 = tpu.vector_load %arg11[%swap3A] {strides = array<i32>} : memref<16xf32, #tpu.memory_space<vmem>>, vector<16xf32>,
    %swap3A_301 = vector.shape_cast %swap3A_300 : vector<16xf32> to vector<16xf32>
    %swap3A_302 = vector.shape_cast %add3A_299 : vector<16xf32> to vector<16xf32>
    tpu.vector_store %arg11[%swap3A], %swap3A_302 {strides = array<i32>} : memref<16xf32, #tpu.memory_space<vmem>>, vector<16xf32>,
    "tpu.region"() ({
      %run_scoped3A_619 = tpu.sem_alloc : memref<!tpu.dma_semaphore, #tpu.memory_space<semaphore_mem>>
      %dma_start3A = arith.constant 0 : i32
      %dma_start3A_620 = tpu.memref_slice %arg6[%add3A_4, %dma_start3A] : memref<64x16xf32, #tpu.memory_space<hbm>> -> memref<1x16xf32, #tpu.memory_space<hbm>>
      %dma_start3A_621 = tpu.memref_squeeze %dma_start3A_620 : memref<1x16xf32, #tpu.memory_space<hbm>> -> memref<16xf32, #tpu.memory_space<hbm>>
      %dma_start3A_622 = arith.constant 0 : i32
      %dma_start3A_623 = tpu.memref_slice %arg6[%add3A_4, %dma_start3A_622] : memref<64x16xf32, #tpu.memory_space<hbm>> -> memref<1x16xf32, #tpu.memory_space<hbm>>
      %dma_start3A_624 = tpu.memref_squeeze %dma_start3A_623 : memref<1x16xf32, #tpu.memory_space<hbm>> -> memref<16xf32, #tpu.memory_space<hbm>>
      tpu.enqueue_dma source(%arg11 : memref<16xf32, #tpu.memory_space<vmem>>) target(%dma_start3A_624 : memref<16xf32, #tpu.memory_space<hbm>>) target_semaphore(%run_scoped3A_619 : memref<!tpu.dma_semaphore, #tpu.memory_space<semaphore_mem>>)
      %dma_wait3A = arith.constant 0 : i32
      %dma_wait3A_625 = tpu.memref_slice %arg6[%add3A_4, %dma_wait3A] : memref<64x16xf32, #tpu.memory_space<hbm>> -> memref<1x16xf32, #tpu.memory_space<hbm>>
      %dma_wait3A_626 = tpu.memref_squeeze %dma_wait3A_625 : memref<1x16xf32, #tpu.memory_space<hbm>> -> memref<16xf32, #tpu.memory_space<hbm>>
      %dma_wait3A_627 = arith.constant 0 : i32
      %dma_wait3A_628 = tpu.memref_slice %arg6[%add3A_4, %dma_wait3A_627] : memref<64x16xf32, #tpu.memory_space<hbm>> -> memref<1x16xf32, #tpu.memory_space<hbm>>
      %dma_wait3A_629 = tpu.memref_squeeze %dma_wait3A_628 : memref<1x16xf32, #tpu.memory_space<hbm>> -> memref<16xf32, #tpu.memory_space<hbm>>
      tpu.wait_dma2 semaphore(%run_scoped3A_619 : memref<!tpu.dma_semaphore, #tpu.memory_space<semaphore_mem>>) src(%arg11 : memref<16xf32, #tpu.memory_space<vmem>>) dst(%dma_wait3A_629 : memref<16xf32, #tpu.memory_space<hbm>>)
      tpu.yield
    }) : () -> ()
    %add3A_303 = arith.constant 1 : i32
    %add3A_304 = arith.addi %mul3A_2, %add3A_303 : i32
    "tpu.region"() ({
      %run_scoped3A_619 = tpu.sem_alloc : memref<!tpu.dma_semaphore, #tpu.memory_space<semaphore_mem>>
      %dma_start3A = arith.constant 0 : i32
      %dma_start3A_620 = arith.constant 0 : i32
      %dma_start3A_621 = tpu.memref_slice %arg2[%add3A_304, %dma_start3A, %dma_start3A_620] : memref<64x4x8732xf32, #tpu.memory_space<hbm>> -> memref<1x4x8732xf32, #tpu.memory_space<hbm>>
      %dma_start3A_622 = tpu.memref_squeeze %dma_start3A_621 : memref<1x4x8732xf32, #tpu.memory_space<hbm>> -> memref<4x8732xf32, #tpu.memory_space<hbm>>
      %dma_start3A_623 = arith.constant 0 : i32
      %dma_start3A_624 = arith.constant 0 : i32
      %dma_start3A_625 = tpu.memref_slice %arg2[%add3A_304, %dma_start3A_623, %dma_start3A_624] : memref<64x4x8732xf32, #tpu.memory_space<hbm>> -> memref<1x4x8732xf32, #tpu.memory_space<hbm>>
      %dma_start3A_626 = tpu.memref_squeeze %dma_start3A_625 : memref<1x4x8732xf32, #tpu.memory_space<hbm>> -> memref<4x8732xf32, #tpu.memory_space<hbm>>
      tpu.enqueue_dma source(%dma_start3A_626 : memref<4x8732xf32, #tpu.memory_space<hbm>>) target(%arg7 : memref<4x8732xf32, #tpu.memory_space<vmem>>) target_semaphore(%run_scoped3A_619 : memref<!tpu.dma_semaphore, #tpu.memory_space<semaphore_mem>>)
      %dma_wait3A = arith.constant 0 : i32
      %dma_wait3A_627 = arith.constant 0 : i32
      %dma_wait3A_628 = tpu.memref_slice %arg2[%add3A_304, %dma_wait3A, %dma_wait3A_627] : memref<64x4x8732xf32, #tpu.memory_space<hbm>> -> memref<1x4x8732xf32, #tpu.memory_space<hbm>>
      %dma_wait3A_629 = tpu.memref_squeeze %dma_wait3A_628 : memref<1x4x8732xf32, #tpu.memory_space<hbm>> -> memref<4x8732xf32, #tpu.memory_space<hbm>>
      %dma_wait3A_630 = arith.constant 0 : i32
      %dma_wait3A_631 = arith.constant 0 : i32
      %dma_wait3A_632 = tpu.memref_slice %arg2[%add3A_304, %dma_wait3A_630, %dma_wait3A_631] : memref<64x4x8732xf32, #tpu.memory_space<hbm>> -> memref<1x4x8732xf32, #tpu.memory_space<hbm>>
      %dma_wait3A_633 = tpu.memref_squeeze %dma_wait3A_632 : memref<1x4x8732xf32, #tpu.memory_space<hbm>> -> memref<4x8732xf32, #tpu.memory_space<hbm>>
      tpu.wait_dma2 semaphore(%run_scoped3A_619 : memref<!tpu.dma_semaphore, #tpu.memory_space<semaphore_mem>>) src(%dma_wait3A_633 : memref<4x8732xf32, #tpu.memory_space<hbm>>) dst(%arg7 : memref<4x8732xf32, #tpu.memory_space<vmem>>)
      tpu.yield
    }) : () -> ()
    "tpu.region"() ({
      %run_scoped3A_619 = tpu.sem_alloc : memref<!tpu.dma_semaphore, #tpu.memory_space<semaphore_mem>>
      %dma_start3A = arith.constant 0 : i32
      %dma_start3A_620 = arith.constant 0 : i32
      %dma_start3A_621 = tpu.memref_slice %arg3[%add3A_304, %dma_start3A, %dma_start3A_620] : memref<64x4x8732xf32, #tpu.memory_space<hbm>> -> memref<1x4x8732xf32, #tpu.memory_space<hbm>>
      %dma_start3A_622 = tpu.memref_squeeze %dma_start3A_621 : memref<1x4x8732xf32, #tpu.memory_space<hbm>> -> memref<4x8732xf32, #tpu.memory_space<hbm>>
      %dma_start3A_623 = arith.constant 0 : i32
      %dma_start3A_624 = arith.constant 0 : i32
      %dma_start3A_625 = tpu.memref_slice %arg3[%add3A_304, %dma_start3A_623, %dma_start3A_624] : memref<64x4x8732xf32, #tpu.memory_space<hbm>> -> memref<1x4x8732xf32, #tpu.memory_space<hbm>>
      %dma_start3A_626 = tpu.memref_squeeze %dma_start3A_625 : memref<1x4x8732xf32, #tpu.memory_space<hbm>> -> memref<4x8732xf32, #tpu.memory_space<hbm>>
      tpu.enqueue_dma source(%dma_start3A_626 : memref<4x8732xf32, #tpu.memory_space<hbm>>) target(%arg8 : memref<4x8732xf32, #tpu.memory_space<vmem>>) target_semaphore(%run_scoped3A_619 : memref<!tpu.dma_semaphore, #tpu.memory_space<semaphore_mem>>)
      %dma_wait3A = arith.constant 0 : i32
      %dma_wait3A_627 = arith.constant 0 : i32
      %dma_wait3A_628 = tpu.memref_slice %arg3[%add3A_304, %dma_wait3A, %dma_wait3A_627] : memref<64x4x8732xf32, #tpu.memory_space<hbm>> -> memref<1x4x8732xf32, #tpu.memory_space<hbm>>
      %dma_wait3A_629 = tpu.memref_squeeze %dma_wait3A_628 : memref<1x4x8732xf32, #tpu.memory_space<hbm>> -> memref<4x8732xf32, #tpu.memory_space<hbm>>
      %dma_wait3A_630 = arith.constant 0 : i32
      %dma_wait3A_631 = arith.constant 0 : i32
      %dma_wait3A_632 = tpu.memref_slice %arg3[%add3A_304, %dma_wait3A_630, %dma_wait3A_631] : memref<64x4x8732xf32, #tpu.memory_space<hbm>> -> memref<1x4x8732xf32, #tpu.memory_space<hbm>>
      %dma_wait3A_633 = tpu.memref_squeeze %dma_wait3A_632 : memref<1x4x8732xf32, #tpu.memory_space<hbm>> -> memref<4x8732xf32, #tpu.memory_space<hbm>>
      tpu.wait_dma2 semaphore(%run_scoped3A_619 : memref<!tpu.dma_semaphore, #tpu.memory_space<semaphore_mem>>) src(%dma_wait3A_633 : memref<4x8732xf32, #tpu.memory_space<hbm>>) dst(%arg8 : memref<4x8732xf32, #tpu.memory_space<vmem>>)
      tpu.yield
    }) : () -> ()
    "tpu.region"() ({
      %run_scoped3A_619 = tpu.sem_alloc : memref<!tpu.dma_semaphore, #tpu.memory_space<semaphore_mem>>
      %dma_start3A = arith.constant 0 : i32
      %dma_start3A_620 = tpu.memref_slice %arg5[%add3A_304, %dma_start3A] : memref<64x8732xi32, #tpu.memory_space<hbm>> -> memref<1x8732xi32, #tpu.memory_space<hbm>>
      %dma_start3A_621 = tpu.memref_squeeze %dma_start3A_620 : memref<1x8732xi32, #tpu.memory_space<hbm>> -> memref<8732xi32, #tpu.memory_space<hbm>>
      %dma_start3A_622 = arith.constant 0 : i32
      %dma_start3A_623 = tpu.memref_slice %arg5[%add3A_304, %dma_start3A_622] : memref<64x8732xi32, #tpu.memory_space<hbm>> -> memref<1x8732xi32, #tpu.memory_space<hbm>>
      %dma_start3A_624 = tpu.memref_squeeze %dma_start3A_623 : memref<1x8732xi32, #tpu.memory_space<hbm>> -> memref<8732xi32, #tpu.memory_space<hbm>>
      tpu.enqueue_dma source(%dma_start3A_624 : memref<8732xi32, #tpu.memory_space<hbm>>) target(%arg10 : memref<8732xi32, #tpu.memory_space<vmem>>) target_semaphore(%run_scoped3A_619 : memref<!tpu.dma_semaphore, #tpu.memory_space<semaphore_mem>>)
      %dma_wait3A = arith.constant 0 : i32
      %dma_wait3A_625 = tpu.memref_slice %arg5[%add3A_304, %dma_wait3A] : memref<64x8732xi32, #tpu.memory_space<hbm>> -> memref<1x8732xi32, #tpu.memory_space<hbm>>
      %dma_wait3A_626 = tpu.memref_squeeze %dma_wait3A_625 : memref<1x8732xi32, #tpu.memory_space<hbm>> -> memref<8732xi32, #tpu.memory_space<hbm>>
      %dma_wait3A_627 = arith.constant 0 : i32
      %dma_wait3A_628 = tpu.memref_slice %arg5[%add3A_304, %dma_wait3A_627] : memref<64x8732xi32, #tpu.memory_space<hbm>> -> memref<1x8732xi32, #tpu.memory_space<hbm>>
      %dma_wait3A_629 = tpu.memref_squeeze %dma_wait3A_628 : memref<1x8732xi32, #tpu.memory_space<hbm>> -> memref<8732xi32, #tpu.memory_space<hbm>>
      tpu.wait_dma2 semaphore(%run_scoped3A_619 : memref<!tpu.dma_semaphore, #tpu.memory_space<semaphore_mem>>) src(%dma_wait3A_629 : memref<8732xi32, #tpu.memory_space<hbm>>) dst(%arg10 : memref<8732xi32, #tpu.memory_space<vmem>>)
      tpu.yield
    }) : () -> ()
    %broadcast_in_dim3A_305 = arith.constant 0.000000e+00 : f32
    %broadcast_in_dim3A_306 = vector.broadcast %broadcast_in_dim3A_305 : f32 to vector<16xf32>
    %scan3A_307 = arith.constant 0 : i32
    %scan3A_308 = arith.constant 545 : i32
    %scan3A_309 = arith.addi %scan3A_307, %scan3A_308 : i32
    %scan3A_310 = arith.constant 1 : i32
    %scan3A_311 = scf.for %scan3A_619 = %scan3A_307 to %scan3A_309 step %scan3A_310 iter_args(%scan3A_620 = %broadcast_in_dim3A_306) -> (vector<16xf32>)  : i32 {
      %mul3A_621 = arith.constant 16 : i32
      %mul3A_622 = arith.muli %scan3A_619, %mul3A_621 : i32
      %get3A_623 = arith.constant 0 : i32
      %get3A_624 = arith.index_cast %get3A_623 : i32 to index
      %get3A_625 = arith.index_cast %mul3A_622 : i32 to index
      %get3A_626 = tpu.vector_load %arg7[%get3A_624, %get3A_625] {strides = array<i32>} : memref<4x8732xf32, #tpu.memory_space<vmem>>, vector<1x16xf32>,
      %get3A_627 = vector.shape_cast %get3A_626 : vector<1x16xf32> to vector<16xf32>
      %get3A_628 = arith.constant 1 : i32
      %get3A_629 = arith.index_cast %get3A_628 : i32 to index
      %get3A_630 = arith.index_cast %mul3A_622 : i32 to index
      %get3A_631 = tpu.vector_load %arg7[%get3A_629, %get3A_630] {strides = array<i32>} : memref<4x8732xf32, #tpu.memory_space<vmem>>, vector<1x16xf32>,
      %get3A_632 = vector.shape_cast %get3A_631 : vector<1x16xf32> to vector<16xf32>
      %get3A_633 = arith.constant 2 : i32
      %get3A_634 = arith.index_cast %get3A_633 : i32 to index
      %get3A_635 = arith.index_cast %mul3A_622 : i32 to index
      %get3A_636 = tpu.vector_load %arg7[%get3A_634, %get3A_635] {strides = array<i32>} : memref<4x8732xf32, #tpu.memory_space<vmem>>, vector<1x16xf32>,
      %get3A_637 = vector.shape_cast %get3A_636 : vector<1x16xf32> to vector<16xf32>
      %get3A_638 = arith.constant 3 : i32
      %get3A_639 = arith.index_cast %get3A_638 : i32 to index
      %get3A_640 = arith.index_cast %mul3A_622 : i32 to index
      %get3A_641 = tpu.vector_load %arg7[%get3A_639, %get3A_640] {strides = array<i32>} : memref<4x8732xf32, #tpu.memory_space<vmem>>, vector<1x16xf32>,
      %get3A_642 = vector.shape_cast %get3A_641 : vector<1x16xf32> to vector<16xf32>
      %get3A_643 = arith.constant 0 : i32
      %get3A_644 = arith.index_cast %get3A_643 : i32 to index
      %get3A_645 = arith.index_cast %mul3A_622 : i32 to index
      %get3A_646 = tpu.vector_load %arg8[%get3A_644, %get3A_645] {strides = array<i32>} : memref<4x8732xf32, #tpu.memory_space<vmem>>, vector<1x16xf32>,
      %get3A_647 = vector.shape_cast %get3A_646 : vector<1x16xf32> to vector<16xf32>
      %get3A_648 = arith.constant 1 : i32
      %get3A_649 = arith.index_cast %get3A_648 : i32 to index
      %get3A_650 = arith.index_cast %mul3A_622 : i32 to index
      %get3A_651 = tpu.vector_load %arg8[%get3A_649, %get3A_650] {strides = array<i32>} : memref<4x8732xf32, #tpu.memory_space<vmem>>, vector<1x16xf32>,
      %get3A_652 = vector.shape_cast %get3A_651 : vector<1x16xf32> to vector<16xf32>
      %get3A_653 = arith.constant 2 : i32
      %get3A_654 = arith.index_cast %get3A_653 : i32 to index
      %get3A_655 = arith.index_cast %mul3A_622 : i32 to index
      %get3A_656 = tpu.vector_load %arg8[%get3A_654, %get3A_655] {strides = array<i32>} : memref<4x8732xf32, #tpu.memory_space<vmem>>, vector<1x16xf32>,
      %get3A_657 = vector.shape_cast %get3A_656 : vector<1x16xf32> to vector<16xf32>
      %get3A_658 = arith.constant 3 : i32
      %get3A_659 = arith.index_cast %get3A_658 : i32 to index
      %get3A_660 = arith.index_cast %mul3A_622 : i32 to index
      %get3A_661 = tpu.vector_load %arg8[%get3A_659, %get3A_660] {strides = array<i32>} : memref<4x8732xf32, #tpu.memory_space<vmem>>, vector<1x16xf32>,
      %get3A_662 = vector.shape_cast %get3A_661 : vector<1x16xf32> to vector<16xf32>
      %get3A_663 = arith.constant 0 : i32
      %get3A_664 = arith.index_cast %get3A_663 : i32 to index
      %get3A_665 = arith.index_cast %mul3A_622 : i32 to index
      %get3A_666 = tpu.vector_load %arg9[%get3A_664, %get3A_665] {strides = array<i32>} : memref<4x8732xf32, #tpu.memory_space<vmem>>, vector<1x16xf32>,
      %get3A_667 = vector.shape_cast %get3A_666 : vector<1x16xf32> to vector<16xf32>
      %get3A_668 = arith.constant 1 : i32
      %get3A_669 = arith.index_cast %get3A_668 : i32 to index
      %get3A_670 = arith.index_cast %mul3A_622 : i32 to index
      %get3A_671 = tpu.vector_load %arg9[%get3A_669, %get3A_670] {strides = array<i32>} : memref<4x8732xf32, #tpu.memory_space<vmem>>, vector<1x16xf32>,
      %get3A_672 = vector.shape_cast %get3A_671 : vector<1x16xf32> to vector<16xf32>
      %get3A_673 = arith.constant 2 : i32
      %get3A_674 = arith.index_cast %get3A_673 : i32 to index
      %get3A_675 = arith.index_cast %mul3A_622 : i32 to index
      %get3A_676 = tpu.vector_load %arg9[%get3A_674, %get3A_675] {strides = array<i32>} : memref<4x8732xf32, #tpu.memory_space<vmem>>, vector<1x16xf32>,
      %get3A_677 = vector.shape_cast %get3A_676 : vector<1x16xf32> to vector<16xf32>
      %get3A_678 = arith.constant 3 : i32
      %get3A_679 = arith.index_cast %get3A_678 : i32 to index
      %get3A_680 = arith.index_cast %mul3A_622 : i32 to index
      %get3A_681 = tpu.vector_load %arg9[%get3A_679, %get3A_680] {strides = array<i32>} : memref<4x8732xf32, #tpu.memory_space<vmem>>, vector<1x16xf32>,
      %get3A_682 = vector.shape_cast %get3A_681 : vector<1x16xf32> to vector<16xf32>
      %get3A_683 = arith.index_cast %mul3A_622 : i32 to index
      %get3A_684 = tpu.vector_load %arg10[%get3A_683] {strides = array<i32>} : memref<8732xi32, #tpu.memory_space<vmem>>, vector<16xi32>,
      %get3A_685 = vector.shape_cast %get3A_684 : vector<16xi32> to vector<16xi32>
      %sub3A_686 = arith.subf %get3A_647, %get3A_667 : vector<16xf32>
      %mul3A_687 = arith.constant 1.000000e+01 : f32
      %mul3A_688 = vector.broadcast %mul3A_687 : f32 to vector<16xf32>
      %mul3A_689 = arith.mulf %mul3A_688, %sub3A_686 : vector<16xf32>
      %div3A_690 = arith.divf %mul3A_689, %get3A_677 : vector<16xf32>
      %sub3A_691 = arith.subf %get3A_627, %div3A_690 : vector<16xf32>
      %sub3A_692 = arith.subf %get3A_652, %get3A_672 : vector<16xf32>
      %mul3A_693 = arith.constant 1.000000e+01 : f32
      %mul3A_694 = vector.broadcast %mul3A_693 : f32 to vector<16xf32>
      %mul3A_695 = arith.mulf %mul3A_694, %sub3A_692 : vector<16xf32>
      %div3A_696 = arith.divf %mul3A_695, %get3A_682 : vector<16xf32>
      %sub3A_697 = arith.subf %get3A_632, %div3A_696 : vector<16xf32>
      %add3A_698 = arith.constant 9.99999997E-7 : f32
      %add3A_699 = vector.broadcast %add3A_698 : f32 to vector<16xf32>
      %add3A_700 = arith.addf %get3A_657, %add3A_699 : vector<16xf32>
      %bitcast_convert_type3A_701 = tpu.bitcast %add3A_700 : vector<16xf32> -> vector<16xi32>
      %shift_right_arithmetic3A_702 = arith.constant 23 : i32
      %shift_right_arithmetic3A_703 = vector.broadcast %shift_right_arithmetic3A_702 : i32 to vector<16xi32>
      %shift_right_arithmetic3A_704 = arith.shrsi %bitcast_convert_type3A_701, %shift_right_arithmetic3A_703 : vector<16xi32>
      %and3A_705 = arith.constant 255 : i32
      %and3A_706 = vector.broadcast %and3A_705 : i32 to vector<16xi32>
      %and3A_707 = arith.andi %shift_right_arithmetic3A_704, %and3A_706 : vector<16xi32>
      %sub3A_708 = arith.constant 127 : i32
      %sub3A_709 = vector.broadcast %sub3A_708 : i32 to vector<16xi32>
      %sub3A_710 = arith.subi %and3A_707, %sub3A_709 : vector<16xi32>
      %and3A_711 = arith.constant 8388607 : i32
      %and3A_712 = vector.broadcast %and3A_711 : i32 to vector<16xi32>
      %and3A_713 = arith.andi %bitcast_convert_type3A_701, %and3A_712 : vector<16xi32>
      %or3A_714 = arith.constant 1065353216 : i32
      %or3A_715 = vector.broadcast %or3A_714 : i32 to vector<16xi32>
      %or3A_716 = arith.ori %and3A_713, %or3A_715 : vector<16xi32>
      %bitcast_convert_type3A_717 = tpu.bitcast %or3A_716 : vector<16xi32> -> vector<16xf32>
      %sub3A_718 = arith.constant 1.000000e+00 : f32
      %sub3A_719 = vector.broadcast %sub3A_718 : f32 to vector<16xf32>
      %sub3A_720 = arith.subf %bitcast_convert_type3A_717, %sub3A_719 : vector<16xf32>
      %add3A_721 = arith.constant 1.000000e+00 : f32
      %add3A_722 = vector.broadcast %add3A_721 : f32 to vector<16xf32>
      %add3A_723 = arith.addf %bitcast_convert_type3A_717, %add3A_722 : vector<16xf32>
      %div3A_724 = arith.divf %sub3A_720, %add3A_723 : vector<16xf32>
      %mul3A_725 = arith.mulf %div3A_724, %div3A_724 : vector<16xf32>
      %mul3A_726 = arith.constant 0.142857149 : f32
      %mul3A_727 = vector.broadcast %mul3A_726 : f32 to vector<16xf32>
      %mul3A_728 = arith.mulf %mul3A_725, %mul3A_727 : vector<16xf32>
      %add3A_729 = arith.constant 2.000000e-01 : f32
      %add3A_730 = vector.broadcast %add3A_729 : f32 to vector<16xf32>
      %add3A_731 = arith.addf %add3A_730, %mul3A_728 : vector<16xf32>
      %mul3A_732 = arith.mulf %mul3A_725, %add3A_731 : vector<16xf32>
      %add3A_733 = arith.constant 0.333333343 : f32
      %add3A_734 = vector.broadcast %add3A_733 : f32 to vector<16xf32>
      %add3A_735 = arith.addf %add3A_734, %mul3A_732 : vector<16xf32>
      %mul3A_736 = arith.mulf %mul3A_725, %add3A_735 : vector<16xf32>
      %add3A_737 = arith.constant 1.000000e+00 : f32
      %add3A_738 = vector.broadcast %add3A_737 : f32 to vector<16xf32>
      %add3A_739 = arith.addf %add3A_738, %mul3A_736 : vector<16xf32>
      %mul3A_740 = arith.mulf %div3A_724, %add3A_739 : vector<16xf32>
      %convert_element_type3A_741 = arith.sitofp %sub3A_710 : vector<16xi32> to vector<16xf32>
      %mul3A_742 = arith.constant 0.693147182 : f32
      %mul3A_743 = vector.broadcast %mul3A_742 : f32 to vector<16xf32>
      %mul3A_744 = arith.mulf %convert_element_type3A_741, %mul3A_743 : vector<16xf32>
      %mul3A_745 = arith.constant 2.000000e+00 : f32
      %mul3A_746 = vector.broadcast %mul3A_745 : f32 to vector<16xf32>
      %mul3A_747 = arith.mulf %mul3A_746, %mul3A_740 : vector<16xf32>
      %add3A_748 = arith.addf %mul3A_744, %mul3A_747 : vector<16xf32>
      %bitcast_convert_type3A_749 = tpu.bitcast %get3A_677 : vector<16xf32> -> vector<16xi32>
      %shift_right_arithmetic3A_750 = arith.constant 23 : i32
      %shift_right_arithmetic3A_751 = vector.broadcast %shift_right_arithmetic3A_750 : i32 to vector<16xi32>
      %shift_right_arithmetic3A_752 = arith.shrsi %bitcast_convert_type3A_749, %shift_right_arithmetic3A_751 : vector<16xi32>
      %and3A_753 = arith.constant 255 : i32
      %and3A_754 = vector.broadcast %and3A_753 : i32 to vector<16xi32>
      %and3A_755 = arith.andi %shift_right_arithmetic3A_752, %and3A_754 : vector<16xi32>
      %sub3A_756 = arith.constant 127 : i32
      %sub3A_757 = vector.broadcast %sub3A_756 : i32 to vector<16xi32>
      %sub3A_758 = arith.subi %and3A_755, %sub3A_757 : vector<16xi32>
      %and3A_759 = arith.constant 8388607 : i32
      %and3A_760 = vector.broadcast %and3A_759 : i32 to vector<16xi32>
      %and3A_761 = arith.andi %bitcast_convert_type3A_749, %and3A_760 : vector<16xi32>
      %or3A_762 = arith.constant 1065353216 : i32
      %or3A_763 = vector.broadcast %or3A_762 : i32 to vector<16xi32>
      %or3A_764 = arith.ori %and3A_761, %or3A_763 : vector<16xi32>
      %bitcast_convert_type3A_765 = tpu.bitcast %or3A_764 : vector<16xi32> -> vector<16xf32>
      %sub3A_766 = arith.constant 1.000000e+00 : f32
      %sub3A_767 = vector.broadcast %sub3A_766 : f32 to vector<16xf32>
      %sub3A_768 = arith.subf %bitcast_convert_type3A_765, %sub3A_767 : vector<16xf32>
      %add3A_769 = arith.constant 1.000000e+00 : f32
      %add3A_770 = vector.broadcast %add3A_769 : f32 to vector<16xf32>
      %add3A_771 = arith.addf %bitcast_convert_type3A_765, %add3A_770 : vector<16xf32>
      %div3A_772 = arith.divf %sub3A_768, %add3A_771 : vector<16xf32>
      %mul3A_773 = arith.mulf %div3A_772, %div3A_772 : vector<16xf32>
      %mul3A_774 = arith.constant 0.142857149 : f32
      %mul3A_775 = vector.broadcast %mul3A_774 : f32 to vector<16xf32>
      %mul3A_776 = arith.mulf %mul3A_773, %mul3A_775 : vector<16xf32>
      %add3A_777 = arith.constant 2.000000e-01 : f32
      %add3A_778 = vector.broadcast %add3A_777 : f32 to vector<16xf32>
      %add3A_779 = arith.addf %add3A_778, %mul3A_776 : vector<16xf32>
      %mul3A_780 = arith.mulf %mul3A_773, %add3A_779 : vector<16xf32>
      %add3A_781 = arith.constant 0.333333343 : f32
      %add3A_782 = vector.broadcast %add3A_781 : f32 to vector<16xf32>
      %add3A_783 = arith.addf %add3A_782, %mul3A_780 : vector<16xf32>
      %mul3A_784 = arith.mulf %mul3A_773, %add3A_783 : vector<16xf32>
      %add3A_785 = arith.constant 1.000000e+00 : f32
      %add3A_786 = vector.broadcast %add3A_785 : f32 to vector<16xf32>
      %add3A_787 = arith.addf %add3A_786, %mul3A_784 : vector<16xf32>
      %mul3A_788 = arith.mulf %div3A_772, %add3A_787 : vector<16xf32>
      %convert_element_type3A_789 = arith.sitofp %sub3A_758 : vector<16xi32> to vector<16xf32>
      %mul3A_790 = arith.constant 0.693147182 : f32
      %mul3A_791 = vector.broadcast %mul3A_790 : f32 to vector<16xf32>
      %mul3A_792 = arith.mulf %convert_element_type3A_789, %mul3A_791 : vector<16xf32>
      %mul3A_793 = arith.constant 2.000000e+00 : f32
      %mul3A_794 = vector.broadcast %mul3A_793 : f32 to vector<16xf32>
      %mul3A_795 = arith.mulf %mul3A_794, %mul3A_788 : vector<16xf32>
      %add3A_796 = arith.addf %mul3A_792, %mul3A_795 : vector<16xf32>
      %sub3A_797 = arith.subf %add3A_748, %add3A_796 : vector<16xf32>
      %mul3A_798 = arith.constant 5.000000e+00 : f32
      %mul3A_799 = vector.broadcast %mul3A_798 : f32 to vector<16xf32>
      %mul3A_800 = arith.mulf %mul3A_799, %sub3A_797 : vector<16xf32>
      %sub3A_801 = arith.subf %get3A_637, %mul3A_800 : vector<16xf32>
      %add3A_802 = arith.constant 9.99999997E-7 : f32
      %add3A_803 = vector.broadcast %add3A_802 : f32 to vector<16xf32>
      %add3A_804 = arith.addf %get3A_662, %add3A_803 : vector<16xf32>
      %bitcast_convert_type3A_805 = tpu.bitcast %add3A_804 : vector<16xf32> -> vector<16xi32>
      %shift_right_arithmetic3A_806 = arith.constant 23 : i32
      %shift_right_arithmetic3A_807 = vector.broadcast %shift_right_arithmetic3A_806 : i32 to vector<16xi32>
      %shift_right_arithmetic3A_808 = arith.shrsi %bitcast_convert_type3A_805, %shift_right_arithmetic3A_807 : vector<16xi32>
      %and3A_809 = arith.constant 255 : i32
      %and3A_810 = vector.broadcast %and3A_809 : i32 to vector<16xi32>
      %and3A_811 = arith.andi %shift_right_arithmetic3A_808, %and3A_810 : vector<16xi32>
      %sub3A_812 = arith.constant 127 : i32
      %sub3A_813 = vector.broadcast %sub3A_812 : i32 to vector<16xi32>
      %sub3A_814 = arith.subi %and3A_811, %sub3A_813 : vector<16xi32>
      %and3A_815 = arith.constant 8388607 : i32
      %and3A_816 = vector.broadcast %and3A_815 : i32 to vector<16xi32>
      %and3A_817 = arith.andi %bitcast_convert_type3A_805, %and3A_816 : vector<16xi32>
      %or3A_818 = arith.constant 1065353216 : i32
      %or3A_819 = vector.broadcast %or3A_818 : i32 to vector<16xi32>
      %or3A_820 = arith.ori %and3A_817, %or3A_819 : vector<16xi32>
      %bitcast_convert_type3A_821 = tpu.bitcast %or3A_820 : vector<16xi32> -> vector<16xf32>
      %sub3A_822 = arith.constant 1.000000e+00 : f32
      %sub3A_823 = vector.broadcast %sub3A_822 : f32 to vector<16xf32>
      %sub3A_824 = arith.subf %bitcast_convert_type3A_821, %sub3A_823 : vector<16xf32>
      %add3A_825 = arith.constant 1.000000e+00 : f32
      %add3A_826 = vector.broadcast %add3A_825 : f32 to vector<16xf32>
      %add3A_827 = arith.addf %bitcast_convert_type3A_821, %add3A_826 : vector<16xf32>
      %div3A_828 = arith.divf %sub3A_824, %add3A_827 : vector<16xf32>
      %mul3A_829 = arith.mulf %div3A_828, %div3A_828 : vector<16xf32>
      %mul3A_830 = arith.constant 0.142857149 : f32
      %mul3A_831 = vector.broadcast %mul3A_830 : f32 to vector<16xf32>
      %mul3A_832 = arith.mulf %mul3A_829, %mul3A_831 : vector<16xf32>
      %add3A_833 = arith.constant 2.000000e-01 : f32
      %add3A_834 = vector.broadcast %add3A_833 : f32 to vector<16xf32>
      %add3A_835 = arith.addf %add3A_834, %mul3A_832 : vector<16xf32>
      %mul3A_836 = arith.mulf %mul3A_829, %add3A_835 : vector<16xf32>
      %add3A_837 = arith.constant 0.333333343 : f32
      %add3A_838 = vector.broadcast %add3A_837 : f32 to vector<16xf32>
      %add3A_839 = arith.addf %add3A_838, %mul3A_836 : vector<16xf32>
      %mul3A_840 = arith.mulf %mul3A_829, %add3A_839 : vector<16xf32>
      %add3A_841 = arith.constant 1.000000e+00 : f32
      %add3A_842 = vector.broadcast %add3A_841 : f32 to vector<16xf32>
      %add3A_843 = arith.addf %add3A_842, %mul3A_840 : vector<16xf32>
      %mul3A_844 = arith.mulf %div3A_828, %add3A_843 : vector<16xf32>
      %convert_element_type3A_845 = arith.sitofp %sub3A_814 : vector<16xi32> to vector<16xf32>
      %mul3A_846 = arith.constant 0.693147182 : f32
      %mul3A_847 = vector.broadcast %mul3A_846 : f32 to vector<16xf32>
      %mul3A_848 = arith.mulf %convert_element_type3A_845, %mul3A_847 : vector<16xf32>
      %mul3A_849 = arith.constant 2.000000e+00 : f32
      %mul3A_850 = vector.broadcast %mul3A_849 : f32 to vector<16xf32>
      %mul3A_851 = arith.mulf %mul3A_850, %mul3A_844 : vector<16xf32>
      %add3A_852 = arith.addf %mul3A_848, %mul3A_851 : vector<16xf32>
      %bitcast_convert_type3A_853 = tpu.bitcast %get3A_682 : vector<16xf32> -> vector<16xi32>
      %shift_right_arithmetic3A_854 = arith.constant 23 : i32
      %shift_right_arithmetic3A_855 = vector.broadcast %shift_right_arithmetic3A_854 : i32 to vector<16xi32>
      %shift_right_arithmetic3A_856 = arith.shrsi %bitcast_convert_type3A_853, %shift_right_arithmetic3A_855 : vector<16xi32>
      %and3A_857 = arith.constant 255 : i32
      %and3A_858 = vector.broadcast %and3A_857 : i32 to vector<16xi32>
      %and3A_859 = arith.andi %shift_right_arithmetic3A_856, %and3A_858 : vector<16xi32>
      %sub3A_860 = arith.constant 127 : i32
      %sub3A_861 = vector.broadcast %sub3A_860 : i32 to vector<16xi32>
      %sub3A_862 = arith.subi %and3A_859, %sub3A_861 : vector<16xi32>
      %and3A_863 = arith.constant 8388607 : i32
      %and3A_864 = vector.broadcast %and3A_863 : i32 to vector<16xi32>
      %and3A_865 = arith.andi %bitcast_convert_type3A_853, %and3A_864 : vector<16xi32>
      %or3A_866 = arith.constant 1065353216 : i32
      %or3A_867 = vector.broadcast %or3A_866 : i32 to vector<16xi32>
      %or3A_868 = arith.ori %and3A_865, %or3A_867 : vector<16xi32>
      %bitcast_convert_type3A_869 = tpu.bitcast %or3A_868 : vector<16xi32> -> vector<16xf32>
      %sub3A_870 = arith.constant 1.000000e+00 : f32
      %sub3A_871 = vector.broadcast %sub3A_870 : f32 to vector<16xf32>
      %sub3A_872 = arith.subf %bitcast_convert_type3A_869, %sub3A_871 : vector<16xf32>
      %add3A_873 = arith.constant 1.000000e+00 : f32
      %add3A_874 = vector.broadcast %add3A_873 : f32 to vector<16xf32>
      %add3A_875 = arith.addf %bitcast_convert_type3A_869, %add3A_874 : vector<16xf32>
      %div3A_876 = arith.divf %sub3A_872, %add3A_875 : vector<16xf32>
      %mul3A_877 = arith.mulf %div3A_876, %div3A_876 : vector<16xf32>
      %mul3A_878 = arith.constant 0.142857149 : f32
      %mul3A_879 = vector.broadcast %mul3A_878 : f32 to vector<16xf32>
      %mul3A_880 = arith.mulf %mul3A_877, %mul3A_879 : vector<16xf32>
      %add3A_881 = arith.constant 2.000000e-01 : f32
      %add3A_882 = vector.broadcast %add3A_881 : f32 to vector<16xf32>
      %add3A_883 = arith.addf %add3A_882, %mul3A_880 : vector<16xf32>
      %mul3A_884 = arith.mulf %mul3A_877, %add3A_883 : vector<16xf32>
      %add3A_885 = arith.constant 0.333333343 : f32
      %add3A_886 = vector.broadcast %add3A_885 : f32 to vector<16xf32>
      %add3A_887 = arith.addf %add3A_886, %mul3A_884 : vector<16xf32>
      %mul3A_888 = arith.mulf %mul3A_877, %add3A_887 : vector<16xf32>
      %add3A_889 = arith.constant 1.000000e+00 : f32
      %add3A_890 = vector.broadcast %add3A_889 : f32 to vector<16xf32>
      %add3A_891 = arith.addf %add3A_890, %mul3A_888 : vector<16xf32>
      %mul3A_892 = arith.mulf %div3A_876, %add3A_891 : vector<16xf32>
      %convert_element_type3A_893 = arith.sitofp %sub3A_862 : vector<16xi32> to vector<16xf32>
      %mul3A_894 = arith.constant 0.693147182 : f32
      %mul3A_895 = vector.broadcast %mul3A_894 : f32 to vector<16xf32>
      %mul3A_896 = arith.mulf %convert_element_type3A_893, %mul3A_895 : vector<16xf32>
      %mul3A_897 = arith.constant 2.000000e+00 : f32
      %mul3A_898 = vector.broadcast %mul3A_897 : f32 to vector<16xf32>
      %mul3A_899 = arith.mulf %mul3A_898, %mul3A_892 : vector<16xf32>
      %add3A_900 = arith.addf %mul3A_896, %mul3A_899 : vector<16xf32>
      %sub3A_901 = arith.subf %add3A_852, %add3A_900 : vector<16xf32>
      %mul3A_902 = arith.constant 5.000000e+00 : f32
      %mul3A_903 = vector.broadcast %mul3A_902 : f32 to vector<16xf32>
      %mul3A_904 = arith.mulf %mul3A_903, %sub3A_901 : vector<16xf32>
      %sub3A_905 = arith.subf %get3A_642, %mul3A_904 : vector<16xf32>
      %mul3A_906 = arith.mulf %sub3A_691, %sub3A_691 : vector<16xf32>
      %mul3A_907 = arith.mulf %sub3A_697, %sub3A_697 : vector<16xf32>
      %add3A_908 = arith.addf %mul3A_906, %mul3A_907 : vector<16xf32>
      %mul3A_909 = arith.mulf %sub3A_801, %sub3A_801 : vector<16xf32>
      %add3A_910 = arith.addf %add3A_908, %mul3A_909 : vector<16xf32>
      %mul3A_911 = arith.mulf %sub3A_905, %sub3A_905 : vector<16xf32>
      %add3A_912 = arith.addf %add3A_910, %mul3A_911 : vector<16xf32>
      %gt3A_913 = arith.constant 0 : i32
      %gt3A_914 = vector.broadcast %gt3A_913 : i32 to vector<16xi32>
      %gt3A_915 = arith.cmpi sgt, %get3A_685, %gt3A_914 : vector<16xi32>
      %iota3A_916 = tpu.iota {dimensions = array<i32: 0>} : vector<16xi32>
      %ge3A_917 = arith.constant 0 : i32
      %ge3A_918 = vector.broadcast %ge3A_917 : i32 to vector<16xi32>
      %ge3A_919 = arith.cmpi sge, %iota3A_916, %ge3A_918 : vector<16xi32>
      %and3A_920 = arith.andi %gt3A_915, %ge3A_919 : vector<16xi1>
      %jit3A_921 = arith.constant 0.000000e+00 : f32
      %broadcast_in_dim3A_922 = vector.broadcast %jit3A_921 : f32 to vector<16xf32>
      %select_n3A_923 = arith.select %and3A_920, %add3A_912, %broadcast_in_dim3A_922 : vector<16xi1>, vector<16xf32>
      %add3A_924 = arith.addf %scan3A_620, %select_n3A_923 : vector<16xf32>
      scf.yield %add3A_924 : vector<16xf32>
    }
    %scan3A_312 = arith.constant 545 : i32
    %get3A_313 = arith.constant 0 : i32
    %get3A_314 = arith.index_cast %get3A_313 : i32 to index
    %get3A_315 = arith.constant 8716 : index
    %get3A_316 = tpu.vector_load %arg7[%get3A_314, %get3A_315] {strides = array<i32>} : memref<4x8732xf32, #tpu.memory_space<vmem>>, vector<1x16xf32>,
    %get3A_317 = vector.shape_cast %get3A_316 : vector<1x16xf32> to vector<16xf32>
    %get3A_318 = arith.constant 1 : i32
    %get3A_319 = arith.index_cast %get3A_318 : i32 to index
    %get3A_320 = arith.constant 8716 : index
    %get3A_321 = tpu.vector_load %arg7[%get3A_319, %get3A_320] {strides = array<i32>} : memref<4x8732xf32, #tpu.memory_space<vmem>>, vector<1x16xf32>,
    %get3A_322 = vector.shape_cast %get3A_321 : vector<1x16xf32> to vector<16xf32>
    %get3A_323 = arith.constant 2 : i32
    %get3A_324 = arith.index_cast %get3A_323 : i32 to index
    %get3A_325 = arith.constant 8716 : index
    %get3A_326 = tpu.vector_load %arg7[%get3A_324, %get3A_325] {strides = array<i32>} : memref<4x8732xf32, #tpu.memory_space<vmem>>, vector<1x16xf32>,
    %get3A_327 = vector.shape_cast %get3A_326 : vector<1x16xf32> to vector<16xf32>
    %get3A_328 = arith.constant 3 : i32
    %get3A_329 = arith.index_cast %get3A_328 : i32 to index
    %get3A_330 = arith.constant 8716 : index
    %get3A_331 = tpu.vector_load %arg7[%get3A_329, %get3A_330] {strides = array<i32>} : memref<4x8732xf32, #tpu.memory_space<vmem>>, vector<1x16xf32>,
    %get3A_332 = vector.shape_cast %get3A_331 : vector<1x16xf32> to vector<16xf32>
    %get3A_333 = arith.constant 0 : i32
    %get3A_334 = arith.index_cast %get3A_333 : i32 to index
    %get3A_335 = arith.constant 8716 : index
    %get3A_336 = tpu.vector_load %arg8[%get3A_334, %get3A_335] {strides = array<i32>} : memref<4x8732xf32, #tpu.memory_space<vmem>>, vector<1x16xf32>,
    %get3A_337 = vector.shape_cast %get3A_336 : vector<1x16xf32> to vector<16xf32>
    %get3A_338 = arith.constant 1 : i32
    %get3A_339 = arith.index_cast %get3A_338 : i32 to index
    %get3A_340 = arith.constant 8716 : index
    %get3A_341 = tpu.vector_load %arg8[%get3A_339, %get3A_340] {strides = array<i32>} : memref<4x8732xf32, #tpu.memory_space<vmem>>, vector<1x16xf32>,
    %get3A_342 = vector.shape_cast %get3A_341 : vector<1x16xf32> to vector<16xf32>
    %get3A_343 = arith.constant 2 : i32
    %get3A_344 = arith.index_cast %get3A_343 : i32 to index
    %get3A_345 = arith.constant 8716 : index
    %get3A_346 = tpu.vector_load %arg8[%get3A_344, %get3A_345] {strides = array<i32>} : memref<4x8732xf32, #tpu.memory_space<vmem>>, vector<1x16xf32>,
    %get3A_347 = vector.shape_cast %get3A_346 : vector<1x16xf32> to vector<16xf32>
    %get3A_348 = arith.constant 3 : i32
    %get3A_349 = arith.index_cast %get3A_348 : i32 to index
    %get3A_350 = arith.constant 8716 : index
    %get3A_351 = tpu.vector_load %arg8[%get3A_349, %get3A_350] {strides = array<i32>} : memref<4x8732xf32, #tpu.memory_space<vmem>>, vector<1x16xf32>,
    %get3A_352 = vector.shape_cast %get3A_351 : vector<1x16xf32> to vector<16xf32>
    %get3A_353 = arith.constant 0 : i32
    %get3A_354 = arith.index_cast %get3A_353 : i32 to index
    %get3A_355 = arith.constant 8716 : index
    %get3A_356 = tpu.vector_load %arg9[%get3A_354, %get3A_355] {strides = array<i32>} : memref<4x8732xf32, #tpu.memory_space<vmem>>, vector<1x16xf32>,
    %get3A_357 = vector.shape_cast %get3A_356 : vector<1x16xf32> to vector<16xf32>
    %get3A_358 = arith.constant 1 : i32
    %get3A_359 = arith.index_cast %get3A_358 : i32 to index
    %get3A_360 = arith.constant 8716 : index
    %get3A_361 = tpu.vector_load %arg9[%get3A_359, %get3A_360] {strides = array<i32>} : memref<4x8732xf32, #tpu.memory_space<vmem>>, vector<1x16xf32>,
    %get3A_362 = vector.shape_cast %get3A_361 : vector<1x16xf32> to vector<16xf32>
    %get3A_363 = arith.constant 2 : i32
    %get3A_364 = arith.index_cast %get3A_363 : i32 to index
    %get3A_365 = arith.constant 8716 : index
    %get3A_366 = tpu.vector_load %arg9[%get3A_364, %get3A_365] {strides = array<i32>} : memref<4x8732xf32, #tpu.memory_space<vmem>>, vector<1x16xf32>,
    %get3A_367 = vector.shape_cast %get3A_366 : vector<1x16xf32> to vector<16xf32>
    %get3A_368 = arith.constant 3 : i32
    %get3A_369 = arith.index_cast %get3A_368 : i32 to index
    %get3A_370 = arith.constant 8716 : index
    %get3A_371 = tpu.vector_load %arg9[%get3A_369, %get3A_370] {strides = array<i32>} : memref<4x8732xf32, #tpu.memory_space<vmem>>, vector<1x16xf32>,
    %get3A_372 = vector.shape_cast %get3A_371 : vector<1x16xf32> to vector<16xf32>
    %get3A_373 = arith.constant 8716 : index
    %get3A_374 = tpu.vector_load %arg10[%get3A_373] {strides = array<i32>} : memref<8732xi32, #tpu.memory_space<vmem>>, vector<16xi32>,
    %get3A_375 = vector.shape_cast %get3A_374 : vector<16xi32> to vector<16xi32>
    %sub3A_376 = arith.subf %get3A_337, %get3A_357 : vector<16xf32>
    %mul3A_377 = arith.constant 1.000000e+01 : f32
    %mul3A_378 = vector.broadcast %mul3A_377 : f32 to vector<16xf32>
    %mul3A_379 = arith.mulf %mul3A_378, %sub3A_376 : vector<16xf32>
    %div3A_380 = arith.divf %mul3A_379, %get3A_367 : vector<16xf32>
    %sub3A_381 = arith.subf %get3A_317, %div3A_380 : vector<16xf32>
    %sub3A_382 = arith.subf %get3A_342, %get3A_362 : vector<16xf32>
    %mul3A_383 = arith.constant 1.000000e+01 : f32
    %mul3A_384 = vector.broadcast %mul3A_383 : f32 to vector<16xf32>
    %mul3A_385 = arith.mulf %mul3A_384, %sub3A_382 : vector<16xf32>
    %div3A_386 = arith.divf %mul3A_385, %get3A_372 : vector<16xf32>
    %sub3A_387 = arith.subf %get3A_322, %div3A_386 : vector<16xf32>
    %add3A_388 = arith.constant 9.99999997E-7 : f32
    %add3A_389 = vector.broadcast %add3A_388 : f32 to vector<16xf32>
    %add3A_390 = arith.addf %get3A_347, %add3A_389 : vector<16xf32>
    %bitcast_convert_type3A_391 = tpu.bitcast %add3A_390 : vector<16xf32> -> vector<16xi32>
    %shift_right_arithmetic3A_392 = arith.constant 23 : i32
    %shift_right_arithmetic3A_393 = vector.broadcast %shift_right_arithmetic3A_392 : i32 to vector<16xi32>
    %shift_right_arithmetic3A_394 = arith.shrsi %bitcast_convert_type3A_391, %shift_right_arithmetic3A_393 : vector<16xi32>
    %and3A_395 = arith.constant 255 : i32
    %and3A_396 = vector.broadcast %and3A_395 : i32 to vector<16xi32>
    %and3A_397 = arith.andi %shift_right_arithmetic3A_394, %and3A_396 : vector<16xi32>
    %sub3A_398 = arith.constant 127 : i32
    %sub3A_399 = vector.broadcast %sub3A_398 : i32 to vector<16xi32>
    %sub3A_400 = arith.subi %and3A_397, %sub3A_399 : vector<16xi32>
    %and3A_401 = arith.constant 8388607 : i32
    %and3A_402 = vector.broadcast %and3A_401 : i32 to vector<16xi32>
    %and3A_403 = arith.andi %bitcast_convert_type3A_391, %and3A_402 : vector<16xi32>
    %or3A_404 = arith.constant 1065353216 : i32
    %or3A_405 = vector.broadcast %or3A_404 : i32 to vector<16xi32>
    %or3A_406 = arith.ori %and3A_403, %or3A_405 : vector<16xi32>
    %bitcast_convert_type3A_407 = tpu.bitcast %or3A_406 : vector<16xi32> -> vector<16xf32>
    %sub3A_408 = arith.constant 1.000000e+00 : f32
    %sub3A_409 = vector.broadcast %sub3A_408 : f32 to vector<16xf32>
    %sub3A_410 = arith.subf %bitcast_convert_type3A_407, %sub3A_409 : vector<16xf32>
    %add3A_411 = arith.constant 1.000000e+00 : f32
    %add3A_412 = vector.broadcast %add3A_411 : f32 to vector<16xf32>
    %add3A_413 = arith.addf %bitcast_convert_type3A_407, %add3A_412 : vector<16xf32>
    %div3A_414 = arith.divf %sub3A_410, %add3A_413 : vector<16xf32>
    %mul3A_415 = arith.mulf %div3A_414, %div3A_414 : vector<16xf32>
    %mul3A_416 = arith.constant 0.142857149 : f32
    %mul3A_417 = vector.broadcast %mul3A_416 : f32 to vector<16xf32>
    %mul3A_418 = arith.mulf %mul3A_415, %mul3A_417 : vector<16xf32>
    %add3A_419 = arith.constant 2.000000e-01 : f32
    %add3A_420 = vector.broadcast %add3A_419 : f32 to vector<16xf32>
    %add3A_421 = arith.addf %add3A_420, %mul3A_418 : vector<16xf32>
    %mul3A_422 = arith.mulf %mul3A_415, %add3A_421 : vector<16xf32>
    %add3A_423 = arith.constant 0.333333343 : f32
    %add3A_424 = vector.broadcast %add3A_423 : f32 to vector<16xf32>
    %add3A_425 = arith.addf %add3A_424, %mul3A_422 : vector<16xf32>
    %mul3A_426 = arith.mulf %mul3A_415, %add3A_425 : vector<16xf32>
    %add3A_427 = arith.constant 1.000000e+00 : f32
    %add3A_428 = vector.broadcast %add3A_427 : f32 to vector<16xf32>
    %add3A_429 = arith.addf %add3A_428, %mul3A_426 : vector<16xf32>
    %mul3A_430 = arith.mulf %div3A_414, %add3A_429 : vector<16xf32>
    %convert_element_type3A_431 = arith.sitofp %sub3A_400 : vector<16xi32> to vector<16xf32>
    %mul3A_432 = arith.constant 0.693147182 : f32
    %mul3A_433 = vector.broadcast %mul3A_432 : f32 to vector<16xf32>
    %mul3A_434 = arith.mulf %convert_element_type3A_431, %mul3A_433 : vector<16xf32>
    %mul3A_435 = arith.constant 2.000000e+00 : f32
    %mul3A_436 = vector.broadcast %mul3A_435 : f32 to vector<16xf32>
    %mul3A_437 = arith.mulf %mul3A_436, %mul3A_430 : vector<16xf32>
    %add3A_438 = arith.addf %mul3A_434, %mul3A_437 : vector<16xf32>
    %bitcast_convert_type3A_439 = tpu.bitcast %get3A_367 : vector<16xf32> -> vector<16xi32>
    %shift_right_arithmetic3A_440 = arith.constant 23 : i32
    %shift_right_arithmetic3A_441 = vector.broadcast %shift_right_arithmetic3A_440 : i32 to vector<16xi32>
    %shift_right_arithmetic3A_442 = arith.shrsi %bitcast_convert_type3A_439, %shift_right_arithmetic3A_441 : vector<16xi32>
    %and3A_443 = arith.constant 255 : i32
    %and3A_444 = vector.broadcast %and3A_443 : i32 to vector<16xi32>
    %and3A_445 = arith.andi %shift_right_arithmetic3A_442, %and3A_444 : vector<16xi32>
    %sub3A_446 = arith.constant 127 : i32
    %sub3A_447 = vector.broadcast %sub3A_446 : i32 to vector<16xi32>
    %sub3A_448 = arith.subi %and3A_445, %sub3A_447 : vector<16xi32>
    %and3A_449 = arith.constant 8388607 : i32
    %and3A_450 = vector.broadcast %and3A_449 : i32 to vector<16xi32>
    %and3A_451 = arith.andi %bitcast_convert_type3A_439, %and3A_450 : vector<16xi32>
    %or3A_452 = arith.constant 1065353216 : i32
    %or3A_453 = vector.broadcast %or3A_452 : i32 to vector<16xi32>
    %or3A_454 = arith.ori %and3A_451, %or3A_453 : vector<16xi32>
    %bitcast_convert_type3A_455 = tpu.bitcast %or3A_454 : vector<16xi32> -> vector<16xf32>
    %sub3A_456 = arith.constant 1.000000e+00 : f32
    %sub3A_457 = vector.broadcast %sub3A_456 : f32 to vector<16xf32>
    %sub3A_458 = arith.subf %bitcast_convert_type3A_455, %sub3A_457 : vector<16xf32>
    %add3A_459 = arith.constant 1.000000e+00 : f32
    %add3A_460 = vector.broadcast %add3A_459 : f32 to vector<16xf32>
    %add3A_461 = arith.addf %bitcast_convert_type3A_455, %add3A_460 : vector<16xf32>
    %div3A_462 = arith.divf %sub3A_458, %add3A_461 : vector<16xf32>
    %mul3A_463 = arith.mulf %div3A_462, %div3A_462 : vector<16xf32>
    %mul3A_464 = arith.constant 0.142857149 : f32
    %mul3A_465 = vector.broadcast %mul3A_464 : f32 to vector<16xf32>
    %mul3A_466 = arith.mulf %mul3A_463, %mul3A_465 : vector<16xf32>
    %add3A_467 = arith.constant 2.000000e-01 : f32
    %add3A_468 = vector.broadcast %add3A_467 : f32 to vector<16xf32>
    %add3A_469 = arith.addf %add3A_468, %mul3A_466 : vector<16xf32>
    %mul3A_470 = arith.mulf %mul3A_463, %add3A_469 : vector<16xf32>
    %add3A_471 = arith.constant 0.333333343 : f32
    %add3A_472 = vector.broadcast %add3A_471 : f32 to vector<16xf32>
    %add3A_473 = arith.addf %add3A_472, %mul3A_470 : vector<16xf32>
    %mul3A_474 = arith.mulf %mul3A_463, %add3A_473 : vector<16xf32>
    %add3A_475 = arith.constant 1.000000e+00 : f32
    %add3A_476 = vector.broadcast %add3A_475 : f32 to vector<16xf32>
    %add3A_477 = arith.addf %add3A_476, %mul3A_474 : vector<16xf32>
    %mul3A_478 = arith.mulf %div3A_462, %add3A_477 : vector<16xf32>
    %convert_element_type3A_479 = arith.sitofp %sub3A_448 : vector<16xi32> to vector<16xf32>
    %mul3A_480 = arith.constant 0.693147182 : f32
    %mul3A_481 = vector.broadcast %mul3A_480 : f32 to vector<16xf32>
    %mul3A_482 = arith.mulf %convert_element_type3A_479, %mul3A_481 : vector<16xf32>
    %mul3A_483 = arith.constant 2.000000e+00 : f32
    %mul3A_484 = vector.broadcast %mul3A_483 : f32 to vector<16xf32>
    %mul3A_485 = arith.mulf %mul3A_484, %mul3A_478 : vector<16xf32>
    %add3A_486 = arith.addf %mul3A_482, %mul3A_485 : vector<16xf32>
    %sub3A_487 = arith.subf %add3A_438, %add3A_486 : vector<16xf32>
    %mul3A_488 = arith.constant 5.000000e+00 : f32
    %mul3A_489 = vector.broadcast %mul3A_488 : f32 to vector<16xf32>
    %mul3A_490 = arith.mulf %mul3A_489, %sub3A_487 : vector<16xf32>
    %sub3A_491 = arith.subf %get3A_327, %mul3A_490 : vector<16xf32>
    %add3A_492 = arith.constant 9.99999997E-7 : f32
    %add3A_493 = vector.broadcast %add3A_492 : f32 to vector<16xf32>
    %add3A_494 = arith.addf %get3A_352, %add3A_493 : vector<16xf32>
    %bitcast_convert_type3A_495 = tpu.bitcast %add3A_494 : vector<16xf32> -> vector<16xi32>
    %shift_right_arithmetic3A_496 = arith.constant 23 : i32
    %shift_right_arithmetic3A_497 = vector.broadcast %shift_right_arithmetic3A_496 : i32 to vector<16xi32>
    %shift_right_arithmetic3A_498 = arith.shrsi %bitcast_convert_type3A_495, %shift_right_arithmetic3A_497 : vector<16xi32>
    %and3A_499 = arith.constant 255 : i32
    %and3A_500 = vector.broadcast %and3A_499 : i32 to vector<16xi32>
    %and3A_501 = arith.andi %shift_right_arithmetic3A_498, %and3A_500 : vector<16xi32>
    %sub3A_502 = arith.constant 127 : i32
    %sub3A_503 = vector.broadcast %sub3A_502 : i32 to vector<16xi32>
    %sub3A_504 = arith.subi %and3A_501, %sub3A_503 : vector<16xi32>
    %and3A_505 = arith.constant 8388607 : i32
    %and3A_506 = vector.broadcast %and3A_505 : i32 to vector<16xi32>
    %and3A_507 = arith.andi %bitcast_convert_type3A_495, %and3A_506 : vector<16xi32>
    %or3A_508 = arith.constant 1065353216 : i32
    %or3A_509 = vector.broadcast %or3A_508 : i32 to vector<16xi32>
    %or3A_510 = arith.ori %and3A_507, %or3A_509 : vector<16xi32>
    %bitcast_convert_type3A_511 = tpu.bitcast %or3A_510 : vector<16xi32> -> vector<16xf32>
    %sub3A_512 = arith.constant 1.000000e+00 : f32
    %sub3A_513 = vector.broadcast %sub3A_512 : f32 to vector<16xf32>
    %sub3A_514 = arith.subf %bitcast_convert_type3A_511, %sub3A_513 : vector<16xf32>
    %add3A_515 = arith.constant 1.000000e+00 : f32
    %add3A_516 = vector.broadcast %add3A_515 : f32 to vector<16xf32>
    %add3A_517 = arith.addf %bitcast_convert_type3A_511, %add3A_516 : vector<16xf32>
    %div3A_518 = arith.divf %sub3A_514, %add3A_517 : vector<16xf32>
    %mul3A_519 = arith.mulf %div3A_518, %div3A_518 : vector<16xf32>
    %mul3A_520 = arith.constant 0.142857149 : f32
    %mul3A_521 = vector.broadcast %mul3A_520 : f32 to vector<16xf32>
    %mul3A_522 = arith.mulf %mul3A_519, %mul3A_521 : vector<16xf32>
    %add3A_523 = arith.constant 2.000000e-01 : f32
    %add3A_524 = vector.broadcast %add3A_523 : f32 to vector<16xf32>
    %add3A_525 = arith.addf %add3A_524, %mul3A_522 : vector<16xf32>
    %mul3A_526 = arith.mulf %mul3A_519, %add3A_525 : vector<16xf32>
    %add3A_527 = arith.constant 0.333333343 : f32
    %add3A_528 = vector.broadcast %add3A_527 : f32 to vector<16xf32>
    %add3A_529 = arith.addf %add3A_528, %mul3A_526 : vector<16xf32>
    %mul3A_530 = arith.mulf %mul3A_519, %add3A_529 : vector<16xf32>
    %add3A_531 = arith.constant 1.000000e+00 : f32
    %add3A_532 = vector.broadcast %add3A_531 : f32 to vector<16xf32>
    %add3A_533 = arith.addf %add3A_532, %mul3A_530 : vector<16xf32>
    %mul3A_534 = arith.mulf %div3A_518, %add3A_533 : vector<16xf32>
    %convert_element_type3A_535 = arith.sitofp %sub3A_504 : vector<16xi32> to vector<16xf32>
    %mul3A_536 = arith.constant 0.693147182 : f32
    %mul3A_537 = vector.broadcast %mul3A_536 : f32 to vector<16xf32>
    %mul3A_538 = arith.mulf %convert_element_type3A_535, %mul3A_537 : vector<16xf32>
    %mul3A_539 = arith.constant 2.000000e+00 : f32
    %mul3A_540 = vector.broadcast %mul3A_539 : f32 to vector<16xf32>
    %mul3A_541 = arith.mulf %mul3A_540, %mul3A_534 : vector<16xf32>
    %add3A_542 = arith.addf %mul3A_538, %mul3A_541 : vector<16xf32>
    %bitcast_convert_type3A_543 = tpu.bitcast %get3A_372 : vector<16xf32> -> vector<16xi32>
    %shift_right_arithmetic3A_544 = arith.constant 23 : i32
    %shift_right_arithmetic3A_545 = vector.broadcast %shift_right_arithmetic3A_544 : i32 to vector<16xi32>
    %shift_right_arithmetic3A_546 = arith.shrsi %bitcast_convert_type3A_543, %shift_right_arithmetic3A_545 : vector<16xi32>
    %and3A_547 = arith.constant 255 : i32
    %and3A_548 = vector.broadcast %and3A_547 : i32 to vector<16xi32>
    %and3A_549 = arith.andi %shift_right_arithmetic3A_546, %and3A_548 : vector<16xi32>
    %sub3A_550 = arith.constant 127 : i32
    %sub3A_551 = vector.broadcast %sub3A_550 : i32 to vector<16xi32>
    %sub3A_552 = arith.subi %and3A_549, %sub3A_551 : vector<16xi32>
    %and3A_553 = arith.constant 8388607 : i32
    %and3A_554 = vector.broadcast %and3A_553 : i32 to vector<16xi32>
    %and3A_555 = arith.andi %bitcast_convert_type3A_543, %and3A_554 : vector<16xi32>
    %or3A_556 = arith.constant 1065353216 : i32
    %or3A_557 = vector.broadcast %or3A_556 : i32 to vector<16xi32>
    %or3A_558 = arith.ori %and3A_555, %or3A_557 : vector<16xi32>
    %bitcast_convert_type3A_559 = tpu.bitcast %or3A_558 : vector<16xi32> -> vector<16xf32>
    %sub3A_560 = arith.constant 1.000000e+00 : f32
    %sub3A_561 = vector.broadcast %sub3A_560 : f32 to vector<16xf32>
    %sub3A_562 = arith.subf %bitcast_convert_type3A_559, %sub3A_561 : vector<16xf32>
    %add3A_563 = arith.constant 1.000000e+00 : f32
    %add3A_564 = vector.broadcast %add3A_563 : f32 to vector<16xf32>
    %add3A_565 = arith.addf %bitcast_convert_type3A_559, %add3A_564 : vector<16xf32>
    %div3A_566 = arith.divf %sub3A_562, %add3A_565 : vector<16xf32>
    %mul3A_567 = arith.mulf %div3A_566, %div3A_566 : vector<16xf32>
    %mul3A_568 = arith.constant 0.142857149 : f32
    %mul3A_569 = vector.broadcast %mul3A_568 : f32 to vector<16xf32>
    %mul3A_570 = arith.mulf %mul3A_567, %mul3A_569 : vector<16xf32>
    %add3A_571 = arith.constant 2.000000e-01 : f32
    %add3A_572 = vector.broadcast %add3A_571 : f32 to vector<16xf32>
    %add3A_573 = arith.addf %add3A_572, %mul3A_570 : vector<16xf32>
    %mul3A_574 = arith.mulf %mul3A_567, %add3A_573 : vector<16xf32>
    %add3A_575 = arith.constant 0.333333343 : f32
    %add3A_576 = vector.broadcast %add3A_575 : f32 to vector<16xf32>
    %add3A_577 = arith.addf %add3A_576, %mul3A_574 : vector<16xf32>
    %mul3A_578 = arith.mulf %mul3A_567, %add3A_577 : vector<16xf32>
    %add3A_579 = arith.constant 1.000000e+00 : f32
    %add3A_580 = vector.broadcast %add3A_579 : f32 to vector<16xf32>
    %add3A_581 = arith.addf %add3A_580, %mul3A_578 : vector<16xf32>
    %mul3A_582 = arith.mulf %div3A_566, %add3A_581 : vector<16xf32>
    %convert_element_type3A_583 = arith.sitofp %sub3A_552 : vector<16xi32> to vector<16xf32>
    %mul3A_584 = arith.constant 0.693147182 : f32
    %mul3A_585 = vector.broadcast %mul3A_584 : f32 to vector<16xf32>
    %mul3A_586 = arith.mulf %convert_element_type3A_583, %mul3A_585 : vector<16xf32>
    %mul3A_587 = arith.constant 2.000000e+00 : f32
    %mul3A_588 = vector.broadcast %mul3A_587 : f32 to vector<16xf32>
    %mul3A_589 = arith.mulf %mul3A_588, %mul3A_582 : vector<16xf32>
    %add3A_590 = arith.addf %mul3A_586, %mul3A_589 : vector<16xf32>
    %sub3A_591 = arith.subf %add3A_542, %add3A_590 : vector<16xf32>
    %mul3A_592 = arith.constant 5.000000e+00 : f32
    %mul3A_593 = vector.broadcast %mul3A_592 : f32 to vector<16xf32>
    %mul3A_594 = arith.mulf %mul3A_593, %sub3A_591 : vector<16xf32>
    %sub3A_595 = arith.subf %get3A_332, %mul3A_594 : vector<16xf32>
    %mul3A_596 = arith.mulf %sub3A_381, %sub3A_381 : vector<16xf32>
    %mul3A_597 = arith.mulf %sub3A_387, %sub3A_387 : vector<16xf32>
    %add3A_598 = arith.addf %mul3A_596, %mul3A_597 : vector<16xf32>
    %mul3A_599 = arith.mulf %sub3A_491, %sub3A_491 : vector<16xf32>
    %add3A_600 = arith.addf %add3A_598, %mul3A_599 : vector<16xf32>
    %mul3A_601 = arith.mulf %sub3A_595, %sub3A_595 : vector<16xf32>
    %add3A_602 = arith.addf %add3A_600, %mul3A_601 : vector<16xf32>
    %gt3A_603 = arith.constant 0 : i32
    %gt3A_604 = vector.broadcast %gt3A_603 : i32 to vector<16xi32>
    %gt3A_605 = arith.cmpi sgt, %get3A_375, %gt3A_604 : vector<16xi32>
    %iota3A_606 = tpu.iota {dimensions = array<i32: 0>} : vector<16xi32>
    %ge3A_607 = arith.constant 4 : i32
    %ge3A_608 = vector.broadcast %ge3A_607 : i32 to vector<16xi32>
    %ge3A_609 = arith.cmpi sge, %iota3A_606, %ge3A_608 : vector<16xi32>
    %and3A_610 = arith.andi %gt3A_605, %ge3A_609 : vector<16xi1>
    %jit3A_611 = arith.constant 0.000000e+00 : f32
    %broadcast_in_dim3A_612 = vector.broadcast %jit3A_611 : f32 to vector<16xf32>
    %select_n3A_613 = arith.select %and3A_610, %add3A_602, %broadcast_in_dim3A_612 : vector<16xi1>, vector<16xf32>
    %add3A_614 = arith.addf %scan3A_311, %select_n3A_613 : vector<16xf32>
    %swap3A_615 = arith.constant 0 : index
    %swap3A_616 = tpu.vector_load %arg11[%swap3A_615] {strides = array<i32>} : memref<16xf32, #tpu.memory_space<vmem>>, vector<16xf32>,
    %swap3A_617 = vector.shape_cast %swap3A_616 : vector<16xf32> to vector<16xf32>
    %swap3A_618 = vector.shape_cast %add3A_614 : vector<16xf32> to vector<16xf32>
    tpu.vector_store %arg11[%swap3A_615], %swap3A_618 {strides = array<i32>} : memref<16xf32, #tpu.memory_space<vmem>>, vector<16xf32>,
    "tpu.region"() ({
      %run_scoped3A_619 = tpu.sem_alloc : memref<!tpu.dma_semaphore, #tpu.memory_space<semaphore_mem>>
      %dma_start3A = arith.constant 0 : i32
      %dma_start3A_620 = tpu.memref_slice %arg6[%add3A_304, %dma_start3A] : memref<64x16xf32, #tpu.memory_space<hbm>> -> memref<1x16xf32, #tpu.memory_space<hbm>>
      %dma_start3A_621 = tpu.memref_squeeze %dma_start3A_620 : memref<1x16xf32, #tpu.memory_space<hbm>> -> memref<16xf32, #tpu.memory_space<hbm>>
      %dma_start3A_622 = arith.constant 0 : i32
      %dma_start3A_623 = tpu.memref_slice %arg6[%add3A_304, %dma_start3A_622] : memref<64x16xf32, #tpu.memory_space<hbm>> -> memref<1x16xf32, #tpu.memory_space<hbm>>
      %dma_start3A_624 = tpu.memref_squeeze %dma_start3A_623 : memref<1x16xf32, #tpu.memory_space<hbm>> -> memref<16xf32, #tpu.memory_space<hbm>>
      tpu.enqueue_dma source(%arg11 : memref<16xf32, #tpu.memory_space<vmem>>) target(%dma_start3A_624 : memref<16xf32, #tpu.memory_space<hbm>>) target_semaphore(%run_scoped3A_619 : memref<!tpu.dma_semaphore, #tpu.memory_space<semaphore_mem>>)
      %dma_wait3A = arith.constant 0 : i32
      %dma_wait3A_625 = tpu.memref_slice %arg6[%add3A_304, %dma_wait3A] : memref<64x16xf32, #tpu.memory_space<hbm>> -> memref<1x16xf32, #tpu.memory_space<hbm>>
      %dma_wait3A_626 = tpu.memref_squeeze %dma_wait3A_625 : memref<1x16xf32, #tpu.memory_space<hbm>> -> memref<16xf32, #tpu.memory_space<hbm>>
      %dma_wait3A_627 = arith.constant 0 : i32
      %dma_wait3A_628 = tpu.memref_slice %arg6[%add3A_304, %dma_wait3A_627] : memref<64x16xf32, #tpu.memory_space<hbm>> -> memref<1x16xf32, #tpu.memory_space<hbm>>
      %dma_wait3A_629 = tpu.memref_squeeze %dma_wait3A_628 : memref<1x16xf32, #tpu.memory_space<hbm>> -> memref<16xf32, #tpu.memory_space<hbm>>
      tpu.wait_dma2 semaphore(%run_scoped3A_619 : memref<!tpu.dma_semaphore, #tpu.memory_space<semaphore_mem>>) src(%arg11 : memref<16xf32, #tpu.memory_space<vmem>>) dst(%dma_wait3A_629 : memref<16xf32, #tpu.memory_space<hbm>>)
      tpu.yield
    }) : () -> ()
    return
  }
}

module attributes {stable_mosaic.version = 14 : i64} {
  func.func @_tc_body(%arg0: i32, %arg1: memref<8x81x8732xf32, #tpu.memory_space<vmem>>, %arg2: memref<8x8732xi32, #tpu.memory_space<vmem>>, %arg3: memref<8x128xf32, #tpu.memory_space<vmem>>, %arg4: memref<8x8732xf32, #tpu.memory_space<vmem>>) attributes {dimension_semantics = [#tpu.dimension_semantics<arbitrary>], iteration_bounds = array<i64: 8>, scalar_prefetch = 0 : i64, scratch_operands = 1 : i64, tpu.core_type = #tpu.core_type<tc>, window_params = [{transform_indices = @transform_0, window_bounds = array<i64: 8, 81, 8732>}, {transform_indices = @transform_1, window_bounds = array<i64: 8, 8732>}, {transform_indices = @transform_2, window_bounds = array<i64: 8, 128>}]} {
    %get3A = arith.constant 0 : index
    %get3A_0 = arith.constant 0 : index
    %get3A_1 = vector.load %arg2[%get3A, %get3A_0] : memref<8x8732xi32, #tpu.memory_space<vmem>>, vector<8x8732xi32>
    %gt3A = arith.constant 0 : i32
    %gt3A_2 = vector.broadcast %gt3A : i32 to vector<8x8732xi32>
    %gt3A_3 = arith.cmpi sgt, %get3A_1, %gt3A_2 : vector<8x8732xi32>
    %iota3A = tpu.iota {dimensions = array<i32: 0>} : vector<81x8732xi32>
    %broadcast_in_dim3A = arith.constant 1.000000e+00 : f32
    %broadcast_in_dim3A_4 = vector.broadcast %broadcast_in_dim3A : f32 to vector<1x81xf32>
    %get3A_5 = arith.constant 0 : index
    %get3A_6 = arith.constant 0 : index
    %get3A_7 = arith.constant 0 : index
    %get3A_8 = vector.load %arg1[%get3A_5, %get3A_6, %get3A_7] : memref<8x81x8732xf32, #tpu.memory_space<vmem>>, vector<1x81x8732xf32>
    %get3A_9 = vector.shape_cast %get3A_8 : vector<1x81x8732xf32> to vector<81x8732xf32>
    %exp3A = math.exp %get3A_9 : vector<81x8732xf32>
    %dot_general3A = arith.constant dense<0.000000e+00> : vector<1x8732xf32>
    %dot_general3A_10 = tpu.matmul %broadcast_in_dim3A_4, %exp3A, %dot_general3A {dimension_numbers = #tpu.dot_dimension_numbers<[1], [0], [0], [1], [0, 0, 1, 1], [], []>, transpose_lhs_hint = false} : vector<1x81xf32>, vector<81x8732xf32>, vector<1x8732xf32> -> vector<1x8732xf32>
    %slice3A = vector.extract_strided_slice %get3A_1 {offsets = [0, 0], sizes = [1, 8732], strides = [1, 1]} : vector<8x8732xi32> to vector<1x8732xi32>
    %eq3A = vector.broadcast %slice3A : vector<1x8732xi32> to vector<81x8732xi32>
    %eq3A_11 = arith.cmpi eq, %iota3A, %eq3A : vector<81x8732xi32>
    %jit3A = arith.constant 0.000000e+00 : f32
    %broadcast_in_dim3A_12 = vector.broadcast %jit3A : f32 to vector<81x8732xf32>
    %select_n3A = arith.select %eq3A_11, %get3A_9, %broadcast_in_dim3A_12 : vector<81x8732xi1>, vector<81x8732xf32>
    %dot_general3A_13 = arith.constant dense<0.000000e+00> : vector<1x8732xf32>
    %dot_general3A_14 = tpu.matmul %broadcast_in_dim3A_4, %select_n3A, %dot_general3A_13 {dimension_numbers = #tpu.dot_dimension_numbers<[1], [0], [0], [1], [0, 0, 1, 1], [], []>, transpose_lhs_hint = false} : vector<1x81xf32>, vector<81x8732xf32>, vector<1x8732xf32> -> vector<1x8732xf32>
    %log3A = math.log %dot_general3A_10 : vector<1x8732xf32>
    %sub3A = arith.subf %dot_general3A_14, %log3A : vector<1x8732xf32>
    %swap3A = arith.constant 0 : index
    %swap3A_15 = arith.constant 0 : index
    %swap3A_16 = vector.load %arg4[%swap3A, %swap3A_15] : memref<8x8732xf32, #tpu.memory_space<vmem>>, vector<1x8732xf32>
    tpu.vector_store %arg4[%swap3A, %swap3A_15], %sub3A {strides = array<i32>} : memref<8x8732xf32, #tpu.memory_space<vmem>>, vector<1x8732xf32>,
    %get3A_17 = arith.constant 1 : index
    %get3A_18 = arith.constant 0 : index
    %get3A_19 = arith.constant 0 : index
    %get3A_20 = vector.load %arg1[%get3A_17, %get3A_18, %get3A_19] : memref<8x81x8732xf32, #tpu.memory_space<vmem>>, vector<1x81x8732xf32>
    %get3A_21 = vector.shape_cast %get3A_20 : vector<1x81x8732xf32> to vector<81x8732xf32>
    %exp3A_22 = math.exp %get3A_21 : vector<81x8732xf32>
    %dot_general3A_23 = arith.constant dense<0.000000e+00> : vector<1x8732xf32>
    %dot_general3A_24 = tpu.matmul %broadcast_in_dim3A_4, %exp3A_22, %dot_general3A_23 {dimension_numbers = #tpu.dot_dimension_numbers<[1], [0], [0], [1], [0, 0, 1, 1], [], []>, transpose_lhs_hint = false} : vector<1x81xf32>, vector<81x8732xf32>, vector<1x8732xf32> -> vector<1x8732xf32>
    %slice3A_25 = vector.extract_strided_slice %get3A_1 {offsets = [1, 0], sizes = [1, 8732], strides = [1, 1]} : vector<8x8732xi32> to vector<1x8732xi32>
    %eq3A_26 = vector.broadcast %slice3A_25 : vector<1x8732xi32> to vector<81x8732xi32>
    %eq3A_27 = arith.cmpi eq, %iota3A, %eq3A_26 : vector<81x8732xi32>
    %jit3A_28 = arith.constant 0.000000e+00 : f32
    %broadcast_in_dim3A_29 = vector.broadcast %jit3A_28 : f32 to vector<81x8732xf32>
    %select_n3A_30 = arith.select %eq3A_27, %get3A_21, %broadcast_in_dim3A_29 : vector<81x8732xi1>, vector<81x8732xf32>
    %dot_general3A_31 = arith.constant dense<0.000000e+00> : vector<1x8732xf32>
    %dot_general3A_32 = tpu.matmul %broadcast_in_dim3A_4, %select_n3A_30, %dot_general3A_31 {dimension_numbers = #tpu.dot_dimension_numbers<[1], [0], [0], [1], [0, 0, 1, 1], [], []>, transpose_lhs_hint = false} : vector<1x81xf32>, vector<81x8732xf32>, vector<1x8732xf32> -> vector<1x8732xf32>
    %log3A_33 = math.log %dot_general3A_24 : vector<1x8732xf32>
    %sub3A_34 = arith.subf %dot_general3A_32, %log3A_33 : vector<1x8732xf32>
    %swap3A_35 = arith.constant 1 : index
    %swap3A_36 = arith.constant 0 : index
    %swap3A_37 = vector.load %arg4[%swap3A_35, %swap3A_36] : memref<8x8732xf32, #tpu.memory_space<vmem>>, vector<1x8732xf32>
    tpu.vector_store %arg4[%swap3A_35, %swap3A_36], %sub3A_34 {strides = array<i32>} : memref<8x8732xf32, #tpu.memory_space<vmem>>, vector<1x8732xf32>,
    %get3A_38 = arith.constant 2 : index
    %get3A_39 = arith.constant 0 : index
    %get3A_40 = arith.constant 0 : index
    %get3A_41 = vector.load %arg1[%get3A_38, %get3A_39, %get3A_40] : memref<8x81x8732xf32, #tpu.memory_space<vmem>>, vector<1x81x8732xf32>
    %get3A_42 = vector.shape_cast %get3A_41 : vector<1x81x8732xf32> to vector<81x8732xf32>
    %exp3A_43 = math.exp %get3A_42 : vector<81x8732xf32>
    %dot_general3A_44 = arith.constant dense<0.000000e+00> : vector<1x8732xf32>
    %dot_general3A_45 = tpu.matmul %broadcast_in_dim3A_4, %exp3A_43, %dot_general3A_44 {dimension_numbers = #tpu.dot_dimension_numbers<[1], [0], [0], [1], [0, 0, 1, 1], [], []>, transpose_lhs_hint = false} : vector<1x81xf32>, vector<81x8732xf32>, vector<1x8732xf32> -> vector<1x8732xf32>
    %slice3A_46 = vector.extract_strided_slice %get3A_1 {offsets = [2, 0], sizes = [1, 8732], strides = [1, 1]} : vector<8x8732xi32> to vector<1x8732xi32>
    %eq3A_47 = vector.broadcast %slice3A_46 : vector<1x8732xi32> to vector<81x8732xi32>
    %eq3A_48 = arith.cmpi eq, %iota3A, %eq3A_47 : vector<81x8732xi32>
    %jit3A_49 = arith.constant 0.000000e+00 : f32
    %broadcast_in_dim3A_50 = vector.broadcast %jit3A_49 : f32 to vector<81x8732xf32>
    %select_n3A_51 = arith.select %eq3A_48, %get3A_42, %broadcast_in_dim3A_50 : vector<81x8732xi1>, vector<81x8732xf32>
    %dot_general3A_52 = arith.constant dense<0.000000e+00> : vector<1x8732xf32>
    %dot_general3A_53 = tpu.matmul %broadcast_in_dim3A_4, %select_n3A_51, %dot_general3A_52 {dimension_numbers = #tpu.dot_dimension_numbers<[1], [0], [0], [1], [0, 0, 1, 1], [], []>, transpose_lhs_hint = false} : vector<1x81xf32>, vector<81x8732xf32>, vector<1x8732xf32> -> vector<1x8732xf32>
    %log3A_54 = math.log %dot_general3A_45 : vector<1x8732xf32>
    %sub3A_55 = arith.subf %dot_general3A_53, %log3A_54 : vector<1x8732xf32>
    %swap3A_56 = arith.constant 2 : index
    %swap3A_57 = arith.constant 0 : index
    %swap3A_58 = vector.load %arg4[%swap3A_56, %swap3A_57] : memref<8x8732xf32, #tpu.memory_space<vmem>>, vector<1x8732xf32>
    tpu.vector_store %arg4[%swap3A_56, %swap3A_57], %sub3A_55 {strides = array<i32>} : memref<8x8732xf32, #tpu.memory_space<vmem>>, vector<1x8732xf32>,
    %get3A_59 = arith.constant 3 : index
    %get3A_60 = arith.constant 0 : index
    %get3A_61 = arith.constant 0 : index
    %get3A_62 = vector.load %arg1[%get3A_59, %get3A_60, %get3A_61] : memref<8x81x8732xf32, #tpu.memory_space<vmem>>, vector<1x81x8732xf32>
    %get3A_63 = vector.shape_cast %get3A_62 : vector<1x81x8732xf32> to vector<81x8732xf32>
    %exp3A_64 = math.exp %get3A_63 : vector<81x8732xf32>
    %dot_general3A_65 = arith.constant dense<0.000000e+00> : vector<1x8732xf32>
    %dot_general3A_66 = tpu.matmul %broadcast_in_dim3A_4, %exp3A_64, %dot_general3A_65 {dimension_numbers = #tpu.dot_dimension_numbers<[1], [0], [0], [1], [0, 0, 1, 1], [], []>, transpose_lhs_hint = false} : vector<1x81xf32>, vector<81x8732xf32>, vector<1x8732xf32> -> vector<1x8732xf32>
    %slice3A_67 = vector.extract_strided_slice %get3A_1 {offsets = [3, 0], sizes = [1, 8732], strides = [1, 1]} : vector<8x8732xi32> to vector<1x8732xi32>
    %eq3A_68 = vector.broadcast %slice3A_67 : vector<1x8732xi32> to vector<81x8732xi32>
    %eq3A_69 = arith.cmpi eq, %iota3A, %eq3A_68 : vector<81x8732xi32>
    %jit3A_70 = arith.constant 0.000000e+00 : f32
    %broadcast_in_dim3A_71 = vector.broadcast %jit3A_70 : f32 to vector<81x8732xf32>
    %select_n3A_72 = arith.select %eq3A_69, %get3A_63, %broadcast_in_dim3A_71 : vector<81x8732xi1>, vector<81x8732xf32>
    %dot_general3A_73 = arith.constant dense<0.000000e+00> : vector<1x8732xf32>
    %dot_general3A_74 = tpu.matmul %broadcast_in_dim3A_4, %select_n3A_72, %dot_general3A_73 {dimension_numbers = #tpu.dot_dimension_numbers<[1], [0], [0], [1], [0, 0, 1, 1], [], []>, transpose_lhs_hint = false} : vector<1x81xf32>, vector<81x8732xf32>, vector<1x8732xf32> -> vector<1x8732xf32>
    %log3A_75 = math.log %dot_general3A_66 : vector<1x8732xf32>
    %sub3A_76 = arith.subf %dot_general3A_74, %log3A_75 : vector<1x8732xf32>
    %swap3A_77 = arith.constant 3 : index
    %swap3A_78 = arith.constant 0 : index
    %swap3A_79 = vector.load %arg4[%swap3A_77, %swap3A_78] : memref<8x8732xf32, #tpu.memory_space<vmem>>, vector<1x8732xf32>
    tpu.vector_store %arg4[%swap3A_77, %swap3A_78], %sub3A_76 {strides = array<i32>} : memref<8x8732xf32, #tpu.memory_space<vmem>>, vector<1x8732xf32>,
    %get3A_80 = arith.constant 4 : index
    %get3A_81 = arith.constant 0 : index
    %get3A_82 = arith.constant 0 : index
    %get3A_83 = vector.load %arg1[%get3A_80, %get3A_81, %get3A_82] : memref<8x81x8732xf32, #tpu.memory_space<vmem>>, vector<1x81x8732xf32>
    %get3A_84 = vector.shape_cast %get3A_83 : vector<1x81x8732xf32> to vector<81x8732xf32>
    %exp3A_85 = math.exp %get3A_84 : vector<81x8732xf32>
    %dot_general3A_86 = arith.constant dense<0.000000e+00> : vector<1x8732xf32>
    %dot_general3A_87 = tpu.matmul %broadcast_in_dim3A_4, %exp3A_85, %dot_general3A_86 {dimension_numbers = #tpu.dot_dimension_numbers<[1], [0], [0], [1], [0, 0, 1, 1], [], []>, transpose_lhs_hint = false} : vector<1x81xf32>, vector<81x8732xf32>, vector<1x8732xf32> -> vector<1x8732xf32>
    %slice3A_88 = vector.extract_strided_slice %get3A_1 {offsets = [4, 0], sizes = [1, 8732], strides = [1, 1]} : vector<8x8732xi32> to vector<1x8732xi32>
    %eq3A_89 = vector.broadcast %slice3A_88 : vector<1x8732xi32> to vector<81x8732xi32>
    %eq3A_90 = arith.cmpi eq, %iota3A, %eq3A_89 : vector<81x8732xi32>
    %jit3A_91 = arith.constant 0.000000e+00 : f32
    %broadcast_in_dim3A_92 = vector.broadcast %jit3A_91 : f32 to vector<81x8732xf32>
    %select_n3A_93 = arith.select %eq3A_90, %get3A_84, %broadcast_in_dim3A_92 : vector<81x8732xi1>, vector<81x8732xf32>
    %dot_general3A_94 = arith.constant dense<0.000000e+00> : vector<1x8732xf32>
    %dot_general3A_95 = tpu.matmul %broadcast_in_dim3A_4, %select_n3A_93, %dot_general3A_94 {dimension_numbers = #tpu.dot_dimension_numbers<[1], [0], [0], [1], [0, 0, 1, 1], [], []>, transpose_lhs_hint = false} : vector<1x81xf32>, vector<81x8732xf32>, vector<1x8732xf32> -> vector<1x8732xf32>
    %log3A_96 = math.log %dot_general3A_87 : vector<1x8732xf32>
    %sub3A_97 = arith.subf %dot_general3A_95, %log3A_96 : vector<1x8732xf32>
    %swap3A_98 = arith.constant 4 : index
    %swap3A_99 = arith.constant 0 : index
    %swap3A_100 = vector.load %arg4[%swap3A_98, %swap3A_99] : memref<8x8732xf32, #tpu.memory_space<vmem>>, vector<1x8732xf32>
    tpu.vector_store %arg4[%swap3A_98, %swap3A_99], %sub3A_97 {strides = array<i32>} : memref<8x8732xf32, #tpu.memory_space<vmem>>, vector<1x8732xf32>,
    %get3A_101 = arith.constant 5 : index
    %get3A_102 = arith.constant 0 : index
    %get3A_103 = arith.constant 0 : index
    %get3A_104 = vector.load %arg1[%get3A_101, %get3A_102, %get3A_103] : memref<8x81x8732xf32, #tpu.memory_space<vmem>>, vector<1x81x8732xf32>
    %get3A_105 = vector.shape_cast %get3A_104 : vector<1x81x8732xf32> to vector<81x8732xf32>
    %exp3A_106 = math.exp %get3A_105 : vector<81x8732xf32>
    %dot_general3A_107 = arith.constant dense<0.000000e+00> : vector<1x8732xf32>
    %dot_general3A_108 = tpu.matmul %broadcast_in_dim3A_4, %exp3A_106, %dot_general3A_107 {dimension_numbers = #tpu.dot_dimension_numbers<[1], [0], [0], [1], [0, 0, 1, 1], [], []>, transpose_lhs_hint = false} : vector<1x81xf32>, vector<81x8732xf32>, vector<1x8732xf32> -> vector<1x8732xf32>
    %slice3A_109 = vector.extract_strided_slice %get3A_1 {offsets = [5, 0], sizes = [1, 8732], strides = [1, 1]} : vector<8x8732xi32> to vector<1x8732xi32>
    %eq3A_110 = vector.broadcast %slice3A_109 : vector<1x8732xi32> to vector<81x8732xi32>
    %eq3A_111 = arith.cmpi eq, %iota3A, %eq3A_110 : vector<81x8732xi32>
    %jit3A_112 = arith.constant 0.000000e+00 : f32
    %broadcast_in_dim3A_113 = vector.broadcast %jit3A_112 : f32 to vector<81x8732xf32>
    %select_n3A_114 = arith.select %eq3A_111, %get3A_105, %broadcast_in_dim3A_113 : vector<81x8732xi1>, vector<81x8732xf32>
    %dot_general3A_115 = arith.constant dense<0.000000e+00> : vector<1x8732xf32>
    %dot_general3A_116 = tpu.matmul %broadcast_in_dim3A_4, %select_n3A_114, %dot_general3A_115 {dimension_numbers = #tpu.dot_dimension_numbers<[1], [0], [0], [1], [0, 0, 1, 1], [], []>, transpose_lhs_hint = false} : vector<1x81xf32>, vector<81x8732xf32>, vector<1x8732xf32> -> vector<1x8732xf32>
    %log3A_117 = math.log %dot_general3A_108 : vector<1x8732xf32>
    %sub3A_118 = arith.subf %dot_general3A_116, %log3A_117 : vector<1x8732xf32>
    %swap3A_119 = arith.constant 5 : index
    %swap3A_120 = arith.constant 0 : index
    %swap3A_121 = vector.load %arg4[%swap3A_119, %swap3A_120] : memref<8x8732xf32, #tpu.memory_space<vmem>>, vector<1x8732xf32>
    tpu.vector_store %arg4[%swap3A_119, %swap3A_120], %sub3A_118 {strides = array<i32>} : memref<8x8732xf32, #tpu.memory_space<vmem>>, vector<1x8732xf32>,
    %get3A_122 = arith.constant 6 : index
    %get3A_123 = arith.constant 0 : index
    %get3A_124 = arith.constant 0 : index
    %get3A_125 = vector.load %arg1[%get3A_122, %get3A_123, %get3A_124] : memref<8x81x8732xf32, #tpu.memory_space<vmem>>, vector<1x81x8732xf32>
    %get3A_126 = vector.shape_cast %get3A_125 : vector<1x81x8732xf32> to vector<81x8732xf32>
    %exp3A_127 = math.exp %get3A_126 : vector<81x8732xf32>
    %dot_general3A_128 = arith.constant dense<0.000000e+00> : vector<1x8732xf32>
    %dot_general3A_129 = tpu.matmul %broadcast_in_dim3A_4, %exp3A_127, %dot_general3A_128 {dimension_numbers = #tpu.dot_dimension_numbers<[1], [0], [0], [1], [0, 0, 1, 1], [], []>, transpose_lhs_hint = false} : vector<1x81xf32>, vector<81x8732xf32>, vector<1x8732xf32> -> vector<1x8732xf32>
    %slice3A_130 = vector.extract_strided_slice %get3A_1 {offsets = [6, 0], sizes = [1, 8732], strides = [1, 1]} : vector<8x8732xi32> to vector<1x8732xi32>
    %eq3A_131 = vector.broadcast %slice3A_130 : vector<1x8732xi32> to vector<81x8732xi32>
    %eq3A_132 = arith.cmpi eq, %iota3A, %eq3A_131 : vector<81x8732xi32>
    %jit3A_133 = arith.constant 0.000000e+00 : f32
    %broadcast_in_dim3A_134 = vector.broadcast %jit3A_133 : f32 to vector<81x8732xf32>
    %select_n3A_135 = arith.select %eq3A_132, %get3A_126, %broadcast_in_dim3A_134 : vector<81x8732xi1>, vector<81x8732xf32>
    %dot_general3A_136 = arith.constant dense<0.000000e+00> : vector<1x8732xf32>
    %dot_general3A_137 = tpu.matmul %broadcast_in_dim3A_4, %select_n3A_135, %dot_general3A_136 {dimension_numbers = #tpu.dot_dimension_numbers<[1], [0], [0], [1], [0, 0, 1, 1], [], []>, transpose_lhs_hint = false} : vector<1x81xf32>, vector<81x8732xf32>, vector<1x8732xf32> -> vector<1x8732xf32>
    %log3A_138 = math.log %dot_general3A_129 : vector<1x8732xf32>
    %sub3A_139 = arith.subf %dot_general3A_137, %log3A_138 : vector<1x8732xf32>
    %swap3A_140 = arith.constant 6 : index
    %swap3A_141 = arith.constant 0 : index
    %swap3A_142 = vector.load %arg4[%swap3A_140, %swap3A_141] : memref<8x8732xf32, #tpu.memory_space<vmem>>, vector<1x8732xf32>
    tpu.vector_store %arg4[%swap3A_140, %swap3A_141], %sub3A_139 {strides = array<i32>} : memref<8x8732xf32, #tpu.memory_space<vmem>>, vector<1x8732xf32>,
    %get3A_143 = arith.constant 7 : index
    %get3A_144 = arith.constant 0 : index
    %get3A_145 = arith.constant 0 : index
    %get3A_146 = vector.load %arg1[%get3A_143, %get3A_144, %get3A_145] : memref<8x81x8732xf32, #tpu.memory_space<vmem>>, vector<1x81x8732xf32>
    %get3A_147 = vector.shape_cast %get3A_146 : vector<1x81x8732xf32> to vector<81x8732xf32>
    %exp3A_148 = math.exp %get3A_147 : vector<81x8732xf32>
    %dot_general3A_149 = arith.constant dense<0.000000e+00> : vector<1x8732xf32>
    %dot_general3A_150 = tpu.matmul %broadcast_in_dim3A_4, %exp3A_148, %dot_general3A_149 {dimension_numbers = #tpu.dot_dimension_numbers<[1], [0], [0], [1], [0, 0, 1, 1], [], []>, transpose_lhs_hint = false} : vector<1x81xf32>, vector<81x8732xf32>, vector<1x8732xf32> -> vector<1x8732xf32>
    %slice3A_151 = vector.extract_strided_slice %get3A_1 {offsets = [7, 0], sizes = [1, 8732], strides = [1, 1]} : vector<8x8732xi32> to vector<1x8732xi32>
    %eq3A_152 = vector.broadcast %slice3A_151 : vector<1x8732xi32> to vector<81x8732xi32>
    %eq3A_153 = arith.cmpi eq, %iota3A, %eq3A_152 : vector<81x8732xi32>
    %jit3A_154 = arith.constant 0.000000e+00 : f32
    %broadcast_in_dim3A_155 = vector.broadcast %jit3A_154 : f32 to vector<81x8732xf32>
    %select_n3A_156 = arith.select %eq3A_153, %get3A_147, %broadcast_in_dim3A_155 : vector<81x8732xi1>, vector<81x8732xf32>
    %dot_general3A_157 = arith.constant dense<0.000000e+00> : vector<1x8732xf32>
    %dot_general3A_158 = tpu.matmul %broadcast_in_dim3A_4, %select_n3A_156, %dot_general3A_157 {dimension_numbers = #tpu.dot_dimension_numbers<[1], [0], [0], [1], [0, 0, 1, 1], [], []>, transpose_lhs_hint = false} : vector<1x81xf32>, vector<81x8732xf32>, vector<1x8732xf32> -> vector<1x8732xf32>
    %log3A_159 = math.log %dot_general3A_150 : vector<1x8732xf32>
    %sub3A_160 = arith.subf %dot_general3A_158, %log3A_159 : vector<1x8732xf32>
    %swap3A_161 = arith.constant 7 : index
    %swap3A_162 = arith.constant 0 : index
    %swap3A_163 = vector.load %arg4[%swap3A_161, %swap3A_162] : memref<8x8732xf32, #tpu.memory_space<vmem>>, vector<1x8732xf32>
    tpu.vector_store %arg4[%swap3A_161, %swap3A_162], %sub3A_160 {strides = array<i32>} : memref<8x8732xf32, #tpu.memory_space<vmem>>, vector<1x8732xf32>,
    %get3A_164 = arith.constant 0 : index
    %get3A_165 = arith.constant 0 : index
    %get3A_166 = vector.load %arg4[%get3A_164, %get3A_165] : memref<8x8732xf32, #tpu.memory_space<vmem>>, vector<8x8732xf32>
    %exp3A_167 = math.exp %get3A_166 : vector<8x8732xf32>
    %sub3A_168 = arith.constant 1.000000e+00 : f32
    %sub3A_169 = vector.broadcast %sub3A_168 : f32 to vector<8x8732xf32>
    %sub3A_170 = arith.subf %sub3A_169, %exp3A_167 : vector<8x8732xf32>
    %mul3A = arith.constant -2.500000e-01 : f32
    %mul3A_171 = vector.broadcast %mul3A : f32 to vector<8x8732xf32>
    %mul3A_172 = arith.mulf %mul3A_171, %sub3A_170 : vector<8x8732xf32>
    %mul3A_173 = arith.mulf %mul3A_172, %sub3A_170 : vector<8x8732xf32>
    %mul3A_174 = arith.mulf %mul3A_173, %get3A_166 : vector<8x8732xf32>
    %convert_element_type3A = arith.extui %gt3A_3 : vector<8x8732xi1> to vector<8x8732xi32>
    %reduce_sum3A = arith.constant dense<0> : vector<8xi32>
    %reduce_sum3A_175 = vector.multi_reduction <add>, %convert_element_type3A, %reduce_sum3A [1] : vector<8x8732xi32> to vector<8xi32>
    %broadcast_in_dim3A_176 = vector.shape_cast %reduce_sum3A_175 : vector<8xi32> to vector<8x1xi32>
    %jit3A_177 = arith.constant 0.000000e+00 : f32
    %broadcast_in_dim3A_178 = vector.broadcast %jit3A_177 : f32 to vector<8x8732xf32>
    %select_n3A_179 = arith.select %gt3A_3, %mul3A_174, %broadcast_in_dim3A_178 : vector<8x8732xi1>, vector<8x8732xf32>
    %reduce_sum3A_180 = arith.constant dense<0.000000e+00> : vector<8xf32>
    %reduce_sum3A_181 = vector.multi_reduction <add>, %select_n3A_179, %reduce_sum3A_180 [1] : vector<8x8732xf32> to vector<8xf32>
    %broadcast_in_dim3A_182 = vector.shape_cast %reduce_sum3A_181 : vector<8xf32> to vector<8x1xf32>
    %jit3A_183 = arith.constant 0.000000e+00 : f32
    %broadcast_in_dim3A_184 = vector.broadcast %jit3A_183 : f32 to vector<8x8732xf32>
    %select_n3A_185 = arith.select %gt3A_3, %broadcast_in_dim3A_184, %mul3A_174 : vector<8x8732xi1>, vector<8x8732xf32>
    %mul3A_186 = arith.constant 3 : i32
    %mul3A_187 = vector.broadcast %mul3A_186 : i32 to vector<8x1xi32>
    %mul3A_188 = arith.muli %mul3A_187, %broadcast_in_dim3A_176 : vector<8x1xi32>
    %min3A = arith.constant 8732 : i32
    %min3A_189 = vector.broadcast %min3A : i32 to vector<8x1xi32>
    %min3A_190 = arith.minsi %mul3A_188, %min3A_189 : vector<8x1xi32>
    %bitcast_convert_type3A = tpu.bitcast %select_n3A_185 : vector<8x8732xf32> -> vector<8x8732xi32>
    %shift_right_logical3A = arith.constant 12 : i32
    %shift_right_logical3A_191 = vector.broadcast %shift_right_logical3A : i32 to vector<8x8732xi32>
    %shift_right_logical3A_192 = arith.shrui %bitcast_convert_type3A, %shift_right_logical3A_191 : vector<8x8732xi32>
    %broadcast_in_dim3A_193 = arith.constant 0 : i32
    %broadcast_in_dim3A_194 = vector.broadcast %broadcast_in_dim3A_193 : i32 to vector<8x1xi32>
    %broadcast_in_dim3A_195 = arith.constant 522240 : i32
    %broadcast_in_dim3A_196 = vector.broadcast %broadcast_in_dim3A_195 : i32 to vector<8x1xi32>
    %scan3A = arith.constant 0 : i32
    %scan3A_197 = arith.constant 19 : i32
    %scan3A_198 = arith.addi %scan3A, %scan3A_197 : i32
    %scan3A_199 = arith.constant 1 : i32
    %scan3A_200:2 = scf.for %scan3A_250 = %scan3A to %scan3A_198 step %scan3A_199 iter_args(%scan3A_251 = %broadcast_in_dim3A_194, %scan3A_252 = %broadcast_in_dim3A_196) -> (vector<8x1xi32>, vector<8x1xi32>)  : i32 {
      %sub3A_253 = arith.subi %scan3A_252, %scan3A_251 : vector<8x1xi32>
      %jit3A_254 = arith.constant 2 : i32
      %div3A_255 = vector.broadcast %jit3A_254 : i32 to vector<8x1xi32>
      %div3A_256 = arith.divsi %sub3A_253, %div3A_255 : vector<8x1xi32>
      %sign3A = arith.constant 0 : i32
      %sign3A_257 = vector.broadcast %sign3A : i32 to vector<8x1xi32>
      %sign3A_258 = arith.cmpi sgt, %sub3A_253, %sign3A_257 : vector<8x1xi32>
      %sign3A_259 = arith.extui %sign3A_258 : vector<8x1xi1> to vector<8x1xi32>
      %sign3A_260 = arith.constant 0 : i32
      %sign3A_261 = vector.broadcast %sign3A_260 : i32 to vector<8x1xi32>
      %sign3A_262 = arith.cmpi slt, %sub3A_253, %sign3A_261 : vector<8x1xi32>
      %sign3A_263 = arith.extui %sign3A_262 : vector<8x1xi1> to vector<8x1xi32>
      %sign3A_264 = arith.subi %sign3A_259, %sign3A_263 : vector<8x1xi32>
      %sign3A_265 = arith.constant 0 : i32
      %sign3A_266 = arith.cmpi sgt, %jit3A_254, %sign3A_265 : i32
      %sign3A_267 = arith.extui %sign3A_266 : i1 to i32
      %sign3A_268 = arith.constant 0 : i32
      %sign3A_269 = arith.cmpi slt, %jit3A_254, %sign3A_268 : i32
      %sign3A_270 = arith.extui %sign3A_269 : i1 to i32
      %sign3A_271 = arith.subi %sign3A_267, %sign3A_270 : i32
      %ne3A = vector.broadcast %sign3A_271 : i32 to vector<8x1xi32>
      %ne3A_272 = arith.cmpi ne, %sign3A_264, %ne3A : vector<8x1xi32>
      %rem3A = vector.broadcast %jit3A_254 : i32 to vector<8x1xi32>
      %rem3A_273 = arith.remsi %sub3A_253, %rem3A : vector<8x1xi32>
      %ne3A_274 = arith.constant 0 : i32
      %ne3A_275 = vector.broadcast %ne3A_274 : i32 to vector<8x1xi32>
      %ne3A_276 = arith.cmpi ne, %rem3A_273, %ne3A_275 : vector<8x1xi32>
      %and3A = arith.andi %ne3A_272, %ne3A_276 : vector<8x1xi1>
      %sub3A_277 = arith.constant 1 : i32
      %sub3A_278 = vector.broadcast %sub3A_277 : i32 to vector<8x1xi32>
      %sub3A_279 = arith.subi %div3A_256, %sub3A_278 : vector<8x1xi32>
      %select_n3A_280 = arith.select %and3A, %sub3A_279, %div3A_256 : vector<8x1xi1>, vector<8x1xi32>
      %add3A_281 = arith.addi %scan3A_251, %select_n3A_280 : vector<8x1xi32>
      %ge3A = vector.broadcast %add3A_281 : vector<8x1xi32> to vector<8x8732xi32>
      %ge3A_282 = arith.cmpi sge, %shift_right_logical3A_192, %ge3A : vector<8x8732xi32>
      %convert_element_type3A_283 = arith.extui %ge3A_282 : vector<8x8732xi1> to vector<8x8732xi32>
      %reduce_sum3A_284 = arith.constant dense<0> : vector<8xi32>
      %reduce_sum3A_285 = vector.multi_reduction <add>, %convert_element_type3A_283, %reduce_sum3A_284 [1] : vector<8x8732xi32> to vector<8xi32>
      %broadcast_in_dim3A_286 = vector.shape_cast %reduce_sum3A_285 : vector<8xi32> to vector<8x1xi32>
      %ge3A_287 = arith.cmpi sge, %broadcast_in_dim3A_286, %min3A_190 : vector<8x1xi32>
      %select_n3A_288 = arith.select %ge3A_287, %add3A_281, %scan3A_251 : vector<8x1xi1>, vector<8x1xi32>
      %select_n3A_289 = arith.select %ge3A_287, %scan3A_252, %add3A_281 : vector<8x1xi1>, vector<8x1xi32>
      scf.yield %select_n3A_288, %select_n3A_289 : vector<8x1xi32>, vector<8x1xi32>
    }
    %gt3A_201 = vector.broadcast %scan3A_200#0 : vector<8x1xi32> to vector<8x8732xi32>
    %gt3A_202 = arith.cmpi sgt, %shift_right_logical3A_192, %gt3A_201 : vector<8x8732xi32>
    %eq3A_203 = vector.broadcast %scan3A_200#0 : vector<8x1xi32> to vector<8x8732xi32>
    %eq3A_204 = arith.cmpi eq, %shift_right_logical3A_192, %eq3A_203 : vector<8x8732xi32>
    %convert_element_type3A_205 = arith.extui %gt3A_202 : vector<8x8732xi1> to vector<8x8732xi32>
    %reduce_sum3A_206 = arith.constant dense<0> : vector<8xi32>
    %reduce_sum3A_207 = vector.multi_reduction <add>, %convert_element_type3A_205, %reduce_sum3A_206 [1] : vector<8x8732xi32> to vector<8xi32>
    %broadcast_in_dim3A_208 = vector.shape_cast %reduce_sum3A_207 : vector<8xi32> to vector<8x1xi32>
    %jit3A_209 = arith.constant 0.000000e+00 : f32
    %broadcast_in_dim3A_210 = vector.broadcast %jit3A_209 : f32 to vector<8x8732xf32>
    %select_n3A_211 = arith.select %gt3A_202, %select_n3A_185, %broadcast_in_dim3A_210 : vector<8x8732xi1>, vector<8x8732xf32>
    %reduce_sum3A_212 = arith.constant dense<0.000000e+00> : vector<8xf32>
    %reduce_sum3A_213 = vector.multi_reduction <add>, %select_n3A_211, %reduce_sum3A_212 [1] : vector<8x8732xf32> to vector<8xf32>
    %broadcast_in_dim3A_214 = vector.shape_cast %reduce_sum3A_213 : vector<8xf32> to vector<8x1xf32>
    %convert_element_type3A_215 = arith.extui %eq3A_204 : vector<8x8732xi1> to vector<8x8732xi32>
    %reduce_sum3A_216 = arith.constant dense<0> : vector<8xi32>
    %reduce_sum3A_217 = vector.multi_reduction <add>, %convert_element_type3A_215, %reduce_sum3A_216 [1] : vector<8x8732xi32> to vector<8xi32>
    %broadcast_in_dim3A_218 = vector.shape_cast %reduce_sum3A_217 : vector<8xi32> to vector<8x1xi32>
    %jit3A_219 = arith.constant 0.000000e+00 : f32
    %broadcast_in_dim3A_220 = vector.broadcast %jit3A_219 : f32 to vector<8x8732xf32>
    %select_n3A_221 = arith.select %eq3A_204, %select_n3A_185, %broadcast_in_dim3A_220 : vector<8x8732xi1>, vector<8x8732xf32>
    %reduce_sum3A_222 = arith.constant dense<0.000000e+00> : vector<8xf32>
    %reduce_sum3A_223 = vector.multi_reduction <add>, %select_n3A_221, %reduce_sum3A_222 [1] : vector<8x8732xf32> to vector<8xf32>
    %broadcast_in_dim3A_224 = vector.shape_cast %reduce_sum3A_223 : vector<8xf32> to vector<8x1xf32>
    %sub3A_225 = arith.subi %min3A_190, %broadcast_in_dim3A_208 : vector<8x1xi32>
    %convert_element_type3A_226 = arith.sitofp %sub3A_225 : vector<8x1xi32> to vector<8x1xf32>
    %convert_element_type3A_227 = arith.sitofp %broadcast_in_dim3A_218 : vector<8x1xi32> to vector<8x1xf32>
    %max3A = arith.constant 1.000000e+00 : f32
    %max3A_228 = vector.broadcast %max3A : f32 to vector<8x1xf32>
    %max3A_229 = arith.maximumf %convert_element_type3A_227, %max3A_228 : vector<8x1xf32>
    %div3A = arith.divf %broadcast_in_dim3A_224, %max3A_229 : vector<8x1xf32>
    %gt3A_230 = arith.constant 0 : i32
    %gt3A_231 = vector.broadcast %gt3A_230 : i32 to vector<8x1xi32>
    %gt3A_232 = arith.cmpi sgt, %min3A_190, %gt3A_231 : vector<8x1xi32>
    %mul3A_233 = arith.mulf %convert_element_type3A_226, %div3A : vector<8x1xf32>
    %add3A = arith.addf %broadcast_in_dim3A_214, %mul3A_233 : vector<8x1xf32>
    %jit3A_234 = arith.constant 0.000000e+00 : f32
    %broadcast_in_dim3A_235 = vector.broadcast %jit3A_234 : f32 to vector<8x1xf32>
    %select_n3A_236 = arith.select %gt3A_232, %add3A, %broadcast_in_dim3A_235 : vector<8x1xi1>, vector<8x1xf32>
    %add3A_237 = arith.addf %broadcast_in_dim3A_182, %select_n3A_236 : vector<8x1xf32>
    %convert_element_type3A_238 = arith.sitofp %broadcast_in_dim3A_176 : vector<8x1xi32> to vector<8x1xf32>
    %iota3A_239 = tpu.iota {dimensions = array<i32: 1>} : vector<8x128xi32>
    %lt3A = arith.constant 1 : i32
    %lt3A_240 = vector.broadcast %lt3A : i32 to vector<8x128xi32>
    %lt3A_241 = arith.cmpi slt, %iota3A_239, %lt3A_240 : vector<8x128xi32>
    %broadcast_in_dim3A_242 = vector.shape_cast %add3A_237 : vector<8x1xf32> to vector<8x1xf32>
    %broadcast_in_dim3A_243 = vector.broadcast %broadcast_in_dim3A_242 : vector<8x1xf32> to vector<8x128xf32>
    %broadcast_in_dim3A_244 = vector.shape_cast %convert_element_type3A_238 : vector<8x1xf32> to vector<8x1xf32>
    %broadcast_in_dim3A_245 = vector.broadcast %broadcast_in_dim3A_244 : vector<8x1xf32> to vector<8x128xf32>
    %select_n3A_246 = arith.select %lt3A_241, %broadcast_in_dim3A_243, %broadcast_in_dim3A_245 : vector<8x128xi1>, vector<8x128xf32>
    %swap3A_247 = arith.constant 0 : index
    %swap3A_248 = arith.constant 0 : index
    %swap3A_249 = vector.load %arg3[%swap3A_247, %swap3A_248] : memref<8x128xf32, #tpu.memory_space<vmem>>, vector<8x128xf32>
    tpu.vector_store %arg3[%swap3A_247, %swap3A_248], %select_n3A_246 {strides = array<i32>} : memref<8x128xf32, #tpu.memory_space<vmem>>, vector<8x128xf32>,
    return
  }
  func.func @transform_0(%arg0: i32) -> (i32, i32, i32) {
    %c0_i32 = arith.constant 0 : i32
    %c0_i32_0 = arith.constant 0 : i32
    %c0_i32_1 = arith.constant 0 : i32
    return %arg0, %c0_i32, %c0_i32_0 : i32, i32, i32
  }
  func.func @transform_1(%arg0: i32) -> (i32, i32) {
    %c0_i32 = arith.constant 0 : i32
    %c0_i32_0 = arith.constant 0 : i32
    return %arg0, %c0_i32 : i32, i32
  }
  func.func @transform_2(%arg0: i32) -> (i32, i32) {
    %c0_i32 = arith.constant 0 : i32
    %c0_i32_0 = arith.constant 0 : i32
    return %arg0, %c0_i32 : i32, i32
  }
}

</mosaic_0001>

<sc_bundles>
// kernel: kernel.4.cloned.1.call-start
scs
__scs_entry_jumppad:
0x0: {  	(pc) =	sbr.rel $0x88, $3  }
0x1: {  	(tag) =	ssettag $0x0;
	lr =	simm.s32 $0x1  }
0x2: {  	[smem:$0x3F9C] =	sst lr;
	_ =	strace $0xD0000000  }
0x3: {  	_ = 	snop  }
0x4: {  	_ = 	snop  }
0x5: {  	_ = 	snop  }
0x6: {  	_ = 	snop  }
0x7: {  	_ = 	snop  }
__scs_overlays_trampoline_lowered:
0x8: {  	[smem:$0x3FAB] =	sst s0  }
0x9: {  	[smem:$0x3FAC] =	sst s1  }
0xa: {  	[smem:$0x3FAD] =	sst s2  }
0xb: {  	[smem:$0x3FAE] =	sst s3  }
0xc: {  	[smem:$0x3FAF] =	sst s4  }
0xd: {  	[smem:$0x3FB0] =	sst s5  }
0xe: {  	[smem:$0x3FB1] =	sst s6  }
0xf: {  	[smem:$0x3FB2] =	sst s7  }
0x10: {  	[smem:$0x3FB3] =	sst s8  }
0x11: {  	[smem:$0x3FB4] =	sst s9;
	s0 =	simm.s32 @!p0 $0x0  }
0x12: {  	s1 =	sld [smem:$0x3F9A];
	s0 =	simm.s32 @p0 $0x1  }
0x13: {  	[smem:$0x3FB5] =	sst s0;
	s0 =	simm.s32 @!p1 $0x0  }
0x14: {  	s2 =	sld [smem:$0x3F99];
	s0 =	simm.s32 @p1 $0x1  }
0x15: {  	[smem:$0x3FB6] =	sst s0;
	s0 =	simm.s32 @!p2 $0x0  }
0x16: {  	s3 =	sld [smem:$0x3FDB];
	s0 =	simm.s32 @p2 $0x1  }
0x17: {  	s4 =	simm.s32 $0x1BF5;
	[smem:$0x3FB8] =	sst s0  }
0x18: {  	s0 =	sld [smem:$0x3F9B];
	_ =	swait.ge [sflag:s4], $0x0  }
0x19: {  	s7 =	sld [smem:$0x3F9C]  }
0x1a: {  	s8 =	sadd.s32 $0xFFFFE003, lr  }
0x1b: {  	s9 =	sadd.s32 $0xFFFFFEF7, lr;
	s5 =	simm.s32 $0xFFFFFFFF;
	p2 =	slt.u32 s8, $0xFFFFF086  }
0x1c: {  	p1 =	slt.u32 s9, $0xF7A;
	s5 =	simm.s32 @!p2 $0x0  }
0x1d: {  	s5 =	simm.s32 @p1 $0x1;
	p0 =	seq.s32 s7, s2  }
0x1e: {  	s7 =	smul.u32 @!p0 $0xF7A, s2;
	p2 =	seq.s32 @!p0 s5, $0x0  }
0x1f: {  	s9 =	smul.u32 $0xF7A, s1;
	s8 =	simm.s32 @!p0 $0x1BF5;
	p2 =	por !p2, p0  }
0x20: {  	[sflag:s8] =	ssyncset.s32 @!p0 $0xFFFFF086;
	s6 =	sadd.s32 @!p0 s3, s7;
	s7 =	simm.s32 @!p0 $0x108  }
0x21: {  	s3 =	sadd.s32 s3, s9;
	s6 =	sadd.s32 @!p0 $0x88, s6;
	s7 =	simm.s32 @p2 $0x1082  }
0x22: {  	[simem:s7], [sflag:s8] =	dma.local @!p0 [hbm:s6], $0xF7A  }
0x23: {  	s9 =	sor.u32 $0xD0000000, s2;
	s6 =	simm.s32 $0x108;
	_ =	swait.ge @!p0 [sflag:s8], $0x0  }
0x24: {  	s3 =	sadd.s32 $0x88, s3;
	s6 =	simm.s32 @!p1 $0x1082;
	[sflag:s4] =	ssyncset.s32 $0xFFFFF086  }
0x25: {  	[simem:s6], [sflag:s4] =	dma.local [hbm:s3], $0xF7A  }
0x26: {  	[smem:$0x3F9C] =	sst s1;
	(tag) =	ssettag s2;
	_ =	strace s9  }
0x27: {  	s1 =	sld [smem:$0x3FAC]  }
0x28: {  	s2 =	sld [smem:$0x3FAD]  }
0x29: {  	s4 =	sld [smem:$0x3FAF]  }
0x2a: {  	p0 =	seq.s32 s5, $0x0;
	s5 =	sld [smem:$0x3FB0]  }
0x2b: {  	s6 =	sld [smem:$0x3FB1]  }
0x2c: {  	s7 =	sld [smem:$0x3FB2]  }
0x2d: {  	s3 =	simm.s32 $0x108;
	s8 =	sld [smem:$0x3FB3]  }
0x2e: {  	s3 =	simm.s32 @!p0 $0x1082;
	s9 =	sld [smem:$0x3FB4]  }
0x2f: {  	lr =	sadd.s32 s0, s3;
	s0 =	sld [smem:$0x3FAB]  }
0x30: {  	s3 =	sld [smem:$0x3FAE]  }
0x31: {  	[smem:$0x3FB7] =	sst s10  }
0x32: {  	s10 =	sld [smem:$0x3FB5];
	_ =	sdelay $0x3  }
0x33: {  	p0 =	seq.s32 s10, $0x1;
	s10 =	sld [smem:$0x3FB7];
	_ =	sdelay $0x3  }
0x34: {  	[smem:$0x3FB7] =	sst s10  }
0x35: {  	s10 =	sld [smem:$0x3FB6];
	_ =	sdelay $0x3  }
0x36: {  	p1 =	seq.s32 s10, $0x1;
	s10 =	sld [smem:$0x3FB7];
	_ =	sdelay $0x3  }
0x37: {  	[smem:$0x3FB7] =	sst s10  }
0x38: {  	s10 =	sld [smem:$0x3FB8]  }
0x39: {  	_ = 	snop;
	(pc) =	sbr.ind lr, $3  }
0x3a: {  	_ = 	snop  }
0x3b: {  	_ = 	snop  }
0x3c: {  	p2 =	seq.s32 s10, $0x1;
	s10 =	sld [smem:$0x3FB7]  }
0x3d: {  	_ =	shalt  }
0x3e: {  	_ =	shalt  }
0x3f: {  	_ =	shalt  }
0x40: {  	_ =	shalt  }
0x41: {  	_ =	shalt  }
0x42: {  	_ =	shalt  }
0x43: {  	_ =	shalt  }
0x44: {  	_ =	shalt  }
0x45: {  	_ =	shalt  }
0x46: {  	_ =	shalt  }
0x47: {  	_ =	shalt  }
0x48: {  	_ =	shalt  }
0x49: {  	_ =	shalt  }
0x4a: {  	_ =	shalt  }
0x4b: {  	_ =	shalt  }
0x4c: {  	_ =	shalt  }
0x4d: {  	_ =	shalt  }
0x4e: {  	_ =	shalt  }
0x4f: {  	_ =	shalt  }
0x50: {  	_ =	shalt  }
0x51: {  	_ =	shalt  }
0x52: {  	_ =	shalt  }
0x53: {  	_ =	shalt  }
0x54: {  	_ =	shalt  }
0x55: {  	_ =	shalt  }
0x56: {  	_ =	shalt  }
0x57: {  	_ =	shalt  }
0x58: {  	_ =	shalt  }
0x59: {  	_ =	shalt  }
0x5a: {  	_ =	shalt  }
0x5b: {  	_ =	shalt  }
0x5c: {  	_ =	shalt  }
0x5d: {  	_ =	shalt  }
0x5e: {  	_ =	shalt  }
0x5f: {  	_ =	shalt  }
0x60: {  	_ =	shalt  }
0x61: {  	_ =	shalt  }
0x62: {  	_ =	shalt  }
0x63: {  	_ =	shalt  }
0x64: {  	_ =	shalt  }
0x65: {  	_ =	shalt  }
0x66: {  	_ =	shalt  }
0x67: {  	_ =	shalt  }
0x68: {  	_ =	shalt  }
0x69: {  	_ =	shalt  }
0x6a: {  	_ =	shalt  }
0x6b: {  	_ =	shalt  }
0x6c: {  	_ =	shalt  }
0x6d: {  	_ =	shalt  }
0x6e: {  	_ =	shalt  }
0x6f: {  	_ =	shalt  }
0x70: {  	_ =	shalt  }
0x71: {  	_ =	shalt  }
0x72: {  	_ =	shalt  }
0x73: {  	_ =	shalt  }
0x74: {  	_ =	shalt  }
0x75: {  	_ =	shalt  }
0x76: {  	_ =	shalt  }
0x77: {  	_ =	shalt  }
0x78: {  	_ =	shalt  }
0x79: {  	_ =	shalt  }
0x7a: {  	_ =	shalt  }
0x7b: {  	_ =	shalt  }
0x7c: {  	_ =	shalt  }
0x7d: {  	_ =	shalt  }
0x7e: {  	_ =	shalt  }
0x7f: {  	_ =	shalt  }
0x80: {  	_ =	shalt  }
0x81: {  	_ =	shalt  }
0x82: {  	_ =	shalt  }
0x83: {  	_ =	shalt  }
0x84: {  	_ =	shalt  }
0x85: {  	_ =	shalt  }
0x86: {  	_ =	shalt  }
0x87: {  	_ =	shalt  }
.Lfunc_end0:
.L_simem_size_0:
called_computation_lowered:
.L_overlay_start_0:
0x88: {  	s2 =	sld [smem:$0x3FD9]  }
0x89: {  	s3 =	sld [smem:$0x3FFE];
	_ =	sdelay $0x1  }
0x8a: {  	s1 =	srdreg.scid  }
0x8b: {  	s0 =	sand.u32 $0x1, s1  }
0x8c: {  	s17 =	sshll.u32 s0, $0xA;
	s2 =	sadd.s32 s3, s2  }
0x8d: {  	s2 =	sadd.s32 s2, s17  }
0x8e: {  	[smem:$0x3FC3] =	sst s2  }
0x8f: {  	_ = 	snop  }
0x90: {  	s2 =	sld [smem:$0x3FC9]  }
0x91: {  	s18 =	sld [smem:$0x3FC7]  }
0x92: {  	s4 =	sld [smem:$0x3FC6]  }
0x93: {  	s5 =	sld [smem:$0x3FC5];
	(tm) =	ssettm $0x1  }
0x94: {  	s6 =	sld [smem:$0x3FFB];
	_ =	sdelay $0x3  }
0x95: {  	_ =	strace s6  }
0x96: {  	s6 =	sld [smem:$0x3FFC];
	_ =	sdelay $0x3  }
0x97: {  	_ =	strace s6  }
0x98: {  	s6 =	sld [smem:$0x3FFD];
	_ =	sdelay $0x3  }
0x99: {  	_ =	strace s6  }
0x9a: {  	_ =	strace $0x8FFFFFFF  }
0x9b: {  	s19 =	sld [smem:$0x3FDB];
	_ =	sdelay $0x1  }
0x9c: {  	s7 =	simm.s32 $_scs_section_size  }
0x9d: {  	s8 =	simm.s32 $_size__tile_overlayer_lowered;
	s9 =	simm.s32 $_tile_overlayer_lowered  }
0x9e: {  	s22 =	simm.s32 $0x1BFF;
	s21 =	sshll.u32 s9, $0x1;
	s6 =	sadd.s32 s7, s19  }
0x9f: {  	s10 =	simm.s32 $0x0;
	s20 =	sshll.u32 s8, $0x1;
	s8 =	sadd.s32 s21, s6  }
0xa0: {  	[timem:s10], [sflag:s22] =	dma.local [hbm:s8], s20  }
0xa1: {  	_ =	swait.ge [sflag:s22], s20  }
0xa2: {  	s7 =	ssub.s32 $0x0, s20;
	[sflag:s22] =	ssyncset.done $0x0  }
0xa3: {  	[sflag:s22] =	ssyncadd.s32 s7;
	_ =	sdelay $0x1  }
0xa4: {  	s23 =	simm.s32 $0x1B8B  }
0xa5: {  	_ =	swait.ge [sflag:s23], $0x1  }
0xa6: {  	[sflag:s23] =	ssyncset.done $0x0  }
0xa7: {  	s25 =	simm.s32 $0x1B8E;
	s24 =	sld [smem:$0x3FFE];
	[sflag:s23] =	ssyncadd.s32 $0xFFFFFFFF  }
0xa8: {  	s26 =	simm.s32 $execute0_lowered;
	[smem:$0x3FD2] =	sst s25  }
0xa9: {  	s8 =	sshll.u32 s26, $0x1;
	_ =	strace $0x80000046;
	[dreg:$0x1] =	wrdreg $0xFFFFFFFF  }
0xaa: {  	s28 =	simm.s32 $_size_execute0_lowered;
	s6 =	sadd.s32 s6, s8;
	[dreg:$0x0] =	wrdreg $0x0  }
0xab: {  	s8 =	sshll.u32 s28, $0x1;
	[dreg:$0x2] =	wrdreg s6  }
0xac: {  	[dreg:$0x3] =	wrdreg s8  }
0xad: {  	[dreg:$0x4] =	wrdreg $0xC0  }
0xae: {  	_ =	task [dreg:s10], $0x5FFFF  }
0xaf: {  	[dreg:$0x1] =	wrdreg $0xFFFFFFFF  }
0xb0: {  	[dreg:$0x0] =	wrdreg $0x60  }
0xb1: {  	[dreg:$0x2] =	wrdreg s2  }
0xb2: {  	[dreg:$0x3] =	wrdreg s18  }
0xb3: {  	[dreg:$0x4] =	wrdreg s5  }
0xb4: {  	[dreg:$0x5] =	wrdreg s4  }
0xb5: {  	[dreg:$0x6] =	wrdreg s24  }
0xb6: {  	[dreg:$0x7] =	wrdreg $0x9  }
0xb7: {  	_ =	task.clear_ibuf [dreg:s10], $0x8FFFF;
	_ =	strace $0x90000046  }
0xb8: {  	s29 =	simm.s32 $0x9;
	_ =	strace $0x80000048  }
0xb9: {  	_ =	swait.ge [sflag:s29], $0x1  }
0xba: {  	[sflag:s29] =	ssyncadd.s32 $0xFFFFFFFF  }
0xbb: {  	_ =	strace $0x90000048  }
0xbc: {  	_ =	sfence  }
0xbd: {  	s30 =	sld [smem:$0x0];
	_ =	sdelay $0x2  }
0xbe: {  	s31 =	sshll.u32 s1, $0xD;
	s1 =	sshrl.u32 s1, $0x2  }
0xbf: {  	s3 =	sand.u32 $0x4000, s31;
	s1 =	sadd.s32 s1, s30  }
0xc0: {  	s0 =	sor.u32 s3, s0;
	s1 =	sshll.u32 s1, $0x11  }
0xc1: {  	s0 =	sor.u32 s1, s0  }
0xc2: {  	s0 =	sadd.s32 $0x8F2B, s0  }
0xc3: {  	[sflag:s0] =	ssyncadd.remote.s32 $0x1  }
0xc4: {  	_ =	sfence.sel $0xFFFF  }
0xc5: {  	[dreg:$0x0] =	wrdreg $0xFFFFFFFF;
	(pc) =	sbr.abs _section_cstart, $3  }
0xc6: {  	[dreg:$0x1] =	wrdreg $0xFFFFFFFF  }
0xc7: {  	_ =	task.clear_ibuf [dreg:s10], $0x2FFFF;
	_ =	strace $0x9FFFFFFF  }
0xc8: {  	(tm) =	ssettm $0x7FFFFFFF  }
0xc9: {  	_ =	shalt  }
tec
execute0_lowered:
.L_overlay_start_1:
0x0: {  	(tag) =	ssettag $0x1  }
0x1: {  	s8 =	rddreg [dreg:$0x0]  }
0x2: {  	s9 =	rddreg [dreg:$0x1]  }
0x3: {  	s1 =	rddreg [dreg:$0x2]  }
0x4: {  	s10 =	rddreg [dreg:$0x3]  }
0x5: {  	s11 =	rddreg [dreg:$0x4];
	s3 =	srdreg.scid  }
0x6: {  	s0 =	rddreg [dreg:$0x5];
	s2 =	stileid.u32  }
0x7: {  	s18 =	simm.s32 $0x19E00;
	s19 =	simm.s32 $0x1C080;
	s20 =	simm.s32 $0x0  }
0x8: {  	s4 =	sand.u32 $0x1, s3;
	s3 =	simm.s32 $0x0;
	s5 =	sshll.u32 s2, $0x2  }
0x9: {  	s7 =	sshrl.u32 s2, $0x1;
	s6 =	sshll.u32 s4, $0x1;
	[smem:$0x7FF] =	sst s3  }
0xa: {  	s4 =	ssub.s32 $0x2, s4;
	s14 =	smul.u32 $0x11400, s7;
	s16 =	sshll.u32 s7, $0xA  }
0xb: {  	s6 =	sor.u32 s6, s5;
	s12 =	sshrl.u32 s4, $0x1;
	_ =	strace $0x80000047  }
0xc: {  	s5 =	smul.u32 $0x1140, s6;
	s13 =	sshll.u32 s6, $0x7;
	s28 =	sor.u32 $0x1, s6  }
0xd: {  	s12 =	ssub.s32 s4, s12;
	s13 =	sand.u32 $0x300, s13;
	s29 =	sshll.u32 s28, $0x7  }
0xe: {  	v0 =	vimm.s32 $0xBA987654;
	v1 =	vimm.s32 $0x3210FEDC;
	s17 =	smul.u32 $0x1140, s28;
	s12 =	smax.u32 s12, $0x1;
	s4 =	sadd.s32 s8, s5  }
0xf: {  	v0 =	vunpack.c.l.s4.s8 v0;
	v1 =	vunpack.c.l.s4.s8 v1;
	s5 =	sadd.s32 s9, s5;
	s15 =	sor.u32 s14, s13;
	s13 =	sor.u32 s16, s13  }
0x10: {  	s15 =	sshrl.u32 s15, $0x3;
	s13 =	sshrl.u32 s13, $0x3;
	s8 =	sadd.s32 s8, s17  }
0x11: {  	v0 =	vunpack.c.0.s8.s32 v0;
	v1 =	vunpack.c.0.s8.s32 v1;
	s9 =	sadd.s32 s9, s17;
	s6 =	sadd.s32 s10, s15;
	s15 =	sand.u32 $0x380, s29  }
0x12: {  	s17 =	simm.s32 $0x400;
	s7 =	sadd.s32 s11, s13;
	s30 =	sor.u32 s14, s15  }
0x13: {  	v0 =	vcombine.low v1, v0;
	s31 =	sor.u32 s16, s15;
	s15 =	simm.s32 $0x8A00;
	s13 =	sshrl.u32 s30, $0x3  }
0x14: {  	s16 =	simm.s32 $0x80;
	s14 =	sshrl.u32 s31, $0x3;
	s10 =	sadd.s32 s10, s13  }
0x15: {  	vm0 =	vmmov $0xf;
	vm1 =	vcmask $0x3F10;
	v0 =	vand.u32 $0xF, v0;
	s11 =	sadd.s32 s11, s14;
	s13 =	simm.s32 $0x11400;
	s14 =	simm.s32 $0x1  }
.LBB2_1:
0x16: {  	[tilespmem:s13], [sflag:$0x1] =	stream.linear.gather [hbm4b:s1+s3], $0x8A00, $0x38;
	[tilespmem:$0x1C100] =	vst v63  }
0x17: {  	_ =	swait.ge [sflag:s14], $0x8A00  }
0x18: {  	[sflag:s14] =	ssyncset.done $0x0  }
0x19: {  	[sflag:s14] =	ssyncadd.s32 $0xFFFF7600  }
0x1a: {  	[tilespmem:s3], [sflag:$0x1] =	stream.linear.gather [hbm4b:s4+s3], $0x8A00, $0x38;
	[tilespmem:$0x1C100] =	vst v63  }
0x1b: {  	_ =	swait.ge [sflag:s14], $0x8A00  }
0x1c: {  	[sflag:s14] =	ssyncset.done $0x0  }
0x1d: {  	[sflag:s14] =	ssyncadd.s32 $0xFFFF7600  }
0x1e: {  	[tilespmem:s15], [sflag:$0x1] =	stream.linear.gather [hbm4b:s5+s3], $0x8A00, $0x38;
	[tilespmem:$0x1C100] =	vst v63  }
0x1f: {  	_ =	swait.ge [sflag:s14], $0x8A00  }
0x20: {  	[sflag:s14] =	ssyncset.done $0x0  }
0x21: {  	[sflag:s14] =	ssyncadd.s32 $0xFFFF7600  }
0x22: {  	[tilespmem:s18], [sflag:$0x1] =	stream.strided.gather [hbm4b:s6+s16], $0x2280, s17, s16, $0x38;
	[tilespmem:$0x1C100] =	vst v63  }
0x23: {  	_ =	swait.ge [sflag:s14], $0x2280  }
0x24: {  	s21 =	sand.u32 $0x70, s3;
	s22 =	sand.u32 $0xFE00, s3;
	[sflag:s14] =	ssyncset.done $0x0  }
0x25: {  	s24 =	sor.u32 s21, s22;
	[sflag:s14] =	ssyncadd.s32 $0xFFFFDD80  }
0x26: {  	v1 =	vld [tilespmem:s24+$0x8B00]  }
0x27: {  	v2 =	vld [tilespmem:s24+$0x11500]  }
0x28: {  	v3 =	vld [tilespmem:s24+$0x8B80]  }
0x29: {  	v4 =	vld [tilespmem:s24+$0x11580];
	_ =	sdelay $0x1  }
0x2a: {  	v10 =	vadd.f32 $9.999999970e-07, v1  }
0x2b: {  	v1 =	vand.u32 $0x7FFFFF, v2  }
0x2c: {  	v6 =	vld [tilespmem:s24+$0x8A00];
	v11 =	vadd.f32 $9.999999970e-07, v3;
	v7 =	vor.u32 $0x3F800000, v1;
	v1 =	vand.u32 $0x7FFFFF, v10  }
0x2d: {  	v8 =	vld [tilespmem:s24+$0x8A80];
	v3 =	vand.u32 $0x7FFFFF, v4;
	v5 =	vadd.f32 $1.000000000e+00, v7;
	v9 =	vor.u32 $0x3F800000, v1  }
0x2e: {  	v15 =	vld [tilespmem:s24+$0x11480];
	v13 =	vor.u32 $0x3F800000, v3;
	v1 =	vand.u32 $0x7FFFFF, v11;
	v14 =	vadd.f32 $1.000000000e+00, v9  }
0x2f: {  	s31 =	simm.s32 $0x10;
	s21 =	simm.s32 $0x40;
	v12 =	vld [tilespmem:s24+$0x11400];
	v16 =	vor.u32 $0x3F800000, v1;
	(erf) = vrcp.f32 v5;
	v1 =	vadd.f32 $1.000000000e+00, v13  }
0x30: {  	s22 =	sand.u32 $0x70, s31;
	s23 =	sand.u32 $0xFE00, s21;
	v17 =	vadd.f32 $1.000000000e+00, v16;
	(erf) = vrcp.f32 v14  }
0x31: {  	s23 =	sor.u32 s22, s23;
	(erf) = vrcp.f32 v1  }
0x32: {  	v3 =	vld [tilespmem:s23+$0x11580];
	(erf) = vrcp.f32 v17  }
0x33: {  	v18 =	vld [tilespmem:s23+$0x8B00];
	v8 =	vsub.f32 v8, v15  }
0x34: {  	v6 =	vsub.f32 v6, v12;
	v12 =	vshrl.u32 v4, $0x17  }
0x35: {  	v20 =	vand.u32 $0xFF, v12;
	v7 =	vadd.f32 $-1.000000000e+00, v7;
	v8 =	vmul.f32 $1.000000000e+01, v8;
	v14 =	vld [tilespmem:s23+$0x8B80]  }
0x36: {  	v25 =	vshrl.u32 v11, $0x17;
	v26 =	vshrl.u32 v10, $0x17;
	v5 =	vld [tilespmem:s23+$0x11500];
	v19 =	vadd.f32 $-1.000000000e+00, v9  }
0x37: {  	v9 =	vmul.f32 $1.000000000e+01, v6;
	v16 =	vadd.f32 $-1.000000000e+00, v16;
	v15 =	vand.u32 $0x7FFFFF, v3  }
0x38: {  	v17 =	vshrl.u32 v2, $0x17;
	(erf) = vrcp.f32 v2;
	v2 =	vadd.f32 $9.999999970e-07, v18;
	v18 =	vpop (erf)  }
0x39: {  	v6 =	vor.u32 $0x3F800000, v15;
	v23 =	vmul.f32 v18, v7;
	v7 =	vadd.f32 $-1.000000000e+00, v13;
	v12 =	vpop (erf)  }
0x3a: {  	(erf) = vrcp.f32 v4;
	v4 =	vadd.f32 $9.999999970e-07, v14;
	v12 =	vmul.f32 v12, v19;
	v13 =	vpop (erf)  }
0x3b: {  	v14 =	vand.u32 $0x7FFFFF, v5;
	v15 =	vmul.f32 v23, v23;
	v13 =	vmul.f32 v13, v7;
	v18 =	vpop (erf)  }
0x3c: {  	v7 =	vor.u32 $0x3F800000, v14;
	v19 =	vmul.f32 v12, v12;
	v14 =	vmul.f32 v18, v16  }
0x3d: {  	v16 =	vmul.f32 $1.428571490e-01, v15;
	v18 =	vadd.s32 $0xFFFFFF81, v20;
	v20 =	vmul.f32 v13, v13  }
0x3e: {  	v1 =	vimm.f32 $0.0e+00;
	v21 =	vmul.f32 $1.428571490e-01, v19;
	v24 =	vmul.f32 v14, v14  }
0x3f: {  	v17 =	vand.u32 $0xFF, v17;
	v16 =	vadd.f32 $2.000000030e-01, v16;
	v11 =	vmul.f32 $1.428571490e-01, v20  }
0x40: {  	v22 =	vadd.s32 $0xFFFFFF81, v17;
	v17 =	vadd.f32 $2.000000030e-01, v21;
	v21 =	vmul.f32 $1.428571490e-01, v24  }
0x41: {  	v63 =	vcvt.s32.f32 v22;
	v16 =	vmul.f32 v16, v15;
	v27 =	vadd.f32 $2.000000030e-01, v11  }
0x42: {  	v10 =	vadd.f32 $1.000000000e+00, v7;
	v28 =	vmul.f32 v17, v19;
	v21 =	vadd.f32 $2.000000030e-01, v21  }
0x43: {  	v11 =	vand.u32 $0x7FFFFF, v4;
	v16 =	vadd.f32 $3.333333430e-01, v16;
	v27 =	vmul.f32 v27, v20  }
0x44: {  	v17 =	vcvt.s32.f32 v18;
	v18 =	vadd.f32 $3.333333430e-01, v28;
	v21 =	vmul.f32 v21, v24  }
0x45: {  	v15 =	vmul.f32 v16, v15;
	v16 =	vand.u32 $0xFF, v25;
	v22 =	vadd.f32 $3.333333430e-01, v27  }
0x46: {  	v25 =	vand.u32 $0xFF, v26;
	v19 =	vmul.f32 v18, v19;
	v21 =	vadd.f32 $3.333333430e-01, v21  }
0x47: {  	v26 =	vadd.f32 $1.000000000e+00, v15;
	v18 =	vadd.s32 $0xFFFFFF81, v16;
	v27 =	vmul.f32 v22, v20  }
0x48: {  	v16 =	vpop (erf);
	v20 =	vadd.s32 $0xFFFFFF81, v25;
	v22 =	vadd.f32 $1.000000000e+00, v19;
	v21 =	vmul.f32 v21, v24  }
0x49: {  	s25 =	simm.s32 $0x20;
	s22 =	simm.s32 $0x0;
	v15 =	vpop (erf);
	v23 =	vmul.f32 v26, v23;
	v19 =	vmul.f32 $6.931471820e-01, v63;
	v24 =	vadd.f32 $1.000000000e+00, v27  }
.LBB2_2:
0x4a: {  	p0 =	sne.s32 s25, $0x2200;
	v12 =	vmul.f32 v22, v12;
	v20 =	vcvt.s32.f32 v20;
	v21 =	vadd.f32 $1.000000000e+00, v21  }
0x4b: {  	v18 =	vcvt.s32.f32 v18;
	v22 =	vadd.f32 v23, v23;
	v13 =	vmul.f32 v24, v13  }
0x4c: {  	v23 =	vld [tilespmem:s24+$0x0];
	v20 =	vmul.f32 $6.931471820e-01, v20;
	v12 =	vadd.f32 v12, v12;
	v14 =	vmul.f32 v21, v14  }
0x4d: {  	s26 =	sshra.s32 s22, $0x2;
	v17 =	vmul.f32 $6.931471820e-01, v17;
	s22 =	smov.u32 s21;
	v21 =	vld [tilespmem:s24+$0x80];
	v19 =	vadd.f32 v22, v19;
	v13 =	vadd.f32 v13, v13  }
0x4e: {  	v18 =	vmul.f32 $6.931471820e-01, v18;
	v22 =	vld [tilespmem:s26+$0x19E00];
	v12 =	vadd.f32 v12, v20;
	v14 =	vadd.f32 v14, v14  }
0x4f: {  	v9 =	vmul.f32 v16, v9;
	v20 =	vand.u32 $0x7FFFFF, v2;
	v24 =	vld [tilespmem:s24+$0x100];
	v13 =	vadd.f32 v13, v17  }
0x50: {  	v8 =	vmul.f32 v15, v8;
	v16 =	vld [tilespmem:s24+$0x180];
	v12 =	vsub.f32 v12, v19;
	v14 =	vadd.f32 v14, v18;
	s24 =	smov.u32 s23  }
0x51: {  	v11 =	vor.u32 $0x3F800000, v11;
	v17 =	vor.u32 $0x3F800000, v20;
	v15 =	vld [tilespmem:s24+$0x8A00];
	v9 =	vsub.f32 v23, v9  }
0x52: {  	s21 =	sadd.s32 $0x40, s21;
	v18 =	vld [tilespmem:s24+$0x8A80];
	v8 =	vsub.f32 v21, v8;
	v12 =	vmul.f32 $5.000000000e+00, v12;
	v13 =	vsub.f32 v14, v13  }
0x53: {  	s26 =	sand.u32 $0xFE00, s21;
	s23 =	sand.u32 $0x70, s25;
	v19 =	vadd.f32 $1.000000000e+00, v17;
	v14 =	vld [tilespmem:s24+$0x11400];
	(erf) = vrcp.f32 v10;
	v9 =	vmul.f32 v9, v9  }
0x54: {  	s23 =	sor.u32 s23, s26;
	v10 =	vld [tilespmem:s24+$0x11480];
	v12 =	vsub.f32 v24, v12;
	v13 =	vmul.f32 $5.000000000e+00, v13;
	v8 =	vmul.f32 v8, v8  }
0x55: {  	v23 =	vadd.f32 $1.000000000e+00, v6;
	v21 =	vadd.f32 $1.000000000e+00, v11;
	v20 =	vld [tilespmem:s23+$0x11580];
	(erf) = vrcp.f32 v19  }
0x56: {  	v19 =	vld [tilespmem:s23+$0x8B80];
	v13 =	vsub.f32 v16, v13;
	v8 =	vadd.f32 v8, v9;
	v9 =	vmul.f32 v12, v12  }
0x57: {  	v12 =	vld [tilespmem:s23+$0x8B00];
	(erf) = vrcp.f32 v23  }
0x58: {  	v16 =	vld [tilespmem:s23+$0x11500];
	(erf) = vrcp.f32 v21;
	v8 =	vadd.f32 v9, v8;
	v9 =	vmul.f32 v13, v13  }
0x59: {  	vm2 =	vgt.s32 v22, $0x0;
	v13 =	vsub.f32 v15, v14;
	v10 =	vsub.f32 v18, v10  }
0x5a: {  	v14 =	vshrl.u32 v3, $0x17;
	(erf) = vrcp.f32 v5;
	v8 =	vadd.f32 v9, v8  }
0x5b: {  	v15 =	vand.u32 $0x7FFFFF, v20;
	v9 =	vshrl.u32 v5, $0x17;
	(erf) = vrcp.f32 v3;
	v3 =	vmovc v20  }
0x5c: {  	v19 =	vadd.f32 $9.999999970e-07, v19;
	v18 =	vadd.f32 $9.999999970e-07, v12;
	v12 =	vpop (erf);
	v8 =	vnsel vm2, $0x0, v8  }
0x5d: {  	v7 =	vadd.f32 $-1.000000000e+00, v7;
	v20 =	vand.u32 $0x7FFFFF, v16;
	v1 =	vadd.f32 v8, v1;
	v5 =	vmovc v16  }
0x5e: {  	v21 =	vand.u32 $0xFF, v14;
	v16 =	vadd.f32 $-1.000000000e+00, v17;
	v17 =	vand.u32 $0xFF, v9;
	v14 =	vpop (erf)  }
0x5f: {  	v9 =	vmul.f32 $1.000000000e+01, v13;
	v23 =	vmul.f32 v12, v7;
	v7 =	vadd.f32 $-1.000000000e+00, v6  }
0x60: {  	v8 =	vmul.f32 $1.000000000e+01, v10;
	v10 =	vadd.f32 $-1.000000000e+00, v11;
	v12 =	vmul.f32 v14, v16;
	v11 =	vpop (erf)  }
0x61: {  	v6 =	vor.u32 $0x3F800000, v15;
	v22 =	vmul.f32 v23, v23;
	v13 =	vmul.f32 v11, v7;
	v11 =	vpop (erf)  }
0x62: {  	v7 =	vor.u32 $0x3F800000, v20;
	v20 =	vmul.f32 v12, v12;
	v14 =	vmul.f32 v11, v10  }
0x63: {  	v21 =	vadd.s32 $0xFFFFFF81, v21;
	v10 =	vmul.f32 $1.428571490e-01, v22;
	v24 =	vmul.f32 v13, v13;
	v16 =	vpop (erf)  }
0x64: {  	v25 =	vadd.s32 $0xFFFFFF81, v17;
	v11 =	vmul.f32 $1.428571490e-01, v20;
	v26 =	vmul.f32 v14, v14;
	v15 =	vpop (erf)  }
0x65: {  	v27 =	vshrl.u32 v4, $0x17;
	v4 =	vmovc v19;
	v17 =	vadd.f32 $2.000000030e-01, v10;
	v28 =	vmul.f32 $1.428571490e-01, v24  }
0x66: {  	v19 =	vshrl.u32 v2, $0x17;
	v2 =	vmovc v18;
	v29 =	vadd.f32 $2.000000030e-01, v11;
	v30 =	vmul.f32 $1.428571490e-01, v26  }
0x67: {  	v10 =	vadd.f32 $1.000000000e+00, v7;
	v17 =	vmul.f32 v17, v22;
	v18 =	vadd.f32 $2.000000030e-01, v28  }
0x68: {  	v11 =	vand.u32 $0x7FFFFF, v4;
	v28 =	vmul.f32 v29, v20;
	v29 =	vadd.f32 $2.000000030e-01, v30  }
0x69: {  	v30 =	vadd.f32 $3.333333430e-01, v17;
	v17 =	vcvt.s32.f32 v21;
	v18 =	vmul.f32 v18, v24  }
0x6a: {  	v25 =	vcvt.s32.f32 v25;
	v21 =	vadd.f32 $3.333333430e-01, v28;
	v28 =	vmul.f32 v29, v26  }
.Ltmp0:
0x6b: {  	v27 =	vand.u32 $0xFF, v27;
	v22 =	vmul.f32 v30, v22;
	v29 =	vadd.f32 $3.333333430e-01, v18;
	(pc) =	sbr.rel @p0 .LBB2_2-.Ltmp0, $4  }
0x6c: {  	v19 =	vand.u32 $0xFF, v19;
	v21 =	vmul.f32 v21, v20;
	v28 =	vadd.f32 $3.333333430e-01, v28  }
0x6d: {  	v18 =	vadd.s32 $0xFFFFFF81, v27;
	v30 =	vadd.f32 $1.000000000e+00, v22;
	v24 =	vmul.f32 v29, v24  }
0x6e: {  	v20 =	vadd.s32 $0xFFFFFF81, v19;
	v22 =	vadd.f32 $1.000000000e+00, v21;
	v21 =	vmul.f32 v28, v26  }
0x6f: {  	s25 =	sadd.s32 $0x10, s25;
	v19 =	vmul.f32 $6.931471820e-01, v25;
	v23 =	vmul.f32 v30, v23;
	v24 =	vadd.f32 $1.000000000e+00, v24  }
0x70: {  	v12 =	vmul.f32 v22, v12  }
0x71: {  	v20 =	vcvt.s32.f32 v20;
	v18 =	vcvt.s32.f32 v18  }
0x72: {  	v21 =	vadd.f32 $1.000000000e+00, v21;
	v17 =	vmul.f32 $6.931471820e-01, v17;
	v9 =	vmul.f32 v16, v9  }
0x73: {  	v8 =	vmul.f32 v15, v8;
	v13 =	vmul.f32 v24, v13  }
0x74: {  	v11 =	vor.u32 $0x3F800000, v11;
	(erf) = vrcp.f32 v10;
	v14 =	vmul.f32 v21, v14  }
0x75: {  	v20 =	vmul.f32 $6.931471820e-01, v20;
	v12 =	vadd.f32 v12, v12;
	v13 =	vadd.f32 v13, v13  }
0x76: {  	v18 =	vmul.f32 $6.931471820e-01, v18;
	v21 =	vand.u32 $0x7FFFFF, v2;
	v14 =	vadd.f32 v14, v14  }
0x77: {  	v16 =	vld [tilespmem:s24+$0x80];
	v12 =	vadd.f32 v12, v20;
	v13 =	vadd.f32 v13, v17;
	v17 =	vor.u32 $0x3F800000, v21  }
0x78: {  	v4 =	vshrl.u32 v4, $0x17;
	v20 =	vld [tilespmem:s24+$0x0];
	v14 =	vadd.f32 v14, v18;
	v15 =	vadd.f32 $1.000000000e+00, v17  }
0x79: {  	v10 =	vadd.f32 $1.000000000e+00, v6;
	v22 =	vadd.f32 v23, v23;
	v4 =	vand.u32 $0xFF, v4;
	v18 =	vld [tilespmem:s24+$0x180]  }
0x7a: {  	v21 =	vld [tilespmem:s23+$0x8A00];
	v13 =	vsub.f32 v14, v13;
	v14 =	vadd.f32 $1.000000000e+00, v11;
	(erf) = vrcp.f32 v15  }
0x7b: {  	v2 =	vshrl.u32 v2, $0x17;
	v19 =	vadd.f32 v22, v19;
	v15 =	vld [tilespmem:s23+$0x8A80];
	(erf) = vrcp.f32 v10  }
0x7c: {  	v2 =	vand.u32 $0xFF, v2;
	v10 =	vld [tilespmem:s23+$0x11400];
	v13 =	vmul.f32 $5.000000000e+00, v13;
	(erf) = vrcp.f32 v14  }
0x7d: {  	v2 =	vadd.s32 $0xFFFFFF81, v2;
	v8 =	vsub.f32 v16, v8;
	v9 =	vsub.f32 v20, v9;
	v14 =	vld [tilespmem:s23+$0x11480]  }
0x7e: {  	v25 =	vadd.s32 $0xFFFFFF81, v4;
	v2 =	vcvt.s32.f32 v2;
	v13 =	vsub.f32 v18, v13  }
0x7f: {  	v12 =	vsub.f32 v12, v19;
	v8 =	vmul.f32 v8, v8;
	v9 =	vmul.f32 v9, v9  }
0x80: {  	v7 =	vadd.f32 $-1.000000000e+00, v7;
	v4 =	vld.msk [tilespmem:$0x19D90], $0xfff;
	v25 =	vcvt.s32.f32 v25;
	v2 =	vmul.f32 $6.931471820e-01, v2  }
0x81: {  	v12 =	vmul.f32 $5.000000000e+00, v12;
	v8 =	vadd.f32 v8, v9;
	v9 =	vsub.f32 v21, v10  }
0x82: {  	v19 =	vld [tilespmem:s24+$0x100];
	v16 =	vmul.f32 v13, v13;
	v10 =	vsub.f32 v15, v14;
	v14 =	vadd.f32 $-1.000000000e+00, v17;
	v13 =	vpop (erf)  }
0x83: {  	v6 =	vadd.f32 $-1.000000000e+00, v6;
	(erf) = vrcp.f32 v5;
	v15 =	vpop (erf);
	v7 =	vmul.f32 v13, v7  }
0x84: {  	v17 =	vmul.f32 $1.000000000e+01, v9;
	v9 =	vadd.f32 $-1.000000000e+00, v11;
	v13 =	vmul.f32 v15, v14;
	v11 =	vpop (erf)  }
0x85: {  	v51 =	vand.u32 $0x7FFFFF, v4;
	v14 =	vmul.f32 v7, v7;
	v6 =	vmul.f32 v11, v6;
	v11 =	vpop (erf)  }
0x86: {  	v52 =	vor.u32 $0x3F800000, v51;
	v15 =	vmul.f32 v13, v13;
	v18 =	vmul.f32 v11, v9  }
0x87: {  	v12 =	vsub.f32 v19, v12;
	v9 =	vmul.f32 $1.428571490e-01, v14;
	v19 =	vmul.f32 v6, v6  }
0x88: {  	v5 =	vshrl.u32 v5, $0x17;
	v11 =	vmul.f32 $1.428571490e-01, v15;
	v20 =	vmul.f32 v18, v18  }
0x89: {  	(erf) = vrcp.f32 v3;
	v9 =	vadd.f32 $2.000000030e-01, v9;
	v21 =	vmul.f32 $1.428571490e-01, v19  }
0x8a: {  	v3 =	vshrl.u32 v3, $0x17;
	v11 =	vadd.f32 $2.000000030e-01, v11;
	v22 =	vmul.f32 $1.428571490e-01, v20  }
0x8b: {  	v5 =	vand.u32 $0xFF, v5;
	v9 =	vmul.f32 v9, v14;
	v21 =	vadd.f32 $2.000000030e-01, v21  }
0x8c: {  	v3 =	vand.u32 $0xFF, v3;
	v11 =	vmul.f32 v11, v15;
	v22 =	vadd.f32 $2.000000030e-01, v22  }
0x8d: {  	v3 =	vadd.s32 $0xFFFFFF81, v3;
	v9 =	vadd.f32 $3.333333430e-01, v9;
	v21 =	vmul.f32 v21, v19  }
0x8e: {  	v23 =	vcvt.s32.f32 v3;
	v3 =	vadd.f32 $3.333333430e-01, v11;
	v11 =	vmul.f32 v22, v20;
	v22 =	vld [tilespmem:$0x11300]  }
0x8f: {  	v5 =	vadd.s32 $0xFFFFFF81, v5;
	v9 =	vmul.f32 v9, v14;
	v14 =	vadd.f32 $3.333333430e-01, v21;
	v21 =	vld.msk [tilespmem:$0x11310], $0xfff  }
0x90: {  	v5 =	vcvt.s32.f32 v5;
	v3 =	vmul.f32 v3, v15;
	v15 =	vadd.f32 $3.333333430e-01, v11;
	v11 =	vld [tilespmem:$0x19D00]  }
0x91: {  	v55 =	vadd.f32 $1.000000000e+00, v52;
	v12 =	vmul.f32 v12, v12;
	v24 =	vadd.f32 $1.000000000e+00, v9;
	v9 =	vld.msk [tilespmem:$0x19D10], $0xfff  }
0x92: {  	v5 =	vmul.f32 $6.931471820e-01, v5;
	v14 =	vmul.f32 v14, v19;
	v19 =	vadd.f32 $1.000000000e+00, v3;
	v3 =	vld [tilespmem:$0x19D80]  }
0x93: {  	v10 =	vmul.f32 $1.000000000e+01, v10;
	v15 =	vmul.f32 v15, v20;
	v20 =	vadd.f32 $9.999999970e-07, v22  }
0x94: {  	v8 =	vadd.f32 v12, v8;
	v7 =	vmul.f32 v24, v7;
	v19 =	vmul.f32 v19, v13  }
0x95: {  	v13 =	vadd.f32 $9.999999970e-07, v21;
	(erf) = vrcp.f32 v11;
	v21 =	vand.u32 $0x7FFFFF, v20  }
0x96: {  	v15 =	vadd.f32 $1.000000000e+00, v15;
	(erf) = vrcp.f32 v9;
	v21 =	vor.u32 $0x3F800000, v21  }
0x97: {  	v22 =	vand.u32 $0x7FFFFF, v13;
	(erf) = vrcp.f32 v3;
	v24 =	vadd.f32 $1.000000000e+00, v21  }
0x98: {  	v14 =	vadd.f32 $1.000000000e+00, v14;
	v22 =	vor.u32 $0x3F800000, v22;
	(erf) = vrcp.f32 v4  }
0x99: {  	v7 =	vadd.f32 v7, v7;
	v26 =	vadd.f32 $1.000000000e+00, v22;
	(erf) = vrcp.f32 v24  }
0x9a: {  	v6 =	vmul.f32 v14, v6;
	v19 =	vadd.f32 v19, v19;
	v14 =	vmul.f32 v15, v18  }
0x9b: {  	v12 =	vld [tilespmem:s23+$0x0];
	v27 =	vand.u32 $0x7FFFFF, v9;
	v5 =	vadd.f32 v7, v5;
	v15 =	vpop (erf);
	(erf) = vrcp.f32 v26  }
0x9c: {  	v28 =	vld [tilespmem:s23+$0x180];
	v19 =	vadd.f32 v19, v2;
	v2 =	vadd.f32 v16, v8;
	v8 =	vmul.f32 v15, v17  }
0x9d: {  	v7 =	vmul.f32 $6.931471820e-01, v23;
	v6 =	vadd.f32 v6, v6;
	v21 =	vadd.f32 $-1.000000000e+00, v21;
	v23 =	vpop (erf);
	v15 =	vld [tilespmem:$0x11200]  }
0x9e: {  	v14 =	vadd.f32 v14, v14;
	v24 =	vmul.f32 $6.931471820e-01, v25;
	v5 =	vsub.f32 v19, v5;
	v19 =	vld [tilespmem:$0x19C00];
	v16 =	vpop (erf)  }
0x9f: {  	v18 =	vld [tilespmem:s23+$0x80];
	v27 =	vor.u32 $0x3F800000, v27;
	v6 =	vadd.f32 v6, v7;
	v10 =	vmul.f32 v23, v10;
	v23 =	vpop (erf)  }
0xa0: {  	v26 =	vld.msk [tilespmem:$0x19C10], $0xfff;
	v17 =	vadd.f32 v14, v24;
	v14 =	vsub.f32 v12, v8;
	v24 =	vand.u32 $0x7FFFFF, v11;
	v8 =	vpop (erf)  }
0xa1: {  	v22 =	vadd.f32 $-1.000000000e+00, v22;
	v31 =	vadd.f32 $1.000000000e+00, v27;
	v12 =	vld.msk [tilespmem:$0x11210], $0xfff;
	v24 =	vor.u32 $0x3F800000, v24;
	v7 =	vpop (erf)  }
0xa2: {  	v25 =	vld [tilespmem:s23+$0x100];
	v30 =	vadd.f32 $1.000000000e+00, v24;
	v6 =	vsub.f32 v17, v6;
	v29 =	vpop (erf)  }
0xa3: {  	v32 =	vld [tilespmem:$0x11380];
	v5 =	vmul.f32 $5.000000000e+00, v5;
	v19 =	vsub.f32 v15, v19;
	v21 =	vmul.f32 v29, v21  }
0xa4: {  	v17 =	vld [tilespmem:$0x8800];
	v15 =	vsub.f32 v18, v10;
	v10 =	vmul.f32 $5.000000000e+00, v6;
	(erf) = vrcp.f32 v30;
	v60 =	vpop (erf)  }
0xa5: {  	v20 =	vshrl.u32 v20, $0x17;
	v18 =	vld.msk [tilespmem:$0x11390], $0xfff;
	v22 =	vmul.f32 v60, v22;
	v61 =	vmul.f32 v21, v21  }
0xa6: {  	v12 =	vsub.f32 v12, v26;
	(erf) = vrcp.f32 v31;
	v19 =	vmul.f32 $1.000000000e+01, v19  }
0xa7: {  	v6 =	vsub.f32 v25, v5;
	v25 =	vmul.f32 v22, v22;
	v26 =	vmul.f32 $1.428571490e-01, v61  }
0xa8: {  	v5 =	vsub.f32 v28, v10;
	v10 =	vmul.f32 $1.000000000e+01, v12;
	v12 =	vmul.f32 v16, v19  }
0xa9: {  	v16 =	vmul.f32 $1.428571490e-01, v25;
	v19 =	vadd.f32 $2.000000030e-01, v26;
	v26 =	vadd.f32 $9.999999970e-07, v32  }
0xaa: {  	v23 =	vmul.f32 v23, v10;
	v18 =	vadd.f32 $9.999999970e-07, v18;
	v10 =	vsub.f32 v17, v12  }
0xab: {  	v12 =	vadd.f32 $2.000000030e-01, v16;
	v16 =	vmul.f32 v19, v61;
	v19 =	vand.u32 $0x7FFFFF, v26  }
0xac: {  	v20 =	vand.u32 $0xFF, v20;
	v39 =	vand.u32 $0x7FFFFF, v18;
	v19 =	vor.u32 $0x3F800000, v19  }
0xad: {  	v13 =	vshrl.u32 v13, $0x17;
	v31 =	vor.u32 $0x3F800000, v39;
	v34 =	vadd.f32 $1.000000000e+00, v19  }
0xae: {  	v9 =	vshrl.u32 v9, $0x17;
	v20 =	vadd.s32 $0xFFFFFF81, v20;
	v36 =	vadd.f32 $1.000000000e+00, v31  }
0xaf: {  	v49 =	vand.u32 $0x7FFFFF, v3;
	v24 =	vadd.f32 $-1.000000000e+00, v24;
	(erf) = vrcp.f32 v34  }
0xb0: {  	v13 =	vand.u32 $0xFF, v13;
	v20 =	vcvt.s32.f32 v20;
	v33 =	vpop (erf);
	(erf) = vrcp.f32 v36  }
0xb1: {  	v62 =	vld.msk [tilespmem:$0x8810], $0xfff;
	v13 =	vadd.s32 $0xFFFFFF81, v13;
	v24 =	vmul.f32 v33, v24;
	v12 =	vmul.f32 v12, v25  }
0xb2: {  	v9 =	vand.u32 $0xFF, v9;
	v27 =	vadd.f32 $-1.000000000e+00, v27;
	v13 =	vcvt.s32.f32 v13  }
0xb3: {  	v20 =	vmul.f32 $6.931471820e-01, v20;
	v41 =	vpop (erf);
	v43 =	vmul.f32 v24, v24;
	v42 =	vadd.f32 $3.333333430e-01, v12  }
0xb4: {  	v47 =	vadd.f32 $-1.000000000e+00, v31;
	v31 =	vor.u32 $0x3F800000, v49;
	v27 =	vmul.f32 v41, v27  }
0xb5: {  	v16 =	vadd.f32 $3.333333430e-01, v16;
	v45 =	vmul.f32 $1.428571490e-01, v43;
	v25 =	vmul.f32 v42, v25  }
0xb6: {  	v53 =	vadd.f32 $1.000000000e+00, v31;
	v44 =	vmul.f32 v27, v27;
	v12 =	vsub.f32 v62, v23  }
0xb7: {  	v23 =	vmul.f32 v16, v61;
	v29 =	vadd.f32 $2.000000030e-01, v45;
	v25 =	vadd.f32 $1.000000000e+00, v25  }
0xb8: {  	v19 =	vadd.f32 $-1.000000000e+00, v19;
	v46 =	vmul.f32 $1.428571490e-01, v44;
	(erf) = vrcp.f32 v53;
	v48 =	vpop (erf)  }
0xb9: {  	v3 =	vshrl.u32 v3, $0x17;
	v22 =	vmul.f32 v25, v22;
	v25 =	vmul.f32 v29, v43;
	v50 =	vpop (erf)  }
0xba: {  	v9 =	vadd.s32 $0xFFFFFF81, v9;
	v19 =	vmul.f32 v48, v19;
	v29 =	vmul.f32 v50, v47  }
0xbb: {  	v23 =	vadd.f32 $1.000000000e+00, v23;
	(erf) = vrcp.f32 v55;
	v25 =	vadd.f32 $3.333333430e-01, v25  }
0xbc: {  	v4 =	vshrl.u32 v4, $0x17;
	v54 =	vmul.f32 v19, v19;
	v56 =	vmul.f32 v29, v29  }
0xbd: {  	v21 =	vmul.f32 v23, v21;
	v23 =	vadd.f32 $2.000000030e-01, v46;
	v25 =	vmul.f32 v25, v43  }
0xbe: {  	v3 =	vand.u32 $0xFF, v3;
	v57 =	vmul.f32 $1.428571490e-01, v54;
	v58 =	vmul.f32 $1.428571490e-01, v56  }
0xbf: {  	v23 =	vmul.f32 v23, v44;
	v21 =	vadd.f32 v21, v21;
	v25 =	vadd.f32 $1.000000000e+00, v25  }
0xc0: {  	v11 =	vshrl.u32 v11, $0x17;
	v34 =	vadd.f32 $2.000000030e-01, v57;
	v28 =	vadd.f32 $2.000000030e-01, v58  }
0xc1: {  	v11 =	vand.u32 $0xFF, v11;
	v23 =	vadd.f32 $3.333333430e-01, v23;
	v24 =	vmul.f32 v25, v24  }
0xc2: {  	v20 =	vadd.f32 v21, v20;
	v21 =	vmul.f32 v34, v54;
	v25 =	vmul.f32 v28, v56  }
0xc3: {  	v9 =	vcvt.s32.f32 v9;
	v13 =	vmul.f32 $6.931471820e-01, v13;
	v11 =	vadd.s32 $0xFFFFFF81, v11  }
0xc4: {  	v23 =	vmul.f32 v23, v44;
	v21 =	vadd.f32 $3.333333430e-01, v21;
	v25 =	vadd.f32 $3.333333430e-01, v25  }
0xc5: {  	v11 =	vcvt.s32.f32 v11;
	v59 =	vadd.f32 $-1.000000000e+00, v31;
	v22 =	vadd.f32 v22, v22  }
0xc6: {  	v30 =	vadd.f32 $-1.000000000e+00, v52;
	v60 =	vpop (erf);
	v23 =	vadd.f32 $1.000000000e+00, v23;
	v21 =	vmul.f32 v21, v54  }
0xc7: {  	v11 =	vmul.f32 $6.931471820e-01, v11;
	v13 =	vadd.f32 v22, v13;
	v28 =	vmul.f32 v60, v59  }
0xc8: {  	v23 =	vmul.f32 v23, v27;
	v22 =	vmul.f32 v25, v56;
	v21 =	vadd.f32 $1.000000000e+00, v21;
	v25 =	vpop (erf)  }
0xc9: {  	v24 =	vadd.f32 v24, v24;
	v27 =	vmul.f32 v28, v28;
	v25 =	vmul.f32 v25, v30  }
0xca: {  	v4 =	vand.u32 $0xFF, v4;
	v3 =	vadd.s32 $0xFFFFFF81, v3;
	v19 =	vmul.f32 v21, v19  }
0xcb: {  	v11 =	vadd.f32 v24, v11;
	v21 =	vmul.f32 $1.428571490e-01, v27;
	v24 =	vmul.f32 v25, v25  }
0xcc: {  	v4 =	vadd.s32 $0xFFFFFF81, v4;
	v3 =	vcvt.s32.f32 v3;
	v9 =	vmul.f32 $6.931471820e-01, v9  }
0xcd: {  	v22 =	vadd.f32 $1.000000000e+00, v22;
	v21 =	vadd.f32 $2.000000030e-01, v21;
	v61 =	vmul.f32 $1.428571490e-01, v24  }
0xce: {  	v40 =	vld [tilespmem:$0x19C80];
	v4 =	vcvt.s32.f32 v4;
	v3 =	vmul.f32 $6.931471820e-01, v3  }
0xcf: {  	v17 =	vld [tilespmem:$0x11280];
	v22 =	vmul.f32 v22, v29;
	v21 =	vmul.f32 v21, v27;
	v29 =	vadd.f32 $2.000000030e-01, v61  }
0xd0: {  	v14 =	vmul.f32 v14, v14;
	v4 =	vmul.f32 $6.931471820e-01, v4;
	v18 =	vshrl.u32 v18, $0x17  }
0xd1: {  	v18 =	vand.u32 $0xFF, v18;
	v21 =	vadd.f32 $3.333333430e-01, v21;
	v29 =	vmul.f32 v29, v24  }
0xd2: {  	v63 =	vld.msk [tilespmem:$0x11290], $0xfff;
	v15 =	vmul.f32 v15, v15;
	v10 =	vmul.f32 v10, v10;
	v18 =	vadd.s32 $0xFFFFFF81, v18  }
0xd3: {  	v35 =	vld.msk [tilespmem:$0x19C90], $0xfff;
	v26 =	vshrl.u32 v26, $0x17;
	v21 =	vmul.f32 v21, v27;
	v29 =	vadd.f32 $3.333333430e-01, v29  }
0xd4: {  	v18 =	vcvt.s32.f32 v18;
	v17 =	vsub.f32 v17, v40;
	v26 =	vand.u32 $0xFF, v26  }
0xd5: {  	v23 =	vadd.f32 v23, v23;
	v21 =	vadd.f32 $1.000000000e+00, v21;
	v24 =	vmul.f32 v29, v24  }
0xd6: {  	v18 =	vmul.f32 $6.931471820e-01, v18;
	v17 =	vmul.f32 $1.000000000e+01, v17;
	v26 =	vadd.s32 $0xFFFFFF81, v26  }
0xd7: {  	v9 =	vadd.f32 v23, v9;
	v21 =	vmul.f32 v21, v28;
	v24 =	vadd.f32 $1.000000000e+00, v24  }
0xd8: {  	v26 =	vcvt.s32.f32 v26;
	v8 =	vmul.f32 v8, v17;
	v16 =	vsub.f32 v63, v35  }
0xd9: {  	v9 =	vsub.f32 v13, v9;
	v21 =	vadd.f32 v21, v21;
	v23 =	vmul.f32 v24, v25;
	v24 =	vld [tilespmem:$0x8880]  }
0xda: {  	v26 =	vmul.f32 $6.931471820e-01, v26;
	v19 =	vadd.f32 v19, v19;
	v22 =	vadd.f32 v22, v22;
	v25 =	vld.msk [tilespmem:$0x8890], $0xfff  }
0xdb: {  	v16 =	vmul.f32 $1.000000000e+01, v16;
	v3 =	vadd.f32 v21, v3;
	v21 =	vld.msk [tilespmem:$0x8910], $0xfff;
	v23 =	vadd.f32 v23, v23  }
0xdc: {  	v12 =	vmul.f32 v12, v12;
	v19 =	vadd.f32 v19, v26;
	v18 =	vadd.f32 v22, v18;
	v22 =	vld [tilespmem:$0x8900]  }
0xdd: {  	v7 =	vmul.f32 v7, v16;
	v11 =	vsub.f32 v20, v11;
	v13 =	vld [tilespmem:$0x8980];
	v4 =	vadd.f32 v23, v4  }
0xde: {  	v16 =	vld.msk [tilespmem:$0x8990], $0xfff;
	v9 =	vmul.f32 $5.000000000e+00, v9;
	v3 =	vsub.f32 v19, v3;
	v8 =	vsub.f32 v24, v8  }
0xdf: {  	v11 =	vmul.f32 $5.000000000e+00, v11;
	v7 =	vsub.f32 v25, v7;
	v4 =	vsub.f32 v18, v4  }
0xe0: {  	s22 =	sshra.s32 s22, $0x2;
	v3 =	vmul.f32 $5.000000000e+00, v3;
	v9 =	vsub.f32 v21, v9;
	v8 =	vmul.f32 v8, v8  }
0xe1: {  	v17 =	vld [tilespmem:s22+$0x19E00];
	v11 =	vsub.f32 v22, v11;
	v7 =	vmul.f32 v7, v7;
	v4 =	vmul.f32 $5.000000000e+00, v4  }
0xe2: {  	v3 =	vsub.f32 v13, v3;
	v9 =	vmul.f32 v9, v9;
	v8 =	vadd.f32 v8, v10  }
0xe3: {  	s21 =	sshra.s32 s21, $0x2;
	v10 =	vmul.f32 v11, v11;
	v7 =	vadd.f32 v7, v12;
	v4 =	vsub.f32 v16, v4  }
0xe4: {  	v6 =	vmul.f32 v6, v6;
	v3 =	vmul.f32 v3, v3;
	v11 =	vld [tilespmem:s21+$0x19E00];
	v12 =	vadd.f32 v15, v14  }
0xe5: {  	v8 =	vadd.f32 v10, v8;
	v10 =	vld [tilespmem:$0x1C00C];
	v7 =	vadd.f32 v9, v7;
	v4 =	vmul.f32 v4, v4  }
0xe6: {  	v5 =	vmul.f32 v5, v5;
	vm2 =	vgt.s32 v17, $0x0;
	v6 =	vadd.f32 v6, v12  }
0xe7: {  	v2 =	vnsel vm2, $0x0, v2;
	v3 =	vadd.f32 v3, v8;
	v4 =	vadd.f32 v4, v7  }
0xe8: {  	v1 =	vadd.f32 v2, v1;
	v2 =	vadd.f32 v5, v6  }
0xe9: {  	vm2 =	vgt.s32 v11, $0x0;
	v3 =	vperm.xlane v3, v0;
	v4 =	vperm.xlane v4, v0  }
0xea: {  	v2 =	vnsel vm2, $0x0, v2;
	vm2 =	vgt.s32 v10, $0x0  }
0xeb: {  	v1 =	vadd.f32 v2, v1;
	vm2 =	vmand vm2, vm1;
	v2 =	vsel vm0, v3, v4  }
0xec: {  	v2 =	vnsel vm2, $0x0, v2  }
0xed: {  	v1 =	vadd.f32 v2, v1;
	_ =	sdelay $0x1  }
0xee: {  	s21 =	simm.s32 $0x0;
	[tilespmem:$0x1C080] =	vst v1  }
0xef: {  	[hbm4b:s7+s21] =	stream.linear.scatter [tilespmem:s19], [sflag:$0x1], $0x80, $0x38;
	[tilespmem:$0x1C100] =	vst v63  }
0xf0: {  	_ =	swait.ge [sflag:s14], $0x80  }
0xf1: {  	[sflag:s14] =	ssyncset.done $0x0  }
0xf2: {  	[sflag:s14] =	ssyncadd.s32 $0xFFFFFF80  }
0xf3: {  	[tilespmem:s21], [sflag:$0x1] =	stream.linear.gather [hbm4b:s8+s21], $0x8A00, $0x38;
	[tilespmem:$0x1C100] =	vst v63  }
0xf4: {  	_ =	swait.ge [sflag:s14], $0x8A00  }
0xf5: {  	[sflag:s14] =	ssyncset.done $0x0  }
0xf6: {  	[sflag:s14] =	ssyncadd.s32 $0xFFFF7600  }
0xf7: {  	[tilespmem:s15], [sflag:$0x1] =	stream.linear.gather [hbm4b:s9+s21], $0x8A00, $0x38;
	[tilespmem:$0x1C100] =	vst v63  }
0xf8: {  	_ =	swait.ge [sflag:s14], $0x8A00  }
0xf9: {  	[sflag:s14] =	ssyncset.done $0x0  }
0xfa: {  	[sflag:s14] =	ssyncadd.s32 $0xFFFF7600  }
0xfb: {  	[tilespmem:s18], [sflag:$0x1] =	stream.strided.gather [hbm4b:s10+s16], $0x2280, s17, s16, $0x38;
	[tilespmem:$0x1C100] =	vst v63  }
0xfc: {  	_ =	swait.ge [sflag:s14], $0x2280  }
0xfd: {  	s29 =	sand.u32 $0x70, s21;
	s30 =	sand.u32 $0xFE00, s21;
	[sflag:s14] =	ssyncset.done $0x0  }
0xfe: {  	s24 =	sor.u32 s29, s30;
	[sflag:s14] =	ssyncadd.s32 $0xFFFFDD80  }
0xff: {  	v1 =	vld [tilespmem:s24+$0x8B00]  }
0x100: {  	v2 =	vld [tilespmem:s24+$0x11500]  }
0x101: {  	v3 =	vld [tilespmem:s24+$0x8B80]  }
0x102: {  	v4 =	vld [tilespmem:s24+$0x11580];
	_ =	sdelay $0x1  }
0x103: {  	v10 =	vadd.f32 $9.999999970e-07, v1  }
0x104: {  	v1 =	vand.u32 $0x7FFFFF, v2  }
0x105: {  	v11 =	vadd.f32 $9.999999970e-07, v3;
	v8 =	vor.u32 $0x3F800000, v1;
	v1 =	vand.u32 $0x7FFFFF, v10  }
0x106: {  	v7 =	vld [tilespmem:s24+$0x8A00];
	v5 =	vand.u32 $0x7FFFFF, v4;
	v6 =	vadd.f32 $1.000000000e+00, v8;
	v9 =	vor.u32 $0x3F800000, v1  }
0x107: {  	v12 =	vld [tilespmem:s24+$0x11400];
	v13 =	vor.u32 $0x3F800000, v5;
	v1 =	vand.u32 $0x7FFFFF, v11;
	v14 =	vadd.f32 $1.000000000e+00, v9  }
0x108: {  	s31 =	simm.s32 $0x10;
	s22 =	simm.s32 $0x40;
	v15 =	vld [tilespmem:s24+$0x11480];
	v16 =	vor.u32 $0x3F800000, v1;
	(erf) = vrcp.f32 v6;
	v1 =	vadd.f32 $1.000000000e+00, v13  }
0x109: {  	s23 =	sand.u32 $0x70, s31;
	s25 =	sand.u32 $0xFE00, s22;
	v3 =	vld [tilespmem:s24+$0x8A80];
	v17 =	vadd.f32 $1.000000000e+00, v16;
	(erf) = vrcp.f32 v14  }
0x10a: {  	s23 =	sor.u32 s23, s25;
	(erf) = vrcp.f32 v1  }
0x10b: {  	v18 =	vld [tilespmem:s23+$0x8B00];
	(erf) = vrcp.f32 v17  }
0x10c: {  	v5 =	vld [tilespmem:s23+$0x11580]  }
0x10d: {  	v7 =	vsub.f32 v7, v12;
	v24 =	vshrl.u32 v11, $0x17;
	v20 =	vadd.f32 $-1.000000000e+00, v9  }
0x10e: {  	v25 =	vshrl.u32 v10, $0x17;
	v13 =	vadd.f32 $-1.000000000e+00, v13;
	v12 =	vsub.f32 v3, v15;
	v14 =	vld [tilespmem:s23+$0x8B80]  }
0x10f: {  	v6 =	vld [tilespmem:s23+$0x11500];
	v15 =	vshrl.u32 v4, $0x17;
	(erf) = vrcp.f32 v2;
	v2 =	vshrl.u32 v2, $0x17  }
0x110: {  	v3 =	vadd.f32 $9.999999970e-07, v18;
	v18 =	vadd.f32 $-1.000000000e+00, v8;
	v8 =	vmul.f32 $1.000000000e+01, v7  }
0x111: {  	v16 =	vadd.f32 $-1.000000000e+00, v16;
	v9 =	vmul.f32 $1.000000000e+01, v12;
	v17 =	vand.u32 $0x7FFFFF, v5;
	v19 =	vpop (erf)  }
0x112: {  	v7 =	vor.u32 $0x3F800000, v17;
	v21 =	vand.u32 $0xFF, v2;
	v19 =	vmul.f32 v19, v18;
	v2 =	vpop (erf)  }
0x113: {  	(erf) = vrcp.f32 v4;
	v4 =	vadd.f32 $9.999999970e-07, v14;
	v12 =	vmul.f32 v2, v20;
	v2 =	vpop (erf)  }
0x114: {  	v14 =	vand.u32 $0x7FFFFF, v6;
	v18 =	vmul.f32 v19, v19;
	v13 =	vmul.f32 v2, v13;
	v17 =	vpop (erf)  }
0x115: {  	v2 =	vor.u32 $0x3F800000, v14;
	v20 =	vmul.f32 v12, v12;
	v14 =	vmul.f32 v17, v16  }
0x116: {  	v25 =	vand.u32 $0xFF, v25;
	v16 =	vmul.f32 $1.428571490e-01, v18;
	v22 =	vmul.f32 v13, v13  }
0x117: {  	v15 =	vand.u32 $0xFF, v15;
	v17 =	vmul.f32 $1.428571490e-01, v20;
	v23 =	vmul.f32 v14, v14  }
0x118: {  	v1 =	vimm.f32 $0.0e+00;
	v16 =	vadd.f32 $2.000000030e-01, v16;
	v11 =	vmul.f32 $1.428571490e-01, v22  }
0x119: {  	v15 =	vadd.s32 $0xFFFFFF81, v15;
	v17 =	vadd.f32 $2.000000030e-01, v17;
	v26 =	vmul.f32 $1.428571490e-01, v23  }
0x11a: {  	v21 =	vadd.s32 $0xFFFFFF81, v21;
	v16 =	vmul.f32 v16, v18;
	v27 =	vadd.f32 $2.000000030e-01, v11  }
0x11b: {  	v63 =	vcvt.s32.f32 v21;
	v62 =	vmul.f32 v17, v20;
	v26 =	vadd.f32 $2.000000030e-01, v26  }
0x11c: {  	v10 =	vadd.f32 $1.000000000e+00, v2;
	v16 =	vadd.f32 $3.333333430e-01, v16;
	v27 =	vmul.f32 v27, v22  }
0x11d: {  	v17 =	vcvt.s32.f32 v15;
	v15 =	vadd.f32 $3.333333430e-01, v62;
	v21 =	vmul.f32 v26, v23  }
0x11e: {  	v16 =	vmul.f32 v16, v18;
	v18 =	vand.u32 $0xFF, v24;
	v24 =	vadd.f32 $3.333333430e-01, v27  }
0x11f: {  	v11 =	vand.u32 $0x7FFFFF, v4;
	v26 =	vmul.f32 v15, v20;
	v21 =	vadd.f32 $3.333333430e-01, v21  }
0x120: {  	v18 =	vadd.s32 $0xFFFFFF81, v18;
	v27 =	vadd.f32 $1.000000000e+00, v16;
	v24 =	vmul.f32 v24, v22  }
0x121: {  	v20 =	vadd.s32 $0xFFFFFF81, v25;
	v15 =	vpop (erf);
	v22 =	vadd.f32 $1.000000000e+00, v26;
	v21 =	vmul.f32 v21, v23  }
0x122: {  	s25 =	simm.s32 $0x20;
	v23 =	vmul.f32 v27, v19;
	v19 =	vmul.f32 $6.931471820e-01, v63;
	v16 =	vpop (erf);
	v24 =	vadd.f32 $1.000000000e+00, v24  }
.LBB2_4:
0x123: {  	p0 =	sne.s32 s25, $0x2200;
	v12 =	vmul.f32 v22, v12;
	v20 =	vcvt.s32.f32 v20;
	v21 =	vadd.f32 $1.000000000e+00, v21  }
0x124: {  	v18 =	vcvt.s32.f32 v18;
	v22 =	vadd.f32 v23, v23;
	v13 =	vmul.f32 v24, v13  }
0x125: {  	v23 =	vld [tilespmem:s24+$0x0];
	v20 =	vmul.f32 $6.931471820e-01, v20;
	v12 =	vadd.f32 v12, v12;
	v14 =	vmul.f32 v21, v14  }
0x126: {  	s26 =	sshra.s32 s21, $0x2;
	v17 =	vmul.f32 $6.931471820e-01, v17;
	s21 =	smov.u32 s22;
	v21 =	vld [tilespmem:s24+$0x80];
	v19 =	vadd.f32 v22, v19;
	v13 =	vadd.f32 v13, v13  }
0x127: {  	v18 =	vmul.f32 $6.931471820e-01, v18;
	v22 =	vld [tilespmem:s26+$0x19E00];
	v12 =	vadd.f32 v12, v20;
	v14 =	vadd.f32 v14, v14  }
0x128: {  	v8 =	vmul.f32 v15, v8;
	v20 =	vand.u32 $0x7FFFFF, v3;
	v24 =	vld [tilespmem:s24+$0x100];
	v13 =	vadd.f32 v13, v17  }
0x129: {  	v9 =	vmul.f32 v16, v9;
	v15 =	vld [tilespmem:s24+$0x180];
	v12 =	vsub.f32 v12, v19;
	v14 =	vadd.f32 v14, v18;
	s24 =	smov.u32 s23  }
0x12a: {  	v11 =	vor.u32 $0x3F800000, v11;
	v17 =	vor.u32 $0x3F800000, v20;
	v16 =	vld [tilespmem:s24+$0x8A00];
	v8 =	vsub.f32 v23, v8  }
0x12b: {  	s22 =	sadd.s32 $0x40, s22;
	v18 =	vld [tilespmem:s24+$0x8A80];
	v9 =	vsub.f32 v21, v9;
	v12 =	vmul.f32 $5.000000000e+00, v12;
	v13 =	vsub.f32 v14, v13  }
0x12c: {  	s26 =	sand.u32 $0xFE00, s22;
	s23 =	sand.u32 $0x70, s25;
	v19 =	vadd.f32 $1.000000000e+00, v17;
	v14 =	vld [tilespmem:s24+$0x11400];
	(erf) = vrcp.f32 v10;
	v8 =	vmul.f32 v8, v8  }
0x12d: {  	s23 =	sor.u32 s23, s26;
	v10 =	vld [tilespmem:s24+$0x11480];
	v12 =	vsub.f32 v24, v12;
	v13 =	vmul.f32 $5.000000000e+00, v13;
	v9 =	vmul.f32 v9, v9  }
0x12e: {  	v23 =	vadd.f32 $1.000000000e+00, v7;
	v21 =	vadd.f32 $1.000000000e+00, v11;
	v20 =	vld [tilespmem:s23+$0x11580];
	(erf) = vrcp.f32 v19  }
0x12f: {  	v19 =	vld [tilespmem:s23+$0x8B80];
	v13 =	vsub.f32 v15, v13;
	v8 =	vadd.f32 v9, v8;
	v9 =	vmul.f32 v12, v12  }
0x130: {  	v12 =	vld [tilespmem:s23+$0x8B00];
	(erf) = vrcp.f32 v23  }
0x131: {  	v15 =	vld [tilespmem:s23+$0x11500];
	(erf) = vrcp.f32 v21;
	v8 =	vadd.f32 v9, v8;
	v9 =	vmul.f32 v13, v13  }
0x132: {  	vm2 =	vgt.s32 v22, $0x0;
	v13 =	vsub.f32 v16, v14;
	v10 =	vsub.f32 v18, v10  }
0x133: {  	v14 =	vshrl.u32 v5, $0x17;
	(erf) = vrcp.f32 v6;
	v8 =	vadd.f32 v9, v8  }
0x134: {  	v16 =	vand.u32 $0x7FFFFF, v20;
	v9 =	vshrl.u32 v6, $0x17;
	(erf) = vrcp.f32 v5;
	v5 =	vmovc v20  }
0x135: {  	v19 =	vadd.f32 $9.999999970e-07, v19;
	v18 =	vadd.f32 $9.999999970e-07, v12;
	v12 =	vpop (erf);
	v8 =	vnsel vm2, $0x0, v8  }
0x136: {  	v2 =	vadd.f32 $-1.000000000e+00, v2;
	v20 =	vand.u32 $0x7FFFFF, v15;
	v1 =	vadd.f32 v8, v1;
	v6 =	vmovc v15  }
0x137: {  	v21 =	vand.u32 $0xFF, v14;
	v15 =	vadd.f32 $-1.000000000e+00, v17;
	v17 =	vand.u32 $0xFF, v9;
	v14 =	vpop (erf)  }
0x138: {  	v8 =	vmul.f32 $1.000000000e+01, v13;
	v23 =	vmul.f32 v12, v2;
	v2 =	vadd.f32 $-1.000000000e+00, v7  }
0x139: {  	v9 =	vmul.f32 $1.000000000e+01, v10;
	v10 =	vadd.f32 $-1.000000000e+00, v11;
	v12 =	vmul.f32 v14, v15;
	v11 =	vpop (erf)  }
0x13a: {  	v7 =	vor.u32 $0x3F800000, v16;
	v22 =	vmul.f32 v23, v23;
	v13 =	vmul.f32 v11, v2;
	v11 =	vpop (erf)  }
0x13b: {  	v2 =	vor.u32 $0x3F800000, v20;
	v20 =	vmul.f32 v12, v12;
	v14 =	vmul.f32 v11, v10  }
0x13c: {  	v21 =	vadd.s32 $0xFFFFFF81, v21;
	v10 =	vmul.f32 $1.428571490e-01, v22;
	v24 =	vmul.f32 v13, v13;
	v15 =	vpop (erf)  }
0x13d: {  	v25 =	vadd.s32 $0xFFFFFF81, v17;
	v11 =	vmul.f32 $1.428571490e-01, v20;
	v26 =	vmul.f32 v14, v14;
	v16 =	vpop (erf)  }
0x13e: {  	v27 =	vshrl.u32 v4, $0x17;
	v4 =	vmovc v19;
	v17 =	vadd.f32 $2.000000030e-01, v10;
	v28 =	vmul.f32 $1.428571490e-01, v24  }
0x13f: {  	v19 =	vshrl.u32 v3, $0x17;
	v3 =	vmovc v18;
	v29 =	vadd.f32 $2.000000030e-01, v11;
	v30 =	vmul.f32 $1.428571490e-01, v26  }
0x140: {  	v10 =	vadd.f32 $1.000000000e+00, v2;
	v17 =	vmul.f32 v17, v22;
	v18 =	vadd.f32 $2.000000030e-01, v28  }
0x141: {  	v11 =	vand.u32 $0x7FFFFF, v4;
	v28 =	vmul.f32 v29, v20;
	v29 =	vadd.f32 $2.000000030e-01, v30  }
0x142: {  	v30 =	vadd.f32 $3.333333430e-01, v17;
	v17 =	vcvt.s32.f32 v21;
	v18 =	vmul.f32 v18, v24  }
0x143: {  	v25 =	vcvt.s32.f32 v25;
	v21 =	vadd.f32 $3.333333430e-01, v28;
	v28 =	vmul.f32 v29, v26  }
.Ltmp1:
0x144: {  	v27 =	vand.u32 $0xFF, v27;
	v22 =	vmul.f32 v30, v22;
	v29 =	vadd.f32 $3.333333430e-01, v18;
	(pc) =	sbr.rel @p0 .LBB2_4-.Ltmp1, $4  }
0x145: {  	v19 =	vand.u32 $0xFF, v19;
	v21 =	vmul.f32 v21, v20;
	v28 =	vadd.f32 $3.333333430e-01, v28  }
0x146: {  	v18 =	vadd.s32 $0xFFFFFF81, v27;
	v30 =	vadd.f32 $1.000000000e+00, v22;
	v24 =	vmul.f32 v29, v24  }
0x147: {  	v20 =	vadd.s32 $0xFFFFFF81, v19;
	v22 =	vadd.f32 $1.000000000e+00, v21;
	v21 =	vmul.f32 v28, v26  }
0x148: {  	s25 =	sadd.s32 $0x10, s25;
	v19 =	vmul.f32 $6.931471820e-01, v25;
	v23 =	vmul.f32 v30, v23;
	v24 =	vadd.f32 $1.000000000e+00, v24  }
0x149: {  	v12 =	vmul.f32 v22, v12;
	v20 =	vcvt.s32.f32 v20;
	v21 =	vadd.f32 $1.000000000e+00, v21  }
0x14a: {  	v18 =	vcvt.s32.f32 v18;
	v17 =	vmul.f32 $6.931471820e-01, v17;
	v32 =	vand.u32 $0x7FFFFF, v3  }
0x14b: {  	v8 =	vmul.f32 v15, v8;
	v9 =	vmul.f32 v16, v9;
	v11 =	vor.u32 $0x3F800000, v11  }
0x14c: {  	(erf) = vrcp.f32 v10;
	v38 =	vadd.f32 $1.000000000e+00, v7;
	v46 =	vadd.f32 $-1.000000000e+00, v2  }
0x14d: {  	v30 =	vld [tilespmem:s24+$0x0];
	v48 =	vshrl.u32 v5, $0x17;
	v52 =	vadd.f32 $-1.000000000e+00, v7;
	v57 =	vshrl.u32 v6, $0x17  }
0x14e: {  	v31 =	vld [tilespmem:s24+$0x80];
	v29 =	vadd.f32 v23, v23;
	v13 =	vmul.f32 v24, v13;
	v34 =	vor.u32 $0x3F800000, v32  }
0x14f: {  	v37 =	vld [tilespmem:s23+$0x8A00];
	v40 =	vadd.f32 $1.000000000e+00, v11;
	v55 =	vadd.f32 $-1.000000000e+00, v11;
	v60 =	vand.u32 $0xFF, v48  }
0x150: {  	v41 =	vld [tilespmem:s23+$0x11400];
	v20 =	vmul.f32 $6.931471820e-01, v20;
	v12 =	vadd.f32 v12, v12;
	v14 =	vmul.f32 v21, v14  }
0x151: {  	v18 =	vmul.f32 $6.931471820e-01, v18;
	v35 =	vadd.f32 $1.000000000e+00, v34;
	v16 =	vadd.f32 $-1.000000000e+00, v34  }
0x152: {  	v32 =	vld.msk [tilespmem:$0x11310], $0xfff;
	v28 =	vadd.s32 $0xFFFFFF81, v60;
	v19 =	vadd.f32 v29, v19;
	v13 =	vadd.f32 v13, v13  }
0x153: {  	v39 =	vld [tilespmem:s23+$0x8A80];
	v12 =	vadd.f32 v12, v20;
	v14 =	vadd.f32 v14, v14;
	(erf) = vrcp.f32 v35  }
0x154: {  	v42 =	vld [tilespmem:s23+$0x11480];
	v35 =	vshrl.u32 v3, $0x17;
	v13 =	vadd.f32 v13, v17;
	v8 =	vsub.f32 v30, v8  }
0x155: {  	v9 =	vsub.f32 v31, v9;
	(erf) = vrcp.f32 v38;
	v10 =	vsub.f32 v37, v41  }
0x156: {  	v24 =	vand.u32 $0xFF, v35;
	v12 =	vsub.f32 v12, v19;
	v14 =	vadd.f32 v14, v18  }
0x157: {  	v33 =	vld [tilespmem:s24+$0x100];
	(erf) = vrcp.f32 v40;
	v19 =	vcvt.s32.f32 v28;
	v22 =	vadd.f32 $9.999999970e-07, v32  }
0x158: {  	v24 =	vadd.s32 $0xFFFFFF81, v24;
	v8 =	vmul.f32 v8, v8;
	v9 =	vmul.f32 v9, v9  }
0x159: {  	v47 =	vsub.f32 v39, v42;
	v54 =	vmul.f32 $1.000000000e+01, v10;
	v41 =	vcvt.s32.f32 v24  }
0x15a: {  	v36 =	vld [tilespmem:s24+$0x180];
	v12 =	vmul.f32 $5.000000000e+00, v12;
	v13 =	vsub.f32 v14, v13;
	v27 =	vand.u32 $0x7FFFFF, v22  }
0x15b: {  	v19 =	vmul.f32 $6.931471820e-01, v19;
	v8 =	vadd.f32 v9, v8;
	v49 =	vpop (erf);
	(erf) = vrcp.f32 v6  }
0x15c: {  	v6 =	vand.u32 $0xFF, v57;
	v12 =	vsub.f32 v33, v12;
	v13 =	vmul.f32 $5.000000000e+00, v13  }
0x15d: {  	v30 =	vld [tilespmem:$0x11300];
	v51 =	vmul.f32 v49, v46;
	v6 =	vadd.s32 $0xFFFFFF81, v6;
	v33 =	vshrl.u32 v4, $0x17  }
0x15e: {  	v6 =	vcvt.s32.f32 v6;
	v23 =	vand.u32 $0xFF, v33;
	v43 =	vmul.f32 v12, v12  }
0x15f: {  	v44 =	vsub.f32 v36, v13;
	v15 =	vmul.f32 v51, v51;
	v13 =	vmul.f32 $1.000000000e+01, v47  }
0x160: {  	v12 =	vld [tilespmem:$0x19D00];
	v23 =	vadd.s32 $0xFFFFFF81, v23;
	v50 =	vpop (erf);
	(erf) = vrcp.f32 v5;
	v6 =	vmul.f32 $6.931471820e-01, v6  }
0x161: {  	v38 =	vor.u32 $0x3F800000, v27;
	v23 =	vcvt.s32.f32 v23;
	v45 =	vmul.f32 v44, v44  }
0x162: {  	v20 =	vadd.f32 $9.999999970e-07, v30;
	v53 =	vmul.f32 v50, v16;
	v56 =	vpop (erf);
	v59 =	vmul.f32 $1.428571490e-01, v15  }
0x163: {  	v27 =	vadd.f32 $1.000000000e+00, v38;
	v11 =	vmul.f32 v56, v52;
	v58 =	vpop (erf);
	v23 =	vmul.f32 $6.931471820e-01, v23  }
0x164: {  	v8 =	vadd.f32 v43, v8;
	v16 =	vmul.f32 v53, v53;
	v10 =	vmul.f32 v58, v55  }
0x165: {  	v5 =	vadd.f32 $2.000000030e-01, v59;
	v61 =	vmul.f32 v11, v11;
	(erf) = vrcp.f32 v12  }
0x166: {  	v37 =	vand.u32 $0x7FFFFF, v20;
	v62 =	vmul.f32 $1.428571490e-01, v16;
	v63 =	vmul.f32 v10, v10  }
0x167: {  	v4 =	vld.msk [tilespmem:$0x19D90], $0xfff;
	v2 =	vadd.f32 v45, v8;
	v5 =	vmul.f32 v5, v15;
	v39 =	vpop (erf);
	v29 =	vmul.f32 $1.428571490e-01, v61  }
0x168: {  	v8 =	vmul.f32 v39, v54;
	v17 =	vadd.f32 $2.000000030e-01, v62;
	v31 =	vmul.f32 $1.428571490e-01, v63  }
0x169: {  	v43 =	vld [tilespmem:s23+$0x80];
	v25 =	vadd.f32 $3.333333430e-01, v5;
	v62 =	vand.u32 $0x7FFFFF, v12;
	v12 =	vshrl.u32 v12, $0x17  }
0x16a: {  	v39 =	vshrl.u32 v22, $0x17;
	v5 =	vld.msk [tilespmem:$0x19D10], $0xfff;
	v34 =	vadd.f32 $2.000000030e-01, v29;
	v12 =	vand.u32 $0xFF, v12  }
0x16b: {  	v17 =	vmul.f32 v17, v16;
	v21 =	vadd.f32 $2.000000030e-01, v31;
	v15 =	vmul.f32 v25, v15  }
0x16c: {  	v3 =	vld [tilespmem:$0x19D80];
	v40 =	vpop (erf);
	v31 =	vand.u32 $0x7FFFFF, v4;
	v12 =	vadd.s32 $0xFFFFFF81, v12;
	v26 =	vmul.f32 v34, v61  }
0x16d: {  	v42 =	vld [tilespmem:s23+$0x0];
	v13 =	vmul.f32 v40, v13;
	v12 =	vcvt.s32.f32 v12;
	v17 =	vadd.f32 $3.333333430e-01, v17  }
0x16e: {  	v47 =	vld [tilespmem:$0x11200];
	v21 =	vmul.f32 v21, v63;
	v15 =	vadd.f32 $1.000000000e+00, v15;
	v36 =	vadd.f32 $3.333333430e-01, v26  }
0x16f: {  	v29 =	vld [tilespmem:$0x19C00];
	(erf) = vrcp.f32 v5;
	v26 =	vor.u32 $0x3F800000, v37;
	v13 =	vsub.f32 v43, v13  }
0x170: {  	v37 =	vshrl.u32 v20, $0x17;
	v40 =	vand.u32 $0x7FFFFF, v5;
	v12 =	vmul.f32 $6.931471820e-01, v12  }
0x171: {  	v5 =	vshrl.u32 v5, $0x17;
	(erf) = vrcp.f32 v3;
	v28 =	vadd.f32 $1.000000000e+00, v26  }
0x172: {  	v16 =	vmul.f32 v17, v16;
	v21 =	vadd.f32 $3.333333430e-01, v21;
	v26 =	vadd.f32 $-1.000000000e+00, v26  }
0x173: {  	v9 =	vmul.f32 v15, v51;
	v17 =	vadd.f32 $-1.000000000e+00, v38;
	v15 =	vsub.f32 v42, v8  }
0x174: {  	v55 =	vsub.f32 v47, v29;
	v5 =	vand.u32 $0xFF, v5;
	(erf) = vrcp.f32 v4  }
0x175: {  	v14 =	vmul.f32 v36, v61;
	v5 =	vadd.s32 $0xFFFFFF81, v5;
	v13 =	vmul.f32 v13, v13  }
0x176: {  	v4 =	vshrl.u32 v4, $0x17;
	(erf) = vrcp.f32 v28;
	v16 =	vadd.f32 $1.000000000e+00, v16  }
0x177: {  	v18 =	vmul.f32 v21, v63;
	v9 =	vadd.f32 v9, v9;
	v63 =	vor.u32 $0x3F800000, v62  }
0x178: {  	v60 =	vld [tilespmem:$0x19C80];
	v21 =	vand.u32 $0xFF, v39;
	v15 =	vmul.f32 v15, v15;
	v5 =	vcvt.s32.f32 v5  }
0x179: {  	v59 =	vld [tilespmem:$0x11280];
	v4 =	vand.u32 $0xFF, v4;
	v14 =	vadd.f32 $1.000000000e+00, v14;
	v7 =	vmul.f32 v16, v53  }
0x17a: {  	(erf) = vrcp.f32 v27;
	v33 =	vadd.f32 $1.000000000e+00, v63;
	v43 =	vadd.f32 $-1.000000000e+00, v63  }
0x17b: {  	v21 =	vadd.s32 $0xFFFFFF81, v21;
	v4 =	vadd.s32 $0xFFFFFF81, v4;
	v7 =	vadd.f32 v7, v7  }
0x17c: {  	v44 =	vpop (erf);
	v18 =	vadd.f32 $1.000000000e+00, v18;
	v16 =	vmul.f32 $6.931471820e-01, v41;
	v9 =	vadd.f32 v9, v6  }
0x17d: {  	v48 =	vld.msk [tilespmem:$0x11210], $0xfff;
	v41 =	vor.u32 $0x3F800000, v40;
	v21 =	vcvt.s32.f32 v21;
	v5 =	vmul.f32 $6.931471820e-01, v5;
	v46 =	vpop (erf)  }
0x17e: {  	v49 =	vld.msk [tilespmem:$0x19C10], $0xfff;
	v4 =	vcvt.s32.f32 v4;
	v11 =	vmul.f32 v14, v11;
	v14 =	vsub.f32 v59, v60;
	v6 =	vpop (erf)  }
0x17f: {  	v22 =	vadd.f32 $1.000000000e+00, v41;
	v10 =	vmul.f32 v18, v10;
	v16 =	vadd.f32 v7, v16;
	v7 =	vpop (erf)  }
0x180: {  	v21 =	vmul.f32 $6.931471820e-01, v21;
	v4 =	vmul.f32 $6.931471820e-01, v4;
	v11 =	vadd.f32 v11, v11;
	v30 =	vpop (erf)  }
0x181: {  	v34 =	vld [tilespmem:$0x11380];
	v20 =	vadd.f32 $-1.000000000e+00, v41;
	v14 =	vmul.f32 $1.000000000e+01, v14;
	v26 =	vmul.f32 v30, v26  }
0x182: {  	v10 =	vadd.f32 v10, v10;
	(erf) = vrcp.f32 v33;
	v11 =	vadd.f32 v11, v19  }
0x183: {  	v19 =	vsub.f32 v48, v49;
	(erf) = vrcp.f32 v22;
	v50 =	vpop (erf);
	v52 =	vmul.f32 v26, v26  }
0x184: {  	v9 =	vsub.f32 v16, v9;
	v6 =	vmul.f32 v6, v14;
	v16 =	vmul.f32 v50, v17  }
0x185: {  	v10 =	vadd.f32 v10, v23;
	v19 =	vmul.f32 $1.000000000e+01, v19;
	v58 =	vmul.f32 $1.428571490e-01, v52  }
0x186: {  	v23 =	vadd.f32 $9.999999970e-07, v34;
	v53 =	vmul.f32 $5.000000000e+00, v9;
	v57 =	vmul.f32 v16, v16  }
0x187: {  	v45 =	vld [tilespmem:s23+$0x100];
	v10 =	vsub.f32 v10, v11;
	v9 =	vmul.f32 $1.000000000e+01, v55;
	v24 =	vadd.f32 $2.000000030e-01, v58  }
0x188: {  	v42 =	vand.u32 $0x7FFFFF, v23;
	v23 =	vshrl.u32 v23, $0x17;
	v61 =	vmul.f32 $1.428571490e-01, v57  }
0x189: {  	v36 =	vld.msk [tilespmem:$0x11390], $0xfff;
	v19 =	vmul.f32 v46, v19;
	v22 =	vor.u32 $0x3F800000, v42;
	v24 =	vmul.f32 v24, v52  }
0x18a: {  	v46 =	vand.u32 $0x7FFFFF, v3;
	v23 =	vand.u32 $0xFF, v23;
	v29 =	vadd.f32 $2.000000030e-01, v61  }
0x18b: {  	v3 =	vshrl.u32 v3, $0x17;
	v10 =	vmul.f32 $5.000000000e+00, v10;
	v24 =	vadd.f32 $3.333333430e-01, v24  }
0x18c: {  	v56 =	vld.msk [tilespmem:$0x8810], $0xfff;
	v8 =	vsub.f32 v45, v53;
	v25 =	vmul.f32 v44, v9;
	v35 =	vmul.f32 v29, v57  }
0x18d: {  	v45 =	vadd.f32 $1.000000000e+00, v22;
	v28 =	vor.u32 $0x3F800000, v46;
	v17 =	vmul.f32 v24, v52  }
0x18e: {  	v53 =	vor.u32 $0x3F800000, v31;
	v38 =	vadd.f32 $3.333333430e-01, v35;
	v24 =	vadd.f32 $9.999999970e-07, v36  }
0x18f: {  	v22 =	vadd.f32 $-1.000000000e+00, v22;
	v23 =	vadd.s32 $0xFFFFFF81, v23;
	v17 =	vadd.f32 $1.000000000e+00, v17  }
0x190: {  	(erf) = vrcp.f32 v45;
	v18 =	vmul.f32 v38, v57;
	v44 =	vand.u32 $0x7FFFFF, v24  }
0x191: {  	v51 =	vld [tilespmem:s23+$0x180];
	v11 =	vsub.f32 v56, v19;
	v17 =	vmul.f32 v17, v26;
	v26 =	vor.u32 $0x3F800000, v44  }
0x192: {  	v3 =	vand.u32 $0xFF, v3;
	v18 =	vadd.f32 $1.000000000e+00, v18;
	v48 =	vadd.f32 $1.000000000e+00, v26  }
0x193: {  	v19 =	vand.u32 $0xFF, v37;
	v49 =	vadd.f32 $1.000000000e+00, v28;
	v23 =	vcvt.s32.f32 v23  }
0x194: {  	v54 =	vld [tilespmem:$0x8800];
	v32 =	vadd.f32 $1.000000000e+00, v53;
	v47 =	vpop (erf);
	v16 =	vmul.f32 v18, v16;
	(erf) = vrcp.f32 v48  }
0x195: {  	v3 =	vadd.s32 $0xFFFFFF81, v3;
	v18 =	vmul.f32 v47, v43;
	(erf) = vrcp.f32 v49  }
0x196: {  	v50 =	vld.msk [tilespmem:$0x11290], $0xfff;
	v9 =	vsub.f32 v51, v10;
	v3 =	vcvt.s32.f32 v3;
	v33 =	vpop (erf);
	(erf) = vrcp.f32 v32  }
0x197: {  	v19 =	vadd.s32 $0xFFFFFF81, v19;
	v51 =	vld.msk [tilespmem:$0x19C90], $0xfff;
	v20 =	vmul.f32 v33, v20;
	v52 =	vmul.f32 v18, v18  }
0x198: {  	v28 =	vadd.f32 $-1.000000000e+00, v28;
	v19 =	vcvt.s32.f32 v19;
	v23 =	vmul.f32 $6.931471820e-01, v23  }
0x199: {  	v10 =	vsub.f32 v54, v25;
	v55 =	vmul.f32 v20, v20;
	v57 =	vpop (erf);
	v54 =	vmul.f32 $1.428571490e-01, v52  }
0x19a: {  	v25 =	vadd.f32 $-1.000000000e+00, v53;
	v11 =	vmul.f32 v11, v11;
	v22 =	vmul.f32 v57, v22  }
0x19b: {  	v19 =	vmul.f32 $6.931471820e-01, v19;
	v58 =	vmul.f32 $1.428571490e-01, v55;
	v31 =	vadd.f32 $2.000000030e-01, v54  }
0x19c: {  	v27 =	vsub.f32 v50, v51;
	v61 =	vmul.f32 v22, v22;
	v16 =	vadd.f32 v16, v16  }
0x19d: {  	v26 =	vadd.f32 $-1.000000000e+00, v26;
	v56 =	vmul.f32 v31, v52;
	v31 =	vadd.f32 $2.000000030e-01, v58;
	v59 =	vpop (erf)  }
0x19e: {  	v53 =	vmul.f32 $1.000000000e+01, v27;
	v36 =	vmul.f32 $1.428571490e-01, v61;
	v16 =	vadd.f32 v16, v21;
	v60 =	vpop (erf)  }
0x19f: {  	v21 =	vadd.f32 $3.333333430e-01, v56;
	v31 =	vmul.f32 v31, v55;
	v26 =	vmul.f32 v59, v26;
	v35 =	vpop (erf)  }
0x1a0: {  	v17 =	vadd.f32 v17, v17;
	v28 =	vmul.f32 v60, v28;
	v25 =	vmul.f32 v35, v25  }
0x1a1: {  	v24 =	vshrl.u32 v24, $0x17;
	v21 =	vmul.f32 v21, v52;
	v62 =	vmul.f32 v26, v26  }
0x1a2: {  	v17 =	vadd.f32 v17, v19;
	v63 =	vmul.f32 v28, v28;
	v40 =	vmul.f32 v25, v25  }
0x1a3: {  	v31 =	vadd.f32 $3.333333430e-01, v31;
	v21 =	vadd.f32 $1.000000000e+00, v21;
	v34 =	vmul.f32 $1.428571490e-01, v62  }
0x1a4: {  	v38 =	vadd.f32 $2.000000030e-01, v36;
	v37 =	vmul.f32 $1.428571490e-01, v63;
	v36 =	vmul.f32 $1.428571490e-01, v40  }
0x1a5: {  	v19 =	vmul.f32 v31, v55;
	v18 =	vmul.f32 v21, v18;
	v39 =	vadd.f32 $2.000000030e-01, v34  }
0x1a6: {  	v21 =	vmul.f32 v38, v61;
	v35 =	vadd.f32 $2.000000030e-01, v37;
	v41 =	vadd.f32 $2.000000030e-01, v36  }
0x1a7: {  	v24 =	vand.u32 $0xFF, v24;
	v19 =	vadd.f32 $1.000000000e+00, v19;
	v33 =	vmul.f32 v39, v62  }
0x1a8: {  	v21 =	vadd.f32 $3.333333430e-01, v21;
	v35 =	vmul.f32 v35, v63;
	v45 =	vmul.f32 v41, v40  }
0x1a9: {  	v18 =	vadd.f32 v18, v18;
	v19 =	vmul.f32 v19, v20;
	v33 =	vadd.f32 $3.333333430e-01, v33  }
0x1aa: {  	v42 =	vmul.f32 v21, v61;
	v35 =	vadd.f32 $3.333333430e-01, v35;
	v46 =	vadd.f32 $3.333333430e-01, v45  }
0x1ab: {  	v12 =	vadd.f32 v18, v12;
	v19 =	vadd.f32 v19, v19;
	v43 =	vmul.f32 v33, v62  }
0x1ac: {  	v18 =	vadd.f32 $1.000000000e+00, v42;
	v44 =	vmul.f32 v35, v63;
	v20 =	vmul.f32 v46, v40  }
0x1ad: {  	v24 =	vadd.s32 $0xFFFFFF81, v24;
	v5 =	vadd.f32 v19, v5;
	v21 =	vadd.f32 $1.000000000e+00, v43  }
0x1ae: {  	v24 =	vcvt.s32.f32 v24;
	v29 =	vadd.f32 $1.000000000e+00, v44;
	v20 =	vadd.f32 $1.000000000e+00, v20  }
0x1af: {  	v50 =	vld [tilespmem:$0x8880];
	v12 =	vsub.f32 v17, v12;
	v18 =	vmul.f32 v18, v22;
	v21 =	vmul.f32 v21, v26  }
0x1b0: {  	v51 =	vld.msk [tilespmem:$0x8890], $0xfff;
	v5 =	vsub.f32 v16, v5;
	v47 =	vmul.f32 v29, v28;
	v48 =	vmul.f32 v20, v25  }
0x1b1: {  	v24 =	vmul.f32 $6.931471820e-01, v24;
	v18 =	vadd.f32 v18, v18;
	v49 =	vadd.f32 v21, v21  }
0x1b2: {  	v3 =	vmul.f32 $6.931471820e-01, v3;
	v52 =	vld [tilespmem:$0x8900];
	v22 =	vadd.f32 v47, v47;
	v19 =	vadd.f32 v48, v48  }
0x1b3: {  	v7 =	vmul.f32 v7, v53;
	v54 =	vld.msk [tilespmem:$0x8910], $0xfff;
	v18 =	vadd.f32 v18, v23;
	v20 =	vadd.f32 v49, v24  }
0x1b4: {  	v10 =	vmul.f32 v10, v10;
	v56 =	vld.msk [tilespmem:$0x8990], $0xfff;
	v3 =	vadd.f32 v22, v3;
	v4 =	vadd.f32 v19, v4  }
0x1b5: {  	v6 =	vsub.f32 v50, v6;
	v7 =	vsub.f32 v51, v7;
	v55 =	vld [tilespmem:$0x8980];
	v12 =	vmul.f32 $5.000000000e+00, v12  }
0x1b6: {  	v5 =	vmul.f32 $5.000000000e+00, v5;
	v3 =	vsub.f32 v18, v3;
	v4 =	vsub.f32 v20, v4  }
0x1b7: {  	s21 =	sshra.s32 s21, $0x2;
	v6 =	vmul.f32 v6, v6;
	v7 =	vmul.f32 v7, v7;
	v12 =	vsub.f32 v52, v12  }
0x1b8: {  	v57 =	vld [tilespmem:s21+$0x19E00];
	v5 =	vsub.f32 v54, v5;
	v3 =	vmul.f32 $5.000000000e+00, v3;
	v4 =	vmul.f32 $5.000000000e+00, v4  }
0x1b9: {  	v6 =	vadd.f32 v6, v10;
	v7 =	vadd.f32 v7, v11;
	v58 =	vmul.f32 v12, v12  }
0x1ba: {  	s31 =	sshra.s32 s22, $0x2;
	v5 =	vmul.f32 v5, v5;
	v3 =	vsub.f32 v55, v3;
	v4 =	vsub.f32 v56, v4  }
0x1bb: {  	v8 =	vmul.f32 v8, v8;
	v59 =	vld [tilespmem:s31+$0x19E00];
	v60 =	vadd.f32 v13, v15;
	v6 =	vadd.f32 v58, v6  }
0x1bc: {  	v61 =	vld [tilespmem:$0x1C00C];
	v5 =	vadd.f32 v5, v7;
	v3 =	vmul.f32 v3, v3;
	v4 =	vmul.f32 v4, v4  }
0x1bd: {  	vm2 =	vgt.s32 v57, $0x0;
	v62 =	vadd.f32 v8, v60;
	v63 =	vmul.f32 v9, v9  }
0x1be: {  	v2 =	vnsel vm2, $0x0, v2;
	v3 =	vadd.f32 v3, v6;
	v4 =	vadd.f32 v4, v5  }
0x1bf: {  	v1 =	vadd.f32 v2, v1;
	v2 =	vadd.f32 v63, v62  }
0x1c0: {  	vm2 =	vgt.s32 v59, $0x0;
	v3 =	vperm.xlane v3, v0;
	v4 =	vperm.xlane v4, v0  }
0x1c1: {  	v2 =	vnsel vm2, $0x0, v2;
	vm2 =	vgt.s32 v61, $0x0  }
0x1c2: {  	v1 =	vadd.f32 v2, v1;
	vm2 =	vmand vm2, vm1;
	v2 =	vsel vm0, v3, v4  }
0x1c3: {  	v2 =	vnsel vm2, $0x0, v2  }
0x1c4: {  	s20 =	sadd.s32 $0x1, s20;
	v1 =	vadd.f32 v2, v1  }
0x1c5: {  	p0 =	sne.s32 s20, s12  }
.Ltmp2:
0x1c6: {  	[tilespmem:$0x1C080] =	vst v1;
	(pc) =	sbr.rel @p0 .LBB2_1-.Ltmp2, $4  }
0x1c7: {  	[hbm4b:s11+s3] =	stream.linear.scatter [tilespmem:s19], [sflag:$0x1], $0x80, $0x38;
	[tilespmem:$0x1C100] =	vst v63  }
0x1c8: {  	_ =	swait.ge [sflag:s14], $0x80  }
0x1c9: {  	[sflag:s14] =	ssyncset.done $0x0  }
0x1ca: {  	[sflag:s14] =	ssyncadd.s32 $0xFFFFFF80  }
0x1cb: {  	_ =	sfence.sel $0x180000  }
0x1cc: {  	[bflag:$0x0] =	sbarrier.arrive $0xFFFF  }
0x1cd: {  	p0 =	sne.s32 s2, $0x0;
	_ =	strace $0x90000047  }
0x1ce: {  	s0 =	sadd.s32 @!p0 $0x100000, s0;
	[bflag:$0x2] =	sbarrier.arrive $0xFFFF  }
0x1cf: {  	[sflag:s0] =	ssyncadd.tile.s32 @!p0 $0x1;
	_ =	shalt  }
.Lfunc_end2:
_tile_overlayer_lowered:
.L_overlay_start_2:
0x1d0: {  	(tag) =	ssettag $0x2  }
0x1d1: {  	s0 =	rddreg [dreg:$0x0];
	s2 =	stileid.u32  }
0x1d2: {  	s1 =	rddreg [dreg:$0x1];
	p0 =	sne.s32 s2, $0x0  }
0x1d3: {  	s3 =	rddreg [dreg:$0x2];
	[bflag:$0x3] =	sbarrier.arrive $0xFFFF;
	s2 =	simm.s32 @!p0 $0x1C01  }
0x1d4: {  	[timem:s3], [sflag:s2] =	dma.local @!p0 [hbm:s0], s1  }
0x1d5: {  	s0 =	simm.s32 @!p0 $0x1  }
0x1d6: {  	_ =	swait.ge @!p0 [sflag:s0], s1  }
0x1d7: {  	s1 =	ssub.s32 @!p0 $0x0, s1;
	[sflag:s0] =	ssyncset.done @!p0 $0x0  }
0x1d8: {  	[sflag:s0] =	ssyncadd.s32 @!p0 s1  }
0x1d9: {  	[bflag:$0x3] =	sbarrier.arrive $0xFFFF  }
0x1da: {  	_ =	shalt  }

</sc_bundles>
